<compile_context>
chip_gen: v7x
topology: tpu7x:2x2x1
jax: 0.10.2.dev20260603
libtpu: 0.0.44.dev20260713+nightly
codegen_flags: <defaults>
</compile_context>

<pallas_src>
import functools

import numpy as np
import jax
import jax.numpy as jnp
from jax import lax
from jax.experimental import pallas as pl
from jax.experimental.pallas import tpu as pltpu
from jax.experimental.pallas import tpu_sc as plsc

_NF = 26
_NFP = 32
_ED = 16
_FD = 260000
_B = 4096
_NP = (_NF * (_NF - 1)) // 2
_NPP = 336
_OFF = np.arange(_NF, dtype=np.int32) * 10000

_pairs = np.array([(f, g) for f in range(_NF - 1) for g in range(f + 1, _NF)],
                  dtype=np.int32)
_PF = _pairs[:, 0]
_PG = _pairs[:, 1]

_NW = 32
_RPS = _B // _NW
_RT = 4
_STEPS = _RPS // _RT
_IAB = _RT * 2 * _NPP
_CH = 128
_NCH = _IAB // _CH
_IE = _RT * _NFP


def _static_tables():
    col1 = np.zeros(2 * _NPP, np.int32)
    add1 = np.zeros(2 * _NPP, np.int32)
    col1[0:650:2] = _PG
    add1[0:650:2] = _OFF[_PG] + _PF * _FD
    col1[1:650:2] = _PF
    add1[1:650:2] = _OFF[_PF] + _PG * _FD
    cols = np.concatenate([col1 + 32 * r for r in range(_RT)])
    adds = np.concatenate([add1 for _ in range(_RT)])
    offc = np.zeros(_NFP, np.int32)
    offc[:_NF] = _OFF
    offs = np.tile(offc, _RT)
    return jnp.asarray(cols), jnp.asarray(adds), jnp.asarray(offs)


def _sc_body(ffm_f, xp_h, cols_h, adds_h, offs_h, emb_h, lw16_h,
             inter_o, hrows_o, lwg_o,
             cols_v, adds_v, offs_v,
             xf_v, iab_v, ie_v, iq_v, buf_v, out_v, ebuf_v, lbuf_v,
             sem, sem2):
    nc = 2
    wid = lax.axis_index("s") * nc + lax.axis_index("c")
    pltpu.sync_copy(cols_h, cols_v)
    pltpu.sync_copy(adds_h, adds_v)
    pltpu.sync_copy(offs_h, offs_v)

    def step(t, carry):
        row0 = wid * _RPS + t * _RT
        x_off = pl.multiple_of(row0 * _NFP, _IE)
        pltpu.sync_copy(xp_h.at[pl.ds(x_off, _IE)], xf_v)

        def bld_ie(i, c2):
            s = pl.ds(pl.multiple_of(i * 16, 16), 16)
            xo = xf_v[s] + offs_v[s]
            ie_v[s] = xo
            iq_v[s] = xo >> 4
            return c2

        lax.fori_loop(0, _IE // 16, bld_ie, 0)

        def bld_iab(i, c2):
            s = pl.ds(pl.multiple_of(i * 16, 16), 16)
            iab_v[s] = plsc.load_gather(xf_v, [cols_v[s]]) + adds_v[s]
            return c2

        lax.fori_loop(0, _IAB // 16, bld_iab, 0)

        cps = []
        for c in range(_NCH):
            cps.append(pltpu.async_copy(
                ffm_f.at[iab_v.at[pl.ds(c * _CH, _CH)]],
                buf_v.at[pl.ds(c * _CH, _CH)], sem))
        cps.append(pltpu.async_copy(emb_h.at[ie_v], ebuf_v, sem2))
        cps.append(pltpu.async_copy(lw16_h.at[iq_v], lbuf_v, sem2))
        for cp in cps:
            cp.wait()

        for r in range(_RT):
            base_in = r * 2 * _NPP
            base_out = r * _NP * _ED

            def prod(i, c2, base_in=base_in, base_out=base_out):
                a = buf_v[base_in + 2 * i, :]
                b = buf_v[base_in + 2 * i + 1, :]
                o = pl.ds(pl.multiple_of(base_out + i * _ED, _ED), _ED)
                out_v[o] = a * b
                return c2

            lax.fori_loop(0, _NP, prod, 0)

        int_off = pl.multiple_of(row0 * _NP * _ED, _RT * _NP * _ED)
        pltpu.sync_copy(out_v, inter_o.at[pl.ds(int_off, _RT * _NP * _ED)])
        ie_off = pl.multiple_of(row0 * _NFP, _IE)
        pltpu.sync_copy(ebuf_v, hrows_o.at[pl.ds(ie_off, _IE)])
        pltpu.sync_copy(lbuf_v, lwg_o.at[pl.ds(ie_off, _IE)])
        return carry

    lax.fori_loop(0, _STEPS, step, 0)


_sc_call_cache = []


def _sc_call(*args):
    if not _sc_call_cache:
        _sc_call_cache.append(pl.kernel(
            _sc_body,
            out_type=[
                jax.ShapeDtypeStruct((_B * _NP * _ED,), jnp.float32),
                jax.ShapeDtypeStruct((_B * _NFP, _ED), jnp.float32),
                jax.ShapeDtypeStruct((_B * _NFP, _ED), jnp.float32),
            ],
            mesh=plsc.VectorSubcoreMesh(core_axis_name="c",
                                        subcore_axis_name="s"),
            compiler_params=pltpu.CompilerParams(use_tc_tiling_on_sc=False,
                                                 needs_layout_passes=False),
            scratch_types=[
                pltpu.VMEM((_IAB,), jnp.int32),
                pltpu.VMEM((_IAB,), jnp.int32),
                pltpu.VMEM((_IE,), jnp.int32),
                pltpu.VMEM((_IE,), jnp.int32),
                pltpu.VMEM((_IAB,), jnp.int32),
                pltpu.VMEM((_IE,), jnp.int32),
                pltpu.VMEM((_IE,), jnp.int32),
                pltpu.VMEM((_IAB, _ED), jnp.float32),
                pltpu.VMEM((_RT * _NP * _ED,), jnp.float32),
                pltpu.VMEM((_IE, _ED), jnp.float32),
                pltpu.VMEM((_IE, _ED), jnp.float32),
                pltpu.SemaphoreType.DMA,
                pltpu.SemaphoreType.DMA,
            ],
        ))
    return _sc_call_cache[0](*args)


_TW = 1536
_TJ = _FD // _TW
_TLAST = 384
_TUA = _NF * _TJ
_TT32 = 32


def _sct_body(fft2_h, tail_h, out_o, in0_v, in1_v, out0_v, out1_v,
              semi, semo):
    nc = 2
    wid = lax.axis_index("s") * nc + lax.axis_index("c")
    iot = lax.iota(jnp.int32, 16)
    inb = (in0_v, in1_v)
    outb = (out0_v, out1_v)

    def src_of(u):
        f = u // _TJ
        c0 = (u % _TJ) * _TW
        return fft2_h.at[pl.ds(pl.multiple_of(f * _ED, _ED), _ED),
                         pl.ds(pl.multiple_of(c0, _TW), _TW)]

    def dst_of(u):
        f = u // _TJ
        c0 = (u % _TJ) * _TW
        return out_o.at[pl.ds(pl.multiple_of((f * _FD + c0) * _ED, 512),
                              _TW * _ED)]

    def compute(iv, ov, width):
        def grp(g, c3):
            base = iot * 16 + g * 256
            rs = pl.ds(pl.multiple_of(g * 16, 16), 16)
            for e in range(_ED):
                v = iv[e, rs]
                plsc.store_scatter(ov, [base + e], v)
            return c3
        lax.fori_loop(0, width // 16, grp, 0)

    @pl.when(wid == 0)
    def _copy_tail():
        def tcp(f, c2):
            src = pl.multiple_of(f * (_ED * _TT32), _ED * _TT32)
            dst = pl.multiple_of((f * _FD + _TJ * _TW + _TLAST) * _ED, 512)
            pltpu.sync_copy(tail_h.at[pl.ds(src, _ED * _TT32)],
                            out_o.at[pl.ds(dst, _ED * _TT32)])
            return c2
        lax.fori_loop(0, _NF, tcp, 0)

    @pl.when(wid < _NF)
    def _phase_b():
        f = wid
        c0 = _TJ * _TW
        pltpu.sync_copy(
            fft2_h.at[pl.ds(pl.multiple_of(f * _ED, _ED), _ED),
                      pl.ds(pl.multiple_of(c0, _TW), _TLAST)],
            in0_v.at[:, pl.ds(0, _TLAST)])
        compute(in0_v, out0_v, _TLAST)
        dst = pl.multiple_of((f * _FD + c0) * _ED, 512)
        pltpu.sync_copy(out0_v.at[pl.ds(0, _TLAST * _ED)],
                        out_o.at[pl.ds(dst, _TLAST * _ED)])

    nloop = (_TUA + _NW - 1) // _NW

    def valid(u):
        return wid + u * _NW < _TUA

    def uidx(u):
        return wid + u * _NW

    @pl.when(valid(0))
    def _pro():
        pltpu.async_copy(src_of(uidx(0)), inb[0], semi)

    def body(i, carry):
        for b in range(2):
            u = i + b

            @pl.when(valid(u + 1))
            def _fire_in(u=u, b=b):
                pltpu.async_copy(src_of(uidx(u + 1)), inb[(b + 1) % 2], semi)

            @pl.when(jnp.logical_and(valid(u), u >= 2))
            def _drain_out(u=u, b=b):
                pltpu.make_async_copy(outb[b], dst_of(uidx(u - 2)),
                                      semo).wait()

            @pl.when(valid(u))
            def _work(u=u, b=b):
                pltpu.make_async_copy(src_of(uidx(u)), inb[b], semi).wait()
                compute(inb[b], outb[b], _TW)
                pltpu.async_copy(outb[b], dst_of(uidx(u)), semo)
        return carry

    lax.fori_loop(0, nloop // 2, lambda i, c: body(2 * i, c), 0)

    pltpu.make_async_copy(outb[0], dst_of(uidx(0)), semo).wait()
    pltpu.make_async_copy(outb[1], dst_of(uidx(0)), semo).wait()


_sct_call_cache = []


def _sct_call(fft2, tail):
    if not _sct_call_cache:
        _sct_call_cache.append(pl.kernel(
            _sct_body,
            out_type=jax.ShapeDtypeStruct((_NF * _FD * _ED,), jnp.float32),
            mesh=plsc.VectorSubcoreMesh(core_axis_name="c",
                                        subcore_axis_name="s"),
            compiler_params=pltpu.CompilerParams(use_tc_tiling_on_sc=True,
                                                 needs_layout_passes=False),
            scratch_types=[
                pltpu.VMEM((_ED, _TW), jnp.float32),
                pltpu.VMEM((_ED, _TW), jnp.float32),
                pltpu.VMEM((_TW * _ED,), jnp.float32),
                pltpu.VMEM((_TW * _ED,), jnp.float32),
                pltpu.SemaphoreType.DMA,
                pltpu.SemaphoreType.DMA,
            ],
        ))
    return _sct_call_cache[0](fft2, tail)


_BB = 512


def _tc_body(inter_r, h_r, lwr_r, oh_r, lb_r,
             w1_r, b1_r, s1_r, t1_r, w2_r, b2_r, s2_r, t2_r,
             wf1i_r, wf1d_r, bf1_r, sf1_r, tf1_r,
             wf2_r, bf2_r, sf2_r, tf2_r, wo_r, bo_r, out_r):
    dot = functools.partial(jnp.dot, preferred_element_type=jnp.float32)
    first = (jnp.sum(lwr_r[...] * oh_r[...], axis=1, keepdims=True)
             + lb_r[0, 0])
    d1 = jnp.maximum((dot(h_r[...], w1_r[...]) + b1_r[...]) * s1_r[...]
                     + t1_r[...], 0.0)
    d2 = jnp.maximum((dot(d1, w2_r[...]) + b2_r[...]) * s2_r[...]
                     + t2_r[...], 0.0)
    comb = jnp.concatenate([first, inter_r[...]], axis=1)
    u = dot(comb, wf1i_r[...]) + dot(d2, wf1d_r[...]) + bf1_r[...]
    h2 = jnp.maximum(u * sf1_r[...] + tf1_r[...], 0.0)
    h3 = jnp.maximum((dot(h2, wf2_r[...]) + bf2_r[...]) * sf2_r[...]
                     + tf2_r[...], 0.0)
    out_r[...] = dot(h3, wo_r[...]) + bo_r[...]


def _full(shape):
    return pl.BlockSpec(shape, lambda i: (0, 0))


_tc_call = pl.pallas_call(
    _tc_body,
    grid=(_B // _BB,),
    in_specs=[
        pl.BlockSpec((_BB, _NP * _ED), lambda i: (i, 0)),
        pl.BlockSpec((_BB, _NFP * _ED), lambda i: (i, 0)),
        pl.BlockSpec((_BB, _NFP * _ED), lambda i: (i, 0)),
        pl.BlockSpec((_BB, _NFP * _ED), lambda i: (i, 0)),
        _full((1, 1)),
        _full((_NFP * _ED, 64)), _full((1, 64)), _full((1, 64)), _full((1, 64)),
        _full((64, 64)), _full((1, 64)), _full((1, 64)), _full((1, 64)),
        _full((1 + _NP * _ED, 64)), _full((64, 64)), _full((1, 64)),
        _full((1, 64)), _full((1, 64)),
        _full((64, 32)), _full((1, 32)), _full((1, 32)), _full((1, 32)),
        _full((32, 1)), _full((1, 1)),
    ],
    out_specs=pl.BlockSpec((_BB, 1), lambda i: (i, 0)),
    out_shape=jax.ShapeDtypeStruct((_B, 1), jnp.float32),
)


def _bn_affine(g, be, m, v):
    s = g / jnp.sqrt(v + 1e-5)
    return s[None, :], (be - m * s)[None, :]


def kernel(x, linear_w, linear_b, emb, ffm,
           W1, b1, g1, be1, m1, v1, W2, b2, g2, be2, m2, v2,
           Wf1, bf1, gf1, bef1, mf1, vf1, Wf2, bf2, gf2, bef2, mf2, vf2,
           Wout, bout):
    xp = jnp.pad(x, ((0, 0), (0, _NFP - _NF))).reshape(-1)
    xo = x + jnp.asarray(_OFF, dtype=x.dtype)[None, :]
    ohsmall = (jnp.arange(_ED, dtype=x.dtype)[None, None, :]
               == (xo % _ED)[:, :, None]).astype(jnp.float32)
    oh = jnp.pad(ohsmall, ((0, 0), (0, _NFP - _NF), (0, 0)))
    oh = oh.reshape(_B, _NFP * _ED)
    cols, adds, offs = _static_tables()
    fft2 = jnp.swapaxes(ffm, 1, 2).reshape(_NF * _ED, _FD)
    tail1d = ffm[:, _TJ * _TW + _TLAST:, :].reshape(-1)
    ffm_f = _sct_call(fft2, tail1d).reshape(_NF * _FD, _ED)
    lw16 = linear_w.reshape(_FD // _ED, _ED)

    inter_f, hrows, lwrows = _sc_call(ffm_f, xp, cols, adds, offs,
                                      emb, lw16)

    s1, t1 = _bn_affine(g1, be1, m1, v1)
    s2, t2 = _bn_affine(g2, be2, m2, v2)
    sf1, tf1 = _bn_affine(gf1, bef1, mf1, vf1)
    sf2, tf2 = _bn_affine(gf2, bef2, mf2, vf2)
    W1a = jnp.pad(W1.reshape(_NF, _ED, 64),
                  ((0, _NFP - _NF), (0, 0), (0, 0))).reshape(_NFP * _ED, 64)

    out2d = _tc_call(
        inter_f.reshape(_B, _NP * _ED),
        hrows.reshape(_B, _NFP * _ED),
        lwrows.reshape(_B, _NFP * _ED),
        oh,
        linear_b.reshape(1, 1),
        W1a, b1.reshape(1, 64), s1, t1,
        W2, b2.reshape(1, 64), s2, t2,
        Wf1[0:1 + _NP * _ED, :], Wf1[1 + _NP * _ED:, :], bf1.reshape(1, 64),
        sf1, tf1,
        Wf2, bf2.reshape(1, 32), sf2, tf2, Wout, bout.reshape(1, 1),
    )
    return out2d[:, 0]

# --- scband reference (transcript-rebuilt; emitter-appended) ---
"""Pipeline reference for scband-deep-ffm-59416577572931 (READ-ONLY COPY).

The authoritative reference and input builder live on the scoring server;
editing this copy changes nothing except your own understanding.
"""

import jax, jax.numpy as jnp
import numpy as np

FIELD_DIMS = [10000] * 26
NUM_FIELDS = len(FIELD_DIMS)
EMBED_DIM = 16
FEATURE_DIM = sum(FIELD_DIMS)
OFFSETS = np.concatenate([[0], np.cumsum(FIELD_DIMS)[:-1]]).astype(np.int32)
MLP_DIMS = [64, 64]
BATCH = 4096

def _xavier(k, shape):
    limit = float(np.sqrt(6.0 / (shape[-2] + shape[-1])))
    return jax.random.uniform(k, shape, minval=-limit, maxval=limit, dtype=jnp.float32)

def setup_inputs(seed: int = 0):
    key = jax.random.key(seed)
    ks = jax.random.split(key, 16)
    inp = {}
    inp['x'] = jax.random.randint(ks[0], (BATCH, NUM_FIELDS), 0, FIELD_DIMS[0], dtype=jnp.int32)
    inp['linear_w'] = _xavier(ks[1], (FEATURE_DIM, 1))
    inp['linear_b'] = jnp.zeros((1,), jnp.float32)
    inp['emb'] = _xavier(ks[2], (FEATURE_DIM, EMBED_DIM))
    inp['ffm'] = _xavier(ks[3], (NUM_FIELDS, FEATURE_DIM, EMBED_DIM))
    dims = [NUM_FIELDS * EMBED_DIM] + MLP_DIMS
    for i in range(2):
        inp['W%d' % (i + 1)] = _xavier(ks[4 + i], (dims[i], dims[i + 1]))
        inp['b%d' % (i + 1)] = jnp.zeros((dims[i + 1],), jnp.float32)
        inp['g%d' % (i + 1)] = jnp.ones((dims[i + 1],), jnp.float32)
        inp['be%d' % (i + 1)] = jnp.zeros((dims[i + 1],), jnp.float32)
        inp['m%d' % (i + 1)] = jnp.zeros((dims[i + 1],), jnp.float32)
        inp['v%d' % (i + 1)] = jnp.ones((dims[i + 1],), jnp.float32)
    inter_dim = EMBED_DIM * (NUM_FIELDS * (NUM_FIELDS - 1)) // 2
    fdims = [MLP_DIMS[-1] + inter_dim + 1, 64, 32]
    for i in range(2):
        inp['Wf%d' % (i + 1)] = _xavier(ks[6 + i], (fdims[i], fdims[i + 1]))
        inp['bf%d' % (i + 1)] = jnp.zeros((fdims[i + 1],), jnp.float32)
        inp['gf%d' % (i + 1)] = jnp.ones((fdims[i + 1],), jnp.float32)
        inp['bef%d' % (i + 1)] = jnp.zeros((fdims[i + 1],), jnp.float32)
        inp['mf%d' % (i + 1)] = jnp.zeros((fdims[i + 1],), jnp.float32)
        inp['vf%d' % (i + 1)] = jnp.ones((fdims[i + 1],), jnp.float32)
    inp['Wout'] = _xavier(ks[8], (32, 1))
    inp['bout'] = jnp.zeros((1,), jnp.float32)
    return inp

def _bn(h, g, b, m, v):
    return (h - m) / jnp.sqrt(v + 1e-05) * g + b

def reference(x, linear_w, linear_b, emb, ffm, W1, b1, g1, be1, m1, v1, W2, b2, g2, be2, m2, v2, Wf1, bf1, gf1, bef1, mf1, vf1, Wf2, bf2, gf2, bef2, mf2, vf2, Wout, bout):
    off = jnp.asarray(OFFSETS, dtype=x.dtype)
    xo = x + off[None, :]
    first = jnp.squeeze(jnp.sum(jnp.take(linear_w, xo, axis=0), axis=1) + linear_b, axis=1)
    embed_x = jnp.take(emb, xo, axis=0)
    h = embed_x.reshape((embed_x.shape[0], -1))
    h = jnp.maximum(_bn(h @ W1 + b1, g1, be1, m1, v1), 0.0)
    deep_out = jnp.maximum(_bn(h @ W2 + b2, g2, be2, m2, v2), 0.0)
    xv = jnp.take(ffm, xo, axis=1)
    inter = []
    for f in range(NUM_FIELDS - 1):
        for g_ in range(f + 1, NUM_FIELDS):
            inter.append(xv[f][:, g_] * xv[g_][:, f])
    inter = jnp.concatenate(inter, axis=1)
    combined = jnp.concatenate([first[:, None], inter, deep_out], axis=1)
    h2 = jnp.maximum(_bn(combined @ Wf1 + bf1, gf1, bef1, mf1, vf1), 0.0)
    h2 = jnp.maximum(_bn(h2 @ Wf2 + bf2, gf2, bef2, mf2, vf2), 0.0)
    out = jnp.squeeze(h2 @ Wout + bout, axis=1)
    return out

if __name__ == "__main__":
    import jax
    _d = setup_inputs()
    print(jax.jit(kernel)(*tuple(_d.values())))

</pallas_src>

<mosaic_0001>
#map = affine_map<(d0, d1) -> (0, 0)>
#map1 = affine_map<(d0, d1) -> (0)>
module attributes {stable_mosaic.version = 14 : i64} {
  func.func @_sct_body(%arg0: i32, %arg1: i32, %arg2: memref<416x260000xf32, #tpu.memory_space<hbm>>, %arg3: memref<13312xf32, #tpu.memory_space<hbm>>, %arg4: memref<108160000xf32, #tpu.memory_space<hbm>>, %arg5: memref<16x1536xf32, #tpu.memory_space<vmem>>, %arg6: memref<16x1536xf32, #tpu.memory_space<vmem>>, %arg7: memref<24576xf32, #tpu.memory_space<vmem>>, %arg8: memref<24576xf32, #tpu.memory_space<vmem>>, %arg9: memref<!tpu.dma_semaphore, #tpu.memory_space<semaphore_mem>>, %arg10: memref<!tpu.dma_semaphore, #tpu.memory_space<semaphore_mem>>) attributes {dimension_semantics = [#tpu.dimension_semantics<core_parallel>, #tpu.dimension_semantics<subcore_parallel>], iteration_bounds = array<i64: 2, 16>, scalar_prefetch = 0 : i64, scratch_operands = 6 : i64, tpu.core_type = #tpu.core_type<sc_vector_subcore>, window_params = [{transform_indices = #map}, {transform_indices = #map1}, {transform_indices = #map1}]} {
    %mul3A = arith.constant 2 : i32
    %mul3A_0 = arith.muli %arg1, %mul3A : i32
    %add3A = arith.addi %mul3A_0, %arg0 : i32
    %iota3A = tpu.iota {dimensions = array<i32: 0>} : vector<16xi32>
    %eq3A = arith.constant 0 : i32
    %eq3A_1 = arith.cmpi eq, %add3A, %eq3A : i32
    %convert_element_type3A = arith.extui %eq3A_1 : i1 to i32
    %cond3A = arith.constant 0 : i32
    %cond3A_2 = arith.cmpi ne, %convert_element_type3A, %cond3A : i32
    scf.if %cond3A_2 {
      %scan3A_113 = arith.constant 0 : i32
      %scan3A_114 = arith.constant 0 : i32
      %scan3A_115 = arith.constant 26 : i32
      %scan3A_116 = arith.addi %scan3A_114, %scan3A_115 : i32
      %scan3A_117 = arith.constant 1 : i32
      scf.for %scan3A_119 = %scan3A_114 to %scan3A_116 step %scan3A_117  : i32 {
        %mul3A_120 = arith.constant 512 : i32
        %mul3A_121 = arith.muli %scan3A_119, %mul3A_120 : i32
        %multiple_of3A_122 = tpu.assume_multiple %mul3A_121, 512 : i32
        %mul3A_123 = arith.constant 260000 : i32
        %mul3A_124 = arith.muli %scan3A_119, %mul3A_123 : i32
        %add3A_125 = arith.constant 259584 : i32
        %add3A_126 = arith.addi %mul3A_124, %add3A_125 : i32
        %add3A_127 = arith.constant 384 : i32
        %add3A_128 = arith.addi %add3A_126, %add3A_127 : i32
        %mul3A_129 = arith.constant 16 : i32
        %mul3A_130 = arith.muli %add3A_128, %mul3A_129 : i32
        %multiple_of3A_131 = tpu.assume_multiple %mul3A_130, 512 : i32
        "tpu.region"() ({
          %run_scoped3A = tpu.sem_alloc : memref<!tpu.dma_semaphore, #tpu.memory_space<semaphore_mem>>
          %dma_start3A = tpu.memref_slice %arg4[%multiple_of3A_131] : memref<108160000xf32, #tpu.memory_space<hbm>> -> memref<512xf32, #tpu.memory_space<hbm>>
          %dma_start3A_132 = tpu.memref_slice %arg3[%multiple_of3A_122] : memref<13312xf32, #tpu.memory_space<hbm>> -> memref<512xf32, #tpu.memory_space<hbm>>
          tpu.enqueue_dma source(%dma_start3A_132 : memref<512xf32, #tpu.memory_space<hbm>>) target(%dma_start3A : memref<512xf32, #tpu.memory_space<hbm>>) target_semaphore(%run_scoped3A : memref<!tpu.dma_semaphore, #tpu.memory_space<semaphore_mem>>)
          %dma_wait3A_133 = tpu.memref_slice %arg4[%multiple_of3A_131] : memref<108160000xf32, #tpu.memory_space<hbm>> -> memref<512xf32, #tpu.memory_space<hbm>>
          %dma_wait3A_134 = tpu.memref_slice %arg3[%multiple_of3A_122] : memref<13312xf32, #tpu.memory_space<hbm>> -> memref<512xf32, #tpu.memory_space<hbm>>
          tpu.wait_dma2 semaphore(%run_scoped3A : memref<!tpu.dma_semaphore, #tpu.memory_space<semaphore_mem>>) src(%dma_wait3A_134 : memref<512xf32, #tpu.memory_space<hbm>>) dst(%dma_wait3A_133 : memref<512xf32, #tpu.memory_space<hbm>>)
          tpu.yield
        }) : () -> ()
      }
      %scan3A_118 = arith.constant 26 : i32
    } else {
    }
    %lt3A = arith.constant 26 : i32
    %lt3A_3 = arith.cmpi slt, %add3A, %lt3A : i32
    %convert_element_type3A_4 = arith.extui %lt3A_3 : i1 to i32
    %cond3A_5 = arith.constant 0 : i32
    %cond3A_6 = arith.cmpi ne, %convert_element_type3A_4, %cond3A_5 : i32
    scf.if %cond3A_6 {
      %mul3A_113 = arith.constant 16 : i32
      %mul3A_114 = arith.muli %add3A, %mul3A_113 : i32
      %multiple_of3A_115 = tpu.assume_multiple %mul3A_114, 16 : i32
      %multiple_of3A_116 = arith.constant 259584 : i32
      %multiple_of3A_117 = tpu.assume_multiple %multiple_of3A_116, 1536 : i32
      "tpu.region"() ({
        %run_scoped3A = tpu.sem_alloc : memref<!tpu.dma_semaphore, #tpu.memory_space<semaphore_mem>>
        %dma_start3A = arith.constant 0 : i32
        %dma_start3A_131 = arith.constant 0 : i32
        %dma_start3A_132 = tpu.memref_slice %arg5[%dma_start3A, %dma_start3A_131] : memref<16x1536xf32, #tpu.memory_space<vmem>> -> memref<16x384xf32, #tpu.memory_space<vmem>>
        %dma_start3A_133 = tpu.memref_slice %arg2[%multiple_of3A_115, %multiple_of3A_117] : memref<416x260000xf32, #tpu.memory_space<hbm>> -> memref<16x384xf32, #tpu.memory_space<hbm>>
        %dma_start3A_134 = arith.constant 0 : i32
        %dma_start3A_135 = arith.constant 0 : i32
        %dma_start3A_136 = tpu.memref_slice %arg5[%dma_start3A_134, %dma_start3A_135] : memref<16x1536xf32, #tpu.memory_space<vmem>> -> memref<16x384xf32, #tpu.memory_space<vmem>>
        %dma_start3A_137 = tpu.memref_slice %arg2[%multiple_of3A_115, %multiple_of3A_117] : memref<416x260000xf32, #tpu.memory_space<hbm>> -> memref<16x384xf32, #tpu.memory_space<hbm>>
        tpu.enqueue_dma source(%dma_start3A_137 : memref<16x384xf32, #tpu.memory_space<hbm>>) target(%dma_start3A_136 : memref<16x384xf32, #tpu.memory_space<vmem>>) target_semaphore(%run_scoped3A : memref<!tpu.dma_semaphore, #tpu.memory_space<semaphore_mem>>)
        %dma_wait3A_138 = arith.constant 0 : i32
        %dma_wait3A_139 = arith.constant 0 : i32
        %dma_wait3A_140 = tpu.memref_slice %arg5[%dma_wait3A_138, %dma_wait3A_139] : memref<16x1536xf32, #tpu.memory_space<vmem>> -> memref<16x384xf32, #tpu.memory_space<vmem>>
        %dma_wait3A_141 = tpu.memref_slice %arg2[%multiple_of3A_115, %multiple_of3A_117] : memref<416x260000xf32, #tpu.memory_space<hbm>> -> memref<16x384xf32, #tpu.memory_space<hbm>>
        %dma_wait3A_142 = arith.constant 0 : i32
        %dma_wait3A_143 = arith.constant 0 : i32
        %dma_wait3A_144 = tpu.memref_slice %arg5[%dma_wait3A_142, %dma_wait3A_143] : memref<16x1536xf32, #tpu.memory_space<vmem>> -> memref<16x384xf32, #tpu.memory_space<vmem>>
        %dma_wait3A_145 = tpu.memref_slice %arg2[%multiple_of3A_115, %multiple_of3A_117] : memref<416x260000xf32, #tpu.memory_space<hbm>> -> memref<16x384xf32, #tpu.memory_space<hbm>>
        tpu.wait_dma2 semaphore(%run_scoped3A : memref<!tpu.dma_semaphore, #tpu.memory_space<semaphore_mem>>) src(%dma_wait3A_145 : memref<16x384xf32, #tpu.memory_space<hbm>>) dst(%dma_wait3A_144 : memref<16x384xf32, #tpu.memory_space<vmem>>)
        tpu.yield
      }) : () -> ()
      %scan3A_118 = arith.constant 0 : i32
      %scan3A_119 = arith.constant 0 : i32
      %scan3A_120 = arith.constant 24 : i32
      %scan3A_121 = arith.addi %scan3A_119, %scan3A_120 : i32
      %scan3A_122 = arith.constant 1 : i32
      scf.for %scan3A_131 = %scan3A_119 to %scan3A_121 step %scan3A_122  : i32 {
        %mul3A_132 = arith.constant 16 : i32
        %mul3A_133 = vector.broadcast %mul3A_132 : i32 to vector<16xi32>
        %mul3A_134 = arith.muli %iota3A, %mul3A_133 : vector<16xi32>
        %mul3A_135 = arith.constant 256 : i32
        %mul3A_136 = arith.muli %scan3A_131, %mul3A_135 : i32
        %add3A_137 = vector.broadcast %mul3A_136 : i32 to vector<16xi32>
        %add3A_138 = arith.addi %mul3A_134, %add3A_137 : vector<16xi32>
        %mul3A_139 = arith.constant 16 : i32
        %mul3A_140 = arith.muli %scan3A_131, %mul3A_139 : i32
        %multiple_of3A_141 = tpu.assume_multiple %mul3A_140, 16 : i32
        %get3A = arith.constant 0 : i32
        %get3A_142 = arith.index_cast %get3A : i32 to index
        %get3A_143 = arith.index_cast %multiple_of3A_141 : i32 to index
        %get3A_144 = tpu.vector_load %arg5[%get3A_142, %get3A_143] {strides = array<i32>} : memref<16x1536xf32, #tpu.memory_space<vmem>>, vector<16xf32>,
        %add3A_145 = arith.constant 0 : i32
        %add3A_146 = vector.broadcast %add3A_145 : i32 to vector<16xi32>
        %add3A_147 = arith.addi %add3A_138, %add3A_146 : vector<16xi32>
        tpu.vector_store_idx %arg7[%add3A_147], %get3A_144 : memref<24576xf32, #tpu.memory_space<vmem>>[vector<16xi32>], vector<16xf32>,
        %get3A_148 = arith.constant 1 : i32
        %get3A_149 = arith.index_cast %get3A_148 : i32 to index
        %get3A_150 = arith.index_cast %multiple_of3A_141 : i32 to index
        %get3A_151 = tpu.vector_load %arg5[%get3A_149, %get3A_150] {strides = array<i32>} : memref<16x1536xf32, #tpu.memory_space<vmem>>, vector<16xf32>,
        %add3A_152 = arith.constant 1 : i32
        %add3A_153 = vector.broadcast %add3A_152 : i32 to vector<16xi32>
        %add3A_154 = arith.addi %add3A_138, %add3A_153 : vector<16xi32>
        tpu.vector_store_idx %arg7[%add3A_154], %get3A_151 : memref<24576xf32, #tpu.memory_space<vmem>>[vector<16xi32>], vector<16xf32>,
        %get3A_155 = arith.constant 2 : i32
        %get3A_156 = arith.index_cast %get3A_155 : i32 to index
        %get3A_157 = arith.index_cast %multiple_of3A_141 : i32 to index
        %get3A_158 = tpu.vector_load %arg5[%get3A_156, %get3A_157] {strides = array<i32>} : memref<16x1536xf32, #tpu.memory_space<vmem>>, vector<16xf32>,
        %add3A_159 = arith.constant 2 : i32
        %add3A_160 = vector.broadcast %add3A_159 : i32 to vector<16xi32>
        %add3A_161 = arith.addi %add3A_138, %add3A_160 : vector<16xi32>
        tpu.vector_store_idx %arg7[%add3A_161], %get3A_158 : memref<24576xf32, #tpu.memory_space<vmem>>[vector<16xi32>], vector<16xf32>,
        %get3A_162 = arith.constant 3 : i32
        %get3A_163 = arith.index_cast %get3A_162 : i32 to index
        %get3A_164 = arith.index_cast %multiple_of3A_141 : i32 to index
        %get3A_165 = tpu.vector_load %arg5[%get3A_163, %get3A_164] {strides = array<i32>} : memref<16x1536xf32, #tpu.memory_space<vmem>>, vector<16xf32>,
        %add3A_166 = arith.constant 3 : i32
        %add3A_167 = vector.broadcast %add3A_166 : i32 to vector<16xi32>
        %add3A_168 = arith.addi %add3A_138, %add3A_167 : vector<16xi32>
        tpu.vector_store_idx %arg7[%add3A_168], %get3A_165 : memref<24576xf32, #tpu.memory_space<vmem>>[vector<16xi32>], vector<16xf32>,
        %get3A_169 = arith.constant 4 : i32
        %get3A_170 = arith.index_cast %get3A_169 : i32 to index
        %get3A_171 = arith.index_cast %multiple_of3A_141 : i32 to index
        %get3A_172 = tpu.vector_load %arg5[%get3A_170, %get3A_171] {strides = array<i32>} : memref<16x1536xf32, #tpu.memory_space<vmem>>, vector<16xf32>,
        %add3A_173 = arith.constant 4 : i32
        %add3A_174 = vector.broadcast %add3A_173 : i32 to vector<16xi32>
        %add3A_175 = arith.addi %add3A_138, %add3A_174 : vector<16xi32>
        tpu.vector_store_idx %arg7[%add3A_175], %get3A_172 : memref<24576xf32, #tpu.memory_space<vmem>>[vector<16xi32>], vector<16xf32>,
        %get3A_176 = arith.constant 5 : i32
        %get3A_177 = arith.index_cast %get3A_176 : i32 to index
        %get3A_178 = arith.index_cast %multiple_of3A_141 : i32 to index
        %get3A_179 = tpu.vector_load %arg5[%get3A_177, %get3A_178] {strides = array<i32>} : memref<16x1536xf32, #tpu.memory_space<vmem>>, vector<16xf32>,
        %add3A_180 = arith.constant 5 : i32
        %add3A_181 = vector.broadcast %add3A_180 : i32 to vector<16xi32>
        %add3A_182 = arith.addi %add3A_138, %add3A_181 : vector<16xi32>
        tpu.vector_store_idx %arg7[%add3A_182], %get3A_179 : memref<24576xf32, #tpu.memory_space<vmem>>[vector<16xi32>], vector<16xf32>,
        %get3A_183 = arith.constant 6 : i32
        %get3A_184 = arith.index_cast %get3A_183 : i32 to index
        %get3A_185 = arith.index_cast %multiple_of3A_141 : i32 to index
        %get3A_186 = tpu.vector_load %arg5[%get3A_184, %get3A_185] {strides = array<i32>} : memref<16x1536xf32, #tpu.memory_space<vmem>>, vector<16xf32>,
        %add3A_187 = arith.constant 6 : i32
        %add3A_188 = vector.broadcast %add3A_187 : i32 to vector<16xi32>
        %add3A_189 = arith.addi %add3A_138, %add3A_188 : vector<16xi32>
        tpu.vector_store_idx %arg7[%add3A_189], %get3A_186 : memref<24576xf32, #tpu.memory_space<vmem>>[vector<16xi32>], vector<16xf32>,
        %get3A_190 = arith.constant 7 : i32
        %get3A_191 = arith.index_cast %get3A_190 : i32 to index
        %get3A_192 = arith.index_cast %multiple_of3A_141 : i32 to index
        %get3A_193 = tpu.vector_load %arg5[%get3A_191, %get3A_192] {strides = array<i32>} : memref<16x1536xf32, #tpu.memory_space<vmem>>, vector<16xf32>,
        %add3A_194 = arith.constant 7 : i32
        %add3A_195 = vector.broadcast %add3A_194 : i32 to vector<16xi32>
        %add3A_196 = arith.addi %add3A_138, %add3A_195 : vector<16xi32>
        tpu.vector_store_idx %arg7[%add3A_196], %get3A_193 : memref<24576xf32, #tpu.memory_space<vmem>>[vector<16xi32>], vector<16xf32>,
        %get3A_197 = arith.constant 8 : i32
        %get3A_198 = arith.index_cast %get3A_197 : i32 to index
        %get3A_199 = arith.index_cast %multiple_of3A_141 : i32 to index
        %get3A_200 = tpu.vector_load %arg5[%get3A_198, %get3A_199] {strides = array<i32>} : memref<16x1536xf32, #tpu.memory_space<vmem>>, vector<16xf32>,
        %add3A_201 = arith.constant 8 : i32
        %add3A_202 = vector.broadcast %add3A_201 : i32 to vector<16xi32>
        %add3A_203 = arith.addi %add3A_138, %add3A_202 : vector<16xi32>
        tpu.vector_store_idx %arg7[%add3A_203], %get3A_200 : memref<24576xf32, #tpu.memory_space<vmem>>[vector<16xi32>], vector<16xf32>,
        %get3A_204 = arith.constant 9 : i32
        %get3A_205 = arith.index_cast %get3A_204 : i32 to index
        %get3A_206 = arith.index_cast %multiple_of3A_141 : i32 to index
        %get3A_207 = tpu.vector_load %arg5[%get3A_205, %get3A_206] {strides = array<i32>} : memref<16x1536xf32, #tpu.memory_space<vmem>>, vector<16xf32>,
        %add3A_208 = arith.constant 9 : i32
        %add3A_209 = vector.broadcast %add3A_208 : i32 to vector<16xi32>
        %add3A_210 = arith.addi %add3A_138, %add3A_209 : vector<16xi32>
        tpu.vector_store_idx %arg7[%add3A_210], %get3A_207 : memref<24576xf32, #tpu.memory_space<vmem>>[vector<16xi32>], vector<16xf32>,
        %get3A_211 = arith.constant 10 : i32
        %get3A_212 = arith.index_cast %get3A_211 : i32 to index
        %get3A_213 = arith.index_cast %multiple_of3A_141 : i32 to index
        %get3A_214 = tpu.vector_load %arg5[%get3A_212, %get3A_213] {strides = array<i32>} : memref<16x1536xf32, #tpu.memory_space<vmem>>, vector<16xf32>,
        %add3A_215 = arith.constant 10 : i32
        %add3A_216 = vector.broadcast %add3A_215 : i32 to vector<16xi32>
        %add3A_217 = arith.addi %add3A_138, %add3A_216 : vector<16xi32>
        tpu.vector_store_idx %arg7[%add3A_217], %get3A_214 : memref<24576xf32, #tpu.memory_space<vmem>>[vector<16xi32>], vector<16xf32>,
        %get3A_218 = arith.constant 11 : i32
        %get3A_219 = arith.index_cast %get3A_218 : i32 to index
        %get3A_220 = arith.index_cast %multiple_of3A_141 : i32 to index
        %get3A_221 = tpu.vector_load %arg5[%get3A_219, %get3A_220] {strides = array<i32>} : memref<16x1536xf32, #tpu.memory_space<vmem>>, vector<16xf32>,
        %add3A_222 = arith.constant 11 : i32
        %add3A_223 = vector.broadcast %add3A_222 : i32 to vector<16xi32>
        %add3A_224 = arith.addi %add3A_138, %add3A_223 : vector<16xi32>
        tpu.vector_store_idx %arg7[%add3A_224], %get3A_221 : memref<24576xf32, #tpu.memory_space<vmem>>[vector<16xi32>], vector<16xf32>,
        %get3A_225 = arith.constant 12 : i32
        %get3A_226 = arith.index_cast %get3A_225 : i32 to index
        %get3A_227 = arith.index_cast %multiple_of3A_141 : i32 to index
        %get3A_228 = tpu.vector_load %arg5[%get3A_226, %get3A_227] {strides = array<i32>} : memref<16x1536xf32, #tpu.memory_space<vmem>>, vector<16xf32>,
        %add3A_229 = arith.constant 12 : i32
        %add3A_230 = vector.broadcast %add3A_229 : i32 to vector<16xi32>
        %add3A_231 = arith.addi %add3A_138, %add3A_230 : vector<16xi32>
        tpu.vector_store_idx %arg7[%add3A_231], %get3A_228 : memref<24576xf32, #tpu.memory_space<vmem>>[vector<16xi32>], vector<16xf32>,
        %get3A_232 = arith.constant 13 : i32
        %get3A_233 = arith.index_cast %get3A_232 : i32 to index
        %get3A_234 = arith.index_cast %multiple_of3A_141 : i32 to index
        %get3A_235 = tpu.vector_load %arg5[%get3A_233, %get3A_234] {strides = array<i32>} : memref<16x1536xf32, #tpu.memory_space<vmem>>, vector<16xf32>,
        %add3A_236 = arith.constant 13 : i32
        %add3A_237 = vector.broadcast %add3A_236 : i32 to vector<16xi32>
        %add3A_238 = arith.addi %add3A_138, %add3A_237 : vector<16xi32>
        tpu.vector_store_idx %arg7[%add3A_238], %get3A_235 : memref<24576xf32, #tpu.memory_space<vmem>>[vector<16xi32>], vector<16xf32>,
        %get3A_239 = arith.constant 14 : i32
        %get3A_240 = arith.index_cast %get3A_239 : i32 to index
        %get3A_241 = arith.index_cast %multiple_of3A_141 : i32 to index
        %get3A_242 = tpu.vector_load %arg5[%get3A_240, %get3A_241] {strides = array<i32>} : memref<16x1536xf32, #tpu.memory_space<vmem>>, vector<16xf32>,
        %add3A_243 = arith.constant 14 : i32
        %add3A_244 = vector.broadcast %add3A_243 : i32 to vector<16xi32>
        %add3A_245 = arith.addi %add3A_138, %add3A_244 : vector<16xi32>
        tpu.vector_store_idx %arg7[%add3A_245], %get3A_242 : memref<24576xf32, #tpu.memory_space<vmem>>[vector<16xi32>], vector<16xf32>,
        %get3A_246 = arith.constant 15 : i32
        %get3A_247 = arith.index_cast %get3A_246 : i32 to index
        %get3A_248 = arith.index_cast %multiple_of3A_141 : i32 to index
        %get3A_249 = tpu.vector_load %arg5[%get3A_247, %get3A_248] {strides = array<i32>} : memref<16x1536xf32, #tpu.memory_space<vmem>>, vector<16xf32>,
        %add3A_250 = arith.constant 15 : i32
        %add3A_251 = vector.broadcast %add3A_250 : i32 to vector<16xi32>
        %add3A_252 = arith.addi %add3A_138, %add3A_251 : vector<16xi32>
        tpu.vector_store_idx %arg7[%add3A_252], %get3A_249 : memref<24576xf32, #tpu.memory_space<vmem>>[vector<16xi32>], vector<16xf32>,
      }
      %scan3A_123 = arith.constant 24 : i32
      %mul3A_124 = arith.constant 260000 : i32
      %mul3A_125 = arith.muli %add3A, %mul3A_124 : i32
      %add3A_126 = arith.constant 259584 : i32
      %add3A_127 = arith.addi %mul3A_125, %add3A_126 : i32
      %mul3A_128 = arith.constant 16 : i32
      %mul3A_129 = arith.muli %add3A_127, %mul3A_128 : i32
      %multiple_of3A_130 = tpu.assume_multiple %mul3A_129, 512 : i32
      "tpu.region"() ({
        %run_scoped3A = tpu.sem_alloc : memref<!tpu.dma_semaphore, #tpu.memory_space<semaphore_mem>>
        %dma_start3A = arith.constant 0 : i32
        %dma_start3A_131 = tpu.memref_slice %arg7[%dma_start3A] : memref<24576xf32, #tpu.memory_space<vmem>> -> memref<6144xf32, #tpu.memory_space<vmem>>
        %dma_start3A_132 = tpu.memref_slice %arg4[%multiple_of3A_130] : memref<108160000xf32, #tpu.memory_space<hbm>> -> memref<6144xf32, #tpu.memory_space<hbm>>
        %dma_start3A_133 = tpu.memref_slice %arg4[%multiple_of3A_130] : memref<108160000xf32, #tpu.memory_space<hbm>> -> memref<6144xf32, #tpu.memory_space<hbm>>
        %dma_start3A_134 = arith.constant 0 : i32
        %dma_start3A_135 = tpu.memref_slice %arg7[%dma_start3A_134] : memref<24576xf32, #tpu.memory_space<vmem>> -> memref<6144xf32, #tpu.memory_space<vmem>>
        tpu.enqueue_dma source(%dma_start3A_135 : memref<6144xf32, #tpu.memory_space<vmem>>) target(%dma_start3A_133 : memref<6144xf32, #tpu.memory_space<hbm>>) target_semaphore(%run_scoped3A : memref<!tpu.dma_semaphore, #tpu.memory_space<semaphore_mem>>)
        %dma_wait3A_136 = arith.constant 0 : i32
        %dma_wait3A_137 = tpu.memref_slice %arg7[%dma_wait3A_136] : memref<24576xf32, #tpu.memory_space<vmem>> -> memref<6144xf32, #tpu.memory_space<vmem>>
        %dma_wait3A_138 = tpu.memref_slice %arg4[%multiple_of3A_130] : memref<108160000xf32, #tpu.memory_space<hbm>> -> memref<6144xf32, #tpu.memory_space<hbm>>
        %dma_wait3A_139 = tpu.memref_slice %arg4[%multiple_of3A_130] : memref<108160000xf32, #tpu.memory_space<hbm>> -> memref<6144xf32, #tpu.memory_space<hbm>>
        %dma_wait3A_140 = arith.constant 0 : i32
        %dma_wait3A_141 = tpu.memref_slice %arg7[%dma_wait3A_140] : memref<24576xf32, #tpu.memory_space<vmem>> -> memref<6144xf32, #tpu.memory_space<vmem>>
        tpu.wait_dma2 semaphore(%run_scoped3A : memref<!tpu.dma_semaphore, #tpu.memory_space<semaphore_mem>>) src(%dma_wait3A_141 : memref<6144xf32, #tpu.memory_space<vmem>>) dst(%dma_wait3A_139 : memref<6144xf32, #tpu.memory_space<hbm>>)
        tpu.yield
      }) : () -> ()
    } else {
    }
    %add3A_7 = arith.constant 0 : i32
    %add3A_8 = arith.addi %add3A, %add3A_7 : i32
    %lt3A_9 = arith.constant 4394 : i32
    %lt3A_10 = arith.cmpi slt, %add3A_8, %lt3A_9 : i32
    %convert_element_type3A_11 = arith.extui %lt3A_10 : i1 to i32
    %cond3A_12 = arith.constant 0 : i32
    %cond3A_13 = arith.cmpi ne, %convert_element_type3A_11, %cond3A_12 : i32
    scf.if %cond3A_13 {
      %add3A_113 = arith.constant 0 : i32
      %add3A_114 = arith.addi %add3A, %add3A_113 : i32
      %jit3A_115 = arith.constant 169 : i32
      %div3A_116 = arith.divsi %add3A_114, %jit3A_115 : i32
      %sign3A_117 = arith.constant 0 : i32
      %sign3A_118 = arith.cmpi sgt, %add3A_114, %sign3A_117 : i32
      %sign3A_119 = arith.extui %sign3A_118 : i1 to i32
      %sign3A_120 = arith.constant 0 : i32
      %sign3A_121 = arith.cmpi slt, %add3A_114, %sign3A_120 : i32
      %sign3A_122 = arith.extui %sign3A_121 : i1 to i32
      %sign3A_123 = arith.subi %sign3A_119, %sign3A_122 : i32
      %sign3A_124 = arith.constant 0 : i32
      %sign3A_125 = arith.cmpi sgt, %jit3A_115, %sign3A_124 : i32
      %sign3A_126 = arith.extui %sign3A_125 : i1 to i32
      %sign3A_127 = arith.constant 0 : i32
      %sign3A_128 = arith.cmpi slt, %jit3A_115, %sign3A_127 : i32
      %sign3A_129 = arith.extui %sign3A_128 : i1 to i32
      %sign3A_130 = arith.subi %sign3A_126, %sign3A_129 : i32
      %ne3A_131 = arith.cmpi ne, %sign3A_123, %sign3A_130 : i32
      %rem3A_132 = arith.remsi %add3A_114, %jit3A_115 : i32
      %ne3A_133 = arith.constant 0 : i32
      %ne3A_134 = arith.cmpi ne, %rem3A_132, %ne3A_133 : i32
      %and3A_135 = arith.andi %ne3A_131, %ne3A_134 : i1
      %sub3A_136 = arith.constant 1 : i32
      %sub3A_137 = arith.subi %div3A_116, %sub3A_136 : i32
      %select_n3A_138 = arith.select %and3A_135, %sub3A_137, %div3A_116 : i32
      %jit3A_139 = arith.constant 169 : i32
      %eq3A_140 = arith.constant 0 : i32
      %eq3A_141 = arith.cmpi eq, %jit3A_139, %eq3A_140 : i32
      %jit3A_142 = arith.constant 1 : i32
      %select_n3A_143 = arith.select %eq3A_141, %jit3A_142, %jit3A_139 : i32
      %rem3A_144 = arith.remsi %add3A_114, %select_n3A_143 : i32
      %ne3A_145 = arith.constant 0 : i32
      %ne3A_146 = arith.cmpi ne, %rem3A_144, %ne3A_145 : i32
      %lt3A_147 = arith.constant 0 : i32
      %lt3A_148 = arith.cmpi slt, %rem3A_144, %lt3A_147 : i32
      %lt3A_149 = arith.constant 0 : i32
      %lt3A_150 = arith.cmpi slt, %select_n3A_143, %lt3A_149 : i32
      %ne3A_151 = arith.xori %lt3A_148, %lt3A_150 : i1
      %and3A_152 = arith.andi %ne3A_151, %ne3A_146 : i1
      %add3A_153 = arith.addi %rem3A_144, %select_n3A_143 : i32
      %select_n3A_154 = arith.select %and3A_152, %add3A_153, %rem3A_144 : i32
      %mul3A_155 = arith.constant 1536 : i32
      %mul3A_156 = arith.muli %select_n3A_154, %mul3A_155 : i32
      %mul3A_157 = arith.constant 16 : i32
      %mul3A_158 = arith.muli %select_n3A_138, %mul3A_157 : i32
      %multiple_of3A_159 = tpu.assume_multiple %mul3A_158, 16 : i32
      %multiple_of3A_160 = tpu.assume_multiple %mul3A_156, 1536 : i32
      %dma_start3A = tpu.memref_slice %arg2[%multiple_of3A_159, %multiple_of3A_160] : memref<416x260000xf32, #tpu.memory_space<hbm>> -> memref<16x1536xf32, #tpu.memory_space<hbm>>
      %dma_start3A_161 = tpu.memref_slice %arg2[%multiple_of3A_159, %multiple_of3A_160] : memref<416x260000xf32, #tpu.memory_space<hbm>> -> memref<16x1536xf32, #tpu.memory_space<hbm>>
      tpu.enqueue_dma source(%dma_start3A_161 : memref<16x1536xf32, #tpu.memory_space<hbm>>) target(%arg5 : memref<16x1536xf32, #tpu.memory_space<vmem>>) target_semaphore(%arg9 : memref<!tpu.dma_semaphore, #tpu.memory_space<semaphore_mem>>)
    } else {
    }
    %scan3A = arith.constant 0 : i32
    %scan3A_14 = arith.constant 0 : i32
    %scan3A_15 = arith.constant 69 : i32
    %scan3A_16 = arith.addi %scan3A_14, %scan3A_15 : i32
    %scan3A_17 = arith.constant 1 : i32
    scf.for %scan3A_113 = %scan3A_14 to %scan3A_16 step %scan3A_17  : i32 {
      %mul3A_114 = arith.constant 2 : i32
      %mul3A_115 = arith.muli %mul3A_114, %scan3A_113 : i32
      %add3A_116 = arith.constant 0 : i32
      %add3A_117 = arith.addi %mul3A_115, %add3A_116 : i32
      %add3A_118 = arith.constant 1 : i32
      %add3A_119 = arith.addi %add3A_117, %add3A_118 : i32
      %mul3A_120 = arith.constant 32 : i32
      %mul3A_121 = arith.muli %add3A_119, %mul3A_120 : i32
      %add3A_122 = arith.addi %add3A, %mul3A_121 : i32
      %lt3A_123 = arith.constant 4394 : i32
      %lt3A_124 = arith.cmpi slt, %add3A_122, %lt3A_123 : i32
      %convert_element_type3A_125 = arith.extui %lt3A_124 : i1 to i32
      %cond3A_126 = arith.constant 0 : i32
      %cond3A_127 = arith.cmpi ne, %convert_element_type3A_125, %cond3A_126 : i32
      scf.if %cond3A_127 {
        %add3A_177 = arith.constant 1 : i32
        %add3A_178 = arith.addi %add3A_117, %add3A_177 : i32
        %mul3A_179 = arith.constant 32 : i32
        %mul3A_180 = arith.muli %add3A_178, %mul3A_179 : i32
        %add3A_181 = arith.addi %add3A, %mul3A_180 : i32
        %jit3A_182 = arith.constant 169 : i32
        %div3A_183 = arith.divsi %add3A_181, %jit3A_182 : i32
        %sign3A_184 = arith.constant 0 : i32
        %sign3A_185 = arith.cmpi sgt, %add3A_181, %sign3A_184 : i32
        %sign3A_186 = arith.extui %sign3A_185 : i1 to i32
        %sign3A_187 = arith.constant 0 : i32
        %sign3A_188 = arith.cmpi slt, %add3A_181, %sign3A_187 : i32
        %sign3A_189 = arith.extui %sign3A_188 : i1 to i32
        %sign3A_190 = arith.subi %sign3A_186, %sign3A_189 : i32
        %sign3A_191 = arith.constant 0 : i32
        %sign3A_192 = arith.cmpi sgt, %jit3A_182, %sign3A_191 : i32
        %sign3A_193 = arith.extui %sign3A_192 : i1 to i32
        %sign3A_194 = arith.constant 0 : i32
        %sign3A_195 = arith.cmpi slt, %jit3A_182, %sign3A_194 : i32
        %sign3A_196 = arith.extui %sign3A_195 : i1 to i32
        %sign3A_197 = arith.subi %sign3A_193, %sign3A_196 : i32
        %ne3A_198 = arith.cmpi ne, %sign3A_190, %sign3A_197 : i32
        %rem3A_199 = arith.remsi %add3A_181, %jit3A_182 : i32
        %ne3A_200 = arith.constant 0 : i32
        %ne3A_201 = arith.cmpi ne, %rem3A_199, %ne3A_200 : i32
        %and3A_202 = arith.andi %ne3A_198, %ne3A_201 : i1
        %sub3A_203 = arith.constant 1 : i32
        %sub3A_204 = arith.subi %div3A_183, %sub3A_203 : i32
        %select_n3A_205 = arith.select %and3A_202, %sub3A_204, %div3A_183 : i32
        %jit3A_206 = arith.constant 169 : i32
        %eq3A_207 = arith.constant 0 : i32
        %eq3A_208 = arith.cmpi eq, %jit3A_206, %eq3A_207 : i32
        %jit3A_209 = arith.constant 1 : i32
        %select_n3A_210 = arith.select %eq3A_208, %jit3A_209, %jit3A_206 : i32
        %rem3A_211 = arith.remsi %add3A_181, %select_n3A_210 : i32
        %ne3A_212 = arith.constant 0 : i32
        %ne3A_213 = arith.cmpi ne, %rem3A_211, %ne3A_212 : i32
        %lt3A_214 = arith.constant 0 : i32
        %lt3A_215 = arith.cmpi slt, %rem3A_211, %lt3A_214 : i32
        %lt3A_216 = arith.constant 0 : i32
        %lt3A_217 = arith.cmpi slt, %select_n3A_210, %lt3A_216 : i32
        %ne3A_218 = arith.xori %lt3A_215, %lt3A_217 : i1
        %and3A_219 = arith.andi %ne3A_218, %ne3A_213 : i1
        %add3A_220 = arith.addi %rem3A_211, %select_n3A_210 : i32
        %select_n3A_221 = arith.select %and3A_219, %add3A_220, %rem3A_211 : i32
        %mul3A_222 = arith.constant 1536 : i32
        %mul3A_223 = arith.muli %select_n3A_221, %mul3A_222 : i32
        %mul3A_224 = arith.constant 16 : i32
        %mul3A_225 = arith.muli %select_n3A_205, %mul3A_224 : i32
        %multiple_of3A_226 = tpu.assume_multiple %mul3A_225, 16 : i32
        %multiple_of3A_227 = tpu.assume_multiple %mul3A_223, 1536 : i32
        %dma_start3A = tpu.memref_slice %arg2[%multiple_of3A_226, %multiple_of3A_227] : memref<416x260000xf32, #tpu.memory_space<hbm>> -> memref<16x1536xf32, #tpu.memory_space<hbm>>
        %dma_start3A_228 = tpu.memref_slice %arg2[%multiple_of3A_226, %multiple_of3A_227] : memref<416x260000xf32, #tpu.memory_space<hbm>> -> memref<16x1536xf32, #tpu.memory_space<hbm>>
        tpu.enqueue_dma source(%dma_start3A_228 : memref<16x1536xf32, #tpu.memory_space<hbm>>) target(%arg6 : memref<16x1536xf32, #tpu.memory_space<vmem>>) target_semaphore(%arg9 : memref<!tpu.dma_semaphore, #tpu.memory_space<semaphore_mem>>)
      } else {
      }
      %mul3A_128 = arith.constant 32 : i32
      %mul3A_129 = arith.muli %add3A_117, %mul3A_128 : i32
      %add3A_130 = arith.addi %add3A, %mul3A_129 : i32
      %lt3A_131 = arith.constant 4394 : i32
      %lt3A_132 = arith.cmpi slt, %add3A_130, %lt3A_131 : i32
      %ge3A = arith.constant 2 : i32
      %ge3A_133 = arith.cmpi sge, %add3A_117, %ge3A : i32
      %and3A_134 = arith.andi %lt3A_132, %ge3A_133 : i1
      %convert_element_type3A_135 = arith.extui %and3A_134 : i1 to i32
      %cond3A_136 = arith.constant 0 : i32
      %cond3A_137 = arith.cmpi ne, %convert_element_type3A_135, %cond3A_136 : i32
      scf.if %cond3A_137 {
        %sub3A_177 = arith.constant 2 : i32
        %sub3A_178 = arith.subi %add3A_117, %sub3A_177 : i32
        %mul3A_179 = arith.constant 32 : i32
        %mul3A_180 = arith.muli %sub3A_178, %mul3A_179 : i32
        %add3A_181 = arith.addi %add3A, %mul3A_180 : i32
        %jit3A_182 = arith.constant 169 : i32
        %div3A_183 = arith.divsi %add3A_181, %jit3A_182 : i32
        %sign3A_184 = arith.constant 0 : i32
        %sign3A_185 = arith.cmpi sgt, %add3A_181, %sign3A_184 : i32
        %sign3A_186 = arith.extui %sign3A_185 : i1 to i32
        %sign3A_187 = arith.constant 0 : i32
        %sign3A_188 = arith.cmpi slt, %add3A_181, %sign3A_187 : i32
        %sign3A_189 = arith.extui %sign3A_188 : i1 to i32
        %sign3A_190 = arith.subi %sign3A_186, %sign3A_189 : i32
        %sign3A_191 = arith.constant 0 : i32
        %sign3A_192 = arith.cmpi sgt, %jit3A_182, %sign3A_191 : i32
        %sign3A_193 = arith.extui %sign3A_192 : i1 to i32
        %sign3A_194 = arith.constant 0 : i32
        %sign3A_195 = arith.cmpi slt, %jit3A_182, %sign3A_194 : i32
        %sign3A_196 = arith.extui %sign3A_195 : i1 to i32
        %sign3A_197 = arith.subi %sign3A_193, %sign3A_196 : i32
        %ne3A_198 = arith.cmpi ne, %sign3A_190, %sign3A_197 : i32
        %rem3A_199 = arith.remsi %add3A_181, %jit3A_182 : i32
        %ne3A_200 = arith.constant 0 : i32
        %ne3A_201 = arith.cmpi ne, %rem3A_199, %ne3A_200 : i32
        %and3A_202 = arith.andi %ne3A_198, %ne3A_201 : i1
        %sub3A_203 = arith.constant 1 : i32
        %sub3A_204 = arith.subi %div3A_183, %sub3A_203 : i32
        %select_n3A_205 = arith.select %and3A_202, %sub3A_204, %div3A_183 : i32
        %jit3A_206 = arith.constant 169 : i32
        %eq3A_207 = arith.constant 0 : i32
        %eq3A_208 = arith.cmpi eq, %jit3A_206, %eq3A_207 : i32
        %jit3A_209 = arith.constant 1 : i32
        %select_n3A_210 = arith.select %eq3A_208, %jit3A_209, %jit3A_206 : i32
        %rem3A_211 = arith.remsi %add3A_181, %select_n3A_210 : i32
        %ne3A_212 = arith.constant 0 : i32
        %ne3A_213 = arith.cmpi ne, %rem3A_211, %ne3A_212 : i32
        %lt3A_214 = arith.constant 0 : i32
        %lt3A_215 = arith.cmpi slt, %rem3A_211, %lt3A_214 : i32
        %lt3A_216 = arith.constant 0 : i32
        %lt3A_217 = arith.cmpi slt, %select_n3A_210, %lt3A_216 : i32
        %ne3A_218 = arith.xori %lt3A_215, %lt3A_217 : i1
        %and3A_219 = arith.andi %ne3A_218, %ne3A_213 : i1
        %add3A_220 = arith.addi %rem3A_211, %select_n3A_210 : i32
        %select_n3A_221 = arith.select %and3A_219, %add3A_220, %rem3A_211 : i32
        %mul3A_222 = arith.constant 1536 : i32
        %mul3A_223 = arith.muli %select_n3A_221, %mul3A_222 : i32
        %mul3A_224 = arith.constant 260000 : i32
        %mul3A_225 = arith.muli %select_n3A_205, %mul3A_224 : i32
        %add3A_226 = arith.addi %mul3A_225, %mul3A_223 : i32
        %mul3A_227 = arith.constant 16 : i32
        %mul3A_228 = arith.muli %add3A_226, %mul3A_227 : i32
        %multiple_of3A_229 = tpu.assume_multiple %mul3A_228, 512 : i32
        %dma_wait3A_230 = tpu.memref_slice %arg4[%multiple_of3A_229] : memref<108160000xf32, #tpu.memory_space<hbm>> -> memref<24576xf32, #tpu.memory_space<hbm>>
        %dma_wait3A_231 = tpu.memref_slice %arg4[%multiple_of3A_229] : memref<108160000xf32, #tpu.memory_space<hbm>> -> memref<24576xf32, #tpu.memory_space<hbm>>
        tpu.wait_dma2 semaphore(%arg10 : memref<!tpu.dma_semaphore, #tpu.memory_space<semaphore_mem>>) src(%arg7 : memref<24576xf32, #tpu.memory_space<vmem>>) dst(%dma_wait3A_231 : memref<24576xf32, #tpu.memory_space<hbm>>)
      } else {
      }
      %mul3A_138 = arith.constant 32 : i32
      %mul3A_139 = arith.muli %add3A_117, %mul3A_138 : i32
      %add3A_140 = arith.addi %add3A, %mul3A_139 : i32
      %lt3A_141 = arith.constant 4394 : i32
      %lt3A_142 = arith.cmpi slt, %add3A_140, %lt3A_141 : i32
      %convert_element_type3A_143 = arith.extui %lt3A_142 : i1 to i32
      %cond3A_144 = arith.constant 0 : i32
      %cond3A_145 = arith.cmpi ne, %convert_element_type3A_143, %cond3A_144 : i32
      scf.if %cond3A_145 {
        %mul3A_177 = arith.constant 32 : i32
        %mul3A_178 = arith.muli %add3A_117, %mul3A_177 : i32
        %add3A_179 = arith.addi %add3A, %mul3A_178 : i32
        %jit3A_180 = arith.constant 169 : i32
        %div3A_181 = arith.divsi %add3A_179, %jit3A_180 : i32
        %sign3A_182 = arith.constant 0 : i32
        %sign3A_183 = arith.cmpi sgt, %add3A_179, %sign3A_182 : i32
        %sign3A_184 = arith.extui %sign3A_183 : i1 to i32
        %sign3A_185 = arith.constant 0 : i32
        %sign3A_186 = arith.cmpi slt, %add3A_179, %sign3A_185 : i32
        %sign3A_187 = arith.extui %sign3A_186 : i1 to i32
        %sign3A_188 = arith.subi %sign3A_184, %sign3A_187 : i32
        %sign3A_189 = arith.constant 0 : i32
        %sign3A_190 = arith.cmpi sgt, %jit3A_180, %sign3A_189 : i32
        %sign3A_191 = arith.extui %sign3A_190 : i1 to i32
        %sign3A_192 = arith.constant 0 : i32
        %sign3A_193 = arith.cmpi slt, %jit3A_180, %sign3A_192 : i32
        %sign3A_194 = arith.extui %sign3A_193 : i1 to i32
        %sign3A_195 = arith.subi %sign3A_191, %sign3A_194 : i32
        %ne3A_196 = arith.cmpi ne, %sign3A_188, %sign3A_195 : i32
        %rem3A_197 = arith.remsi %add3A_179, %jit3A_180 : i32
        %ne3A_198 = arith.constant 0 : i32
        %ne3A_199 = arith.cmpi ne, %rem3A_197, %ne3A_198 : i32
        %and3A_200 = arith.andi %ne3A_196, %ne3A_199 : i1
        %sub3A_201 = arith.constant 1 : i32
        %sub3A_202 = arith.subi %div3A_181, %sub3A_201 : i32
        %select_n3A_203 = arith.select %and3A_200, %sub3A_202, %div3A_181 : i32
        %jit3A_204 = arith.constant 169 : i32
        %eq3A_205 = arith.constant 0 : i32
        %eq3A_206 = arith.cmpi eq, %jit3A_204, %eq3A_205 : i32
        %jit3A_207 = arith.constant 1 : i32
        %select_n3A_208 = arith.select %eq3A_206, %jit3A_207, %jit3A_204 : i32
        %rem3A_209 = arith.remsi %add3A_179, %select_n3A_208 : i32
        %ne3A_210 = arith.constant 0 : i32
        %ne3A_211 = arith.cmpi ne, %rem3A_209, %ne3A_210 : i32
        %lt3A_212 = arith.constant 0 : i32
        %lt3A_213 = arith.cmpi slt, %rem3A_209, %lt3A_212 : i32
        %lt3A_214 = arith.constant 0 : i32
        %lt3A_215 = arith.cmpi slt, %select_n3A_208, %lt3A_214 : i32
        %ne3A_216 = arith.xori %lt3A_213, %lt3A_215 : i1
        %and3A_217 = arith.andi %ne3A_216, %ne3A_211 : i1
        %add3A_218 = arith.addi %rem3A_209, %select_n3A_208 : i32
        %select_n3A_219 = arith.select %and3A_217, %add3A_218, %rem3A_209 : i32
        %mul3A_220 = arith.constant 1536 : i32
        %mul3A_221 = arith.muli %select_n3A_219, %mul3A_220 : i32
        %mul3A_222 = arith.constant 16 : i32
        %mul3A_223 = arith.muli %select_n3A_203, %mul3A_222 : i32
        %multiple_of3A_224 = tpu.assume_multiple %mul3A_223, 16 : i32
        %multiple_of3A_225 = tpu.assume_multiple %mul3A_221, 1536 : i32
        %dma_wait3A_226 = tpu.memref_slice %arg2[%multiple_of3A_224, %multiple_of3A_225] : memref<416x260000xf32, #tpu.memory_space<hbm>> -> memref<16x1536xf32, #tpu.memory_space<hbm>>
        %dma_wait3A_227 = tpu.memref_slice %arg2[%multiple_of3A_224, %multiple_of3A_225] : memref<416x260000xf32, #tpu.memory_space<hbm>> -> memref<16x1536xf32, #tpu.memory_space<hbm>>
        tpu.wait_dma2 semaphore(%arg9 : memref<!tpu.dma_semaphore, #tpu.memory_space<semaphore_mem>>) src(%dma_wait3A_227 : memref<16x1536xf32, #tpu.memory_space<hbm>>) dst(%arg5 : memref<16x1536xf32, #tpu.memory_space<vmem>>)
        %scan3A_228 = arith.constant 0 : i32
        %scan3A_229 = arith.constant 0 : i32
        %scan3A_230 = arith.constant 96 : i32
        %scan3A_231 = arith.addi %scan3A_229, %scan3A_230 : i32
        %scan3A_232 = arith.constant 1 : i32
        scf.for %scan3A_286 = %scan3A_229 to %scan3A_231 step %scan3A_232  : i32 {
          %mul3A_287 = arith.constant 16 : i32
          %mul3A_288 = vector.broadcast %mul3A_287 : i32 to vector<16xi32>
          %mul3A_289 = arith.muli %iota3A, %mul3A_288 : vector<16xi32>
          %mul3A_290 = arith.constant 256 : i32
          %mul3A_291 = arith.muli %scan3A_286, %mul3A_290 : i32
          %add3A_292 = vector.broadcast %mul3A_291 : i32 to vector<16xi32>
          %add3A_293 = arith.addi %mul3A_289, %add3A_292 : vector<16xi32>
          %mul3A_294 = arith.constant 16 : i32
          %mul3A_295 = arith.muli %scan3A_286, %mul3A_294 : i32
          %multiple_of3A_296 = tpu.assume_multiple %mul3A_295, 16 : i32
          %get3A = arith.constant 0 : i32
          %get3A_297 = arith.index_cast %get3A : i32 to index
          %get3A_298 = arith.index_cast %multiple_of3A_296 : i32 to index
          %get3A_299 = tpu.vector_load %arg5[%get3A_297, %get3A_298] {strides = array<i32>} : memref<16x1536xf32, #tpu.memory_space<vmem>>, vector<16xf32>,
          %add3A_300 = arith.constant 0 : i32
          %add3A_301 = vector.broadcast %add3A_300 : i32 to vector<16xi32>
          %add3A_302 = arith.addi %add3A_293, %add3A_301 : vector<16xi32>
          tpu.vector_store_idx %arg7[%add3A_302], %get3A_299 : memref<24576xf32, #tpu.memory_space<vmem>>[vector<16xi32>], vector<16xf32>,
          %get3A_303 = arith.constant 1 : i32
          %get3A_304 = arith.index_cast %get3A_303 : i32 to index
          %get3A_305 = arith.index_cast %multiple_of3A_296 : i32 to index
          %get3A_306 = tpu.vector_load %arg5[%get3A_304, %get3A_305] {strides = array<i32>} : memref<16x1536xf32, #tpu.memory_space<vmem>>, vector<16xf32>,
          %add3A_307 = arith.constant 1 : i32
          %add3A_308 = vector.broadcast %add3A_307 : i32 to vector<16xi32>
          %add3A_309 = arith.addi %add3A_293, %add3A_308 : vector<16xi32>
          tpu.vector_store_idx %arg7[%add3A_309], %get3A_306 : memref<24576xf32, #tpu.memory_space<vmem>>[vector<16xi32>], vector<16xf32>,
          %get3A_310 = arith.constant 2 : i32
          %get3A_311 = arith.index_cast %get3A_310 : i32 to index
          %get3A_312 = arith.index_cast %multiple_of3A_296 : i32 to index
          %get3A_313 = tpu.vector_load %arg5[%get3A_311, %get3A_312] {strides = array<i32>} : memref<16x1536xf32, #tpu.memory_space<vmem>>, vector<16xf32>,
          %add3A_314 = arith.constant 2 : i32
          %add3A_315 = vector.broadcast %add3A_314 : i32 to vector<16xi32>
          %add3A_316 = arith.addi %add3A_293, %add3A_315 : vector<16xi32>
          tpu.vector_store_idx %arg7[%add3A_316], %get3A_313 : memref<24576xf32, #tpu.memory_space<vmem>>[vector<16xi32>], vector<16xf32>,
          %get3A_317 = arith.constant 3 : i32
          %get3A_318 = arith.index_cast %get3A_317 : i32 to index
          %get3A_319 = arith.index_cast %multiple_of3A_296 : i32 to index
          %get3A_320 = tpu.vector_load %arg5[%get3A_318, %get3A_319] {strides = array<i32>} : memref<16x1536xf32, #tpu.memory_space<vmem>>, vector<16xf32>,
          %add3A_321 = arith.constant 3 : i32
          %add3A_322 = vector.broadcast %add3A_321 : i32 to vector<16xi32>
          %add3A_323 = arith.addi %add3A_293, %add3A_322 : vector<16xi32>
          tpu.vector_store_idx %arg7[%add3A_323], %get3A_320 : memref<24576xf32, #tpu.memory_space<vmem>>[vector<16xi32>], vector<16xf32>,
          %get3A_324 = arith.constant 4 : i32
          %get3A_325 = arith.index_cast %get3A_324 : i32 to index
          %get3A_326 = arith.index_cast %multiple_of3A_296 : i32 to index
          %get3A_327 = tpu.vector_load %arg5[%get3A_325, %get3A_326] {strides = array<i32>} : memref<16x1536xf32, #tpu.memory_space<vmem>>, vector<16xf32>,
          %add3A_328 = arith.constant 4 : i32
          %add3A_329 = vector.broadcast %add3A_328 : i32 to vector<16xi32>
          %add3A_330 = arith.addi %add3A_293, %add3A_329 : vector<16xi32>
          tpu.vector_store_idx %arg7[%add3A_330], %get3A_327 : memref<24576xf32, #tpu.memory_space<vmem>>[vector<16xi32>], vector<16xf32>,
          %get3A_331 = arith.constant 5 : i32
          %get3A_332 = arith.index_cast %get3A_331 : i32 to index
          %get3A_333 = arith.index_cast %multiple_of3A_296 : i32 to index
          %get3A_334 = tpu.vector_load %arg5[%get3A_332, %get3A_333] {strides = array<i32>} : memref<16x1536xf32, #tpu.memory_space<vmem>>, vector<16xf32>,
          %add3A_335 = arith.constant 5 : i32
          %add3A_336 = vector.broadcast %add3A_335 : i32 to vector<16xi32>
          %add3A_337 = arith.addi %add3A_293, %add3A_336 : vector<16xi32>
          tpu.vector_store_idx %arg7[%add3A_337], %get3A_334 : memref<24576xf32, #tpu.memory_space<vmem>>[vector<16xi32>], vector<16xf32>,
          %get3A_338 = arith.constant 6 : i32
          %get3A_339 = arith.index_cast %get3A_338 : i32 to index
          %get3A_340 = arith.index_cast %multiple_of3A_296 : i32 to index
          %get3A_341 = tpu.vector_load %arg5[%get3A_339, %get3A_340] {strides = array<i32>} : memref<16x1536xf32, #tpu.memory_space<vmem>>, vector<16xf32>,
          %add3A_342 = arith.constant 6 : i32
          %add3A_343 = vector.broadcast %add3A_342 : i32 to vector<16xi32>
          %add3A_344 = arith.addi %add3A_293, %add3A_343 : vector<16xi32>
          tpu.vector_store_idx %arg7[%add3A_344], %get3A_341 : memref<24576xf32, #tpu.memory_space<vmem>>[vector<16xi32>], vector<16xf32>,
          %get3A_345 = arith.constant 7 : i32
          %get3A_346 = arith.index_cast %get3A_345 : i32 to index
          %get3A_347 = arith.index_cast %multiple_of3A_296 : i32 to index
          %get3A_348 = tpu.vector_load %arg5[%get3A_346, %get3A_347] {strides = array<i32>} : memref<16x1536xf32, #tpu.memory_space<vmem>>, vector<16xf32>,
          %add3A_349 = arith.constant 7 : i32
          %add3A_350 = vector.broadcast %add3A_349 : i32 to vector<16xi32>
          %add3A_351 = arith.addi %add3A_293, %add3A_350 : vector<16xi32>
          tpu.vector_store_idx %arg7[%add3A_351], %get3A_348 : memref<24576xf32, #tpu.memory_space<vmem>>[vector<16xi32>], vector<16xf32>,
          %get3A_352 = arith.constant 8 : i32
          %get3A_353 = arith.index_cast %get3A_352 : i32 to index
          %get3A_354 = arith.index_cast %multiple_of3A_296 : i32 to index
          %get3A_355 = tpu.vector_load %arg5[%get3A_353, %get3A_354] {strides = array<i32>} : memref<16x1536xf32, #tpu.memory_space<vmem>>, vector<16xf32>,
          %add3A_356 = arith.constant 8 : i32
          %add3A_357 = vector.broadcast %add3A_356 : i32 to vector<16xi32>
          %add3A_358 = arith.addi %add3A_293, %add3A_357 : vector<16xi32>
          tpu.vector_store_idx %arg7[%add3A_358], %get3A_355 : memref<24576xf32, #tpu.memory_space<vmem>>[vector<16xi32>], vector<16xf32>,
          %get3A_359 = arith.constant 9 : i32
          %get3A_360 = arith.index_cast %get3A_359 : i32 to index
          %get3A_361 = arith.index_cast %multiple_of3A_296 : i32 to index
          %get3A_362 = tpu.vector_load %arg5[%get3A_360, %get3A_361] {strides = array<i32>} : memref<16x1536xf32, #tpu.memory_space<vmem>>, vector<16xf32>,
          %add3A_363 = arith.constant 9 : i32
          %add3A_364 = vector.broadcast %add3A_363 : i32 to vector<16xi32>
          %add3A_365 = arith.addi %add3A_293, %add3A_364 : vector<16xi32>
          tpu.vector_store_idx %arg7[%add3A_365], %get3A_362 : memref<24576xf32, #tpu.memory_space<vmem>>[vector<16xi32>], vector<16xf32>,
          %get3A_366 = arith.constant 10 : i32
          %get3A_367 = arith.index_cast %get3A_366 : i32 to index
          %get3A_368 = arith.index_cast %multiple_of3A_296 : i32 to index
          %get3A_369 = tpu.vector_load %arg5[%get3A_367, %get3A_368] {strides = array<i32>} : memref<16x1536xf32, #tpu.memory_space<vmem>>, vector<16xf32>,
          %add3A_370 = arith.constant 10 : i32
          %add3A_371 = vector.broadcast %add3A_370 : i32 to vector<16xi32>
          %add3A_372 = arith.addi %add3A_293, %add3A_371 : vector<16xi32>
          tpu.vector_store_idx %arg7[%add3A_372], %get3A_369 : memref<24576xf32, #tpu.memory_space<vmem>>[vector<16xi32>], vector<16xf32>,
          %get3A_373 = arith.constant 11 : i32
          %get3A_374 = arith.index_cast %get3A_373 : i32 to index
          %get3A_375 = arith.index_cast %multiple_of3A_296 : i32 to index
          %get3A_376 = tpu.vector_load %arg5[%get3A_374, %get3A_375] {strides = array<i32>} : memref<16x1536xf32, #tpu.memory_space<vmem>>, vector<16xf32>,
          %add3A_377 = arith.constant 11 : i32
          %add3A_378 = vector.broadcast %add3A_377 : i32 to vector<16xi32>
          %add3A_379 = arith.addi %add3A_293, %add3A_378 : vector<16xi32>
          tpu.vector_store_idx %arg7[%add3A_379], %get3A_376 : memref<24576xf32, #tpu.memory_space<vmem>>[vector<16xi32>], vector<16xf32>,
          %get3A_380 = arith.constant 12 : i32
          %get3A_381 = arith.index_cast %get3A_380 : i32 to index
          %get3A_382 = arith.index_cast %multiple_of3A_296 : i32 to index
          %get3A_383 = tpu.vector_load %arg5[%get3A_381, %get3A_382] {strides = array<i32>} : memref<16x1536xf32, #tpu.memory_space<vmem>>, vector<16xf32>,
          %add3A_384 = arith.constant 12 : i32
          %add3A_385 = vector.broadcast %add3A_384 : i32 to vector<16xi32>
          %add3A_386 = arith.addi %add3A_293, %add3A_385 : vector<16xi32>
          tpu.vector_store_idx %arg7[%add3A_386], %get3A_383 : memref<24576xf32, #tpu.memory_space<vmem>>[vector<16xi32>], vector<16xf32>,
          %get3A_387 = arith.constant 13 : i32
          %get3A_388 = arith.index_cast %get3A_387 : i32 to index
          %get3A_389 = arith.index_cast %multiple_of3A_296 : i32 to index
          %get3A_390 = tpu.vector_load %arg5[%get3A_388, %get3A_389] {strides = array<i32>} : memref<16x1536xf32, #tpu.memory_space<vmem>>, vector<16xf32>,
          %add3A_391 = arith.constant 13 : i32
          %add3A_392 = vector.broadcast %add3A_391 : i32 to vector<16xi32>
          %add3A_393 = arith.addi %add3A_293, %add3A_392 : vector<16xi32>
          tpu.vector_store_idx %arg7[%add3A_393], %get3A_390 : memref<24576xf32, #tpu.memory_space<vmem>>[vector<16xi32>], vector<16xf32>,
          %get3A_394 = arith.constant 14 : i32
          %get3A_395 = arith.index_cast %get3A_394 : i32 to index
          %get3A_396 = arith.index_cast %multiple_of3A_296 : i32 to index
          %get3A_397 = tpu.vector_load %arg5[%get3A_395, %get3A_396] {strides = array<i32>} : memref<16x1536xf32, #tpu.memory_space<vmem>>, vector<16xf32>,
          %add3A_398 = arith.constant 14 : i32
          %add3A_399 = vector.broadcast %add3A_398 : i32 to vector<16xi32>
          %add3A_400 = arith.addi %add3A_293, %add3A_399 : vector<16xi32>
          tpu.vector_store_idx %arg7[%add3A_400], %get3A_397 : memref<24576xf32, #tpu.memory_space<vmem>>[vector<16xi32>], vector<16xf32>,
          %get3A_401 = arith.constant 15 : i32
          %get3A_402 = arith.index_cast %get3A_401 : i32 to index
          %get3A_403 = arith.index_cast %multiple_of3A_296 : i32 to index
          %get3A_404 = tpu.vector_load %arg5[%get3A_402, %get3A_403] {strides = array<i32>} : memref<16x1536xf32, #tpu.memory_space<vmem>>, vector<16xf32>,
          %add3A_405 = arith.constant 15 : i32
          %add3A_406 = vector.broadcast %add3A_405 : i32 to vector<16xi32>
          %add3A_407 = arith.addi %add3A_293, %add3A_406 : vector<16xi32>
          tpu.vector_store_idx %arg7[%add3A_407], %get3A_404 : memref<24576xf32, #tpu.memory_space<vmem>>[vector<16xi32>], vector<16xf32>,
        }
        %scan3A_233 = arith.constant 96 : i32
        %mul3A_234 = arith.constant 32 : i32
        %mul3A_235 = arith.muli %add3A_117, %mul3A_234 : i32
        %add3A_236 = arith.addi %add3A, %mul3A_235 : i32
        %jit3A_237 = arith.constant 169 : i32
        %div3A_238 = arith.divsi %add3A_236, %jit3A_237 : i32
        %sign3A_239 = arith.constant 0 : i32
        %sign3A_240 = arith.cmpi sgt, %add3A_236, %sign3A_239 : i32
        %sign3A_241 = arith.extui %sign3A_240 : i1 to i32
        %sign3A_242 = arith.constant 0 : i32
        %sign3A_243 = arith.cmpi slt, %add3A_236, %sign3A_242 : i32
        %sign3A_244 = arith.extui %sign3A_243 : i1 to i32
        %sign3A_245 = arith.subi %sign3A_241, %sign3A_244 : i32
        %sign3A_246 = arith.constant 0 : i32
        %sign3A_247 = arith.cmpi sgt, %jit3A_237, %sign3A_246 : i32
        %sign3A_248 = arith.extui %sign3A_247 : i1 to i32
        %sign3A_249 = arith.constant 0 : i32
        %sign3A_250 = arith.cmpi slt, %jit3A_237, %sign3A_249 : i32
        %sign3A_251 = arith.extui %sign3A_250 : i1 to i32
        %sign3A_252 = arith.subi %sign3A_248, %sign3A_251 : i32
        %ne3A_253 = arith.cmpi ne, %sign3A_245, %sign3A_252 : i32
        %rem3A_254 = arith.remsi %add3A_236, %jit3A_237 : i32
        %ne3A_255 = arith.constant 0 : i32
        %ne3A_256 = arith.cmpi ne, %rem3A_254, %ne3A_255 : i32
        %and3A_257 = arith.andi %ne3A_253, %ne3A_256 : i1
        %sub3A_258 = arith.constant 1 : i32
        %sub3A_259 = arith.subi %div3A_238, %sub3A_258 : i32
        %select_n3A_260 = arith.select %and3A_257, %sub3A_259, %div3A_238 : i32
        %jit3A_261 = arith.constant 169 : i32
        %eq3A_262 = arith.constant 0 : i32
        %eq3A_263 = arith.cmpi eq, %jit3A_261, %eq3A_262 : i32
        %jit3A_264 = arith.constant 1 : i32
        %select_n3A_265 = arith.select %eq3A_263, %jit3A_264, %jit3A_261 : i32
        %rem3A_266 = arith.remsi %add3A_236, %select_n3A_265 : i32
        %ne3A_267 = arith.constant 0 : i32
        %ne3A_268 = arith.cmpi ne, %rem3A_266, %ne3A_267 : i32
        %lt3A_269 = arith.constant 0 : i32
        %lt3A_270 = arith.cmpi slt, %rem3A_266, %lt3A_269 : i32
        %lt3A_271 = arith.constant 0 : i32
        %lt3A_272 = arith.cmpi slt, %select_n3A_265, %lt3A_271 : i32
        %ne3A_273 = arith.xori %lt3A_270, %lt3A_272 : i1
        %and3A_274 = arith.andi %ne3A_273, %ne3A_268 : i1
        %add3A_275 = arith.addi %rem3A_266, %select_n3A_265 : i32
        %select_n3A_276 = arith.select %and3A_274, %add3A_275, %rem3A_266 : i32
        %mul3A_277 = arith.constant 1536 : i32
        %mul3A_278 = arith.muli %select_n3A_276, %mul3A_277 : i32
        %mul3A_279 = arith.constant 260000 : i32
        %mul3A_280 = arith.muli %select_n3A_260, %mul3A_279 : i32
        %add3A_281 = arith.addi %mul3A_280, %mul3A_278 : i32
        %mul3A_282 = arith.constant 16 : i32
        %mul3A_283 = arith.muli %add3A_281, %mul3A_282 : i32
        %multiple_of3A_284 = tpu.assume_multiple %mul3A_283, 512 : i32
        %dma_start3A = tpu.memref_slice %arg4[%multiple_of3A_284] : memref<108160000xf32, #tpu.memory_space<hbm>> -> memref<24576xf32, #tpu.memory_space<hbm>>
        %dma_start3A_285 = tpu.memref_slice %arg4[%multiple_of3A_284] : memref<108160000xf32, #tpu.memory_space<hbm>> -> memref<24576xf32, #tpu.memory_space<hbm>>
        tpu.enqueue_dma source(%arg7 : memref<24576xf32, #tpu.memory_space<vmem>>) target(%dma_start3A_285 : memref<24576xf32, #tpu.memory_space<hbm>>) target_semaphore(%arg10 : memref<!tpu.dma_semaphore, #tpu.memory_space<semaphore_mem>>)
      } else {
      }
      %add3A_146 = arith.constant 1 : i32
      %add3A_147 = arith.addi %mul3A_115, %add3A_146 : i32
      %add3A_148 = arith.constant 1 : i32
      %add3A_149 = arith.addi %add3A_147, %add3A_148 : i32
      %mul3A_150 = arith.constant 32 : i32
      %mul3A_151 = arith.muli %add3A_149, %mul3A_150 : i32
      %add3A_152 = arith.addi %add3A, %mul3A_151 : i32
      %lt3A_153 = arith.constant 4394 : i32
      %lt3A_154 = arith.cmpi slt, %add3A_152, %lt3A_153 : i32
      %convert_element_type3A_155 = arith.extui %lt3A_154 : i1 to i32
      %cond3A_156 = arith.constant 0 : i32
      %cond3A_157 = arith.cmpi ne, %convert_element_type3A_155, %cond3A_156 : i32
      scf.if %cond3A_157 {
        %add3A_177 = arith.constant 1 : i32
        %add3A_178 = arith.addi %add3A_147, %add3A_177 : i32
        %mul3A_179 = arith.constant 32 : i32
        %mul3A_180 = arith.muli %add3A_178, %mul3A_179 : i32
        %add3A_181 = arith.addi %add3A, %mul3A_180 : i32
        %jit3A_182 = arith.constant 169 : i32
        %div3A_183 = arith.divsi %add3A_181, %jit3A_182 : i32
        %sign3A_184 = arith.constant 0 : i32
        %sign3A_185 = arith.cmpi sgt, %add3A_181, %sign3A_184 : i32
        %sign3A_186 = arith.extui %sign3A_185 : i1 to i32
        %sign3A_187 = arith.constant 0 : i32
        %sign3A_188 = arith.cmpi slt, %add3A_181, %sign3A_187 : i32
        %sign3A_189 = arith.extui %sign3A_188 : i1 to i32
        %sign3A_190 = arith.subi %sign3A_186, %sign3A_189 : i32
        %sign3A_191 = arith.constant 0 : i32
        %sign3A_192 = arith.cmpi sgt, %jit3A_182, %sign3A_191 : i32
        %sign3A_193 = arith.extui %sign3A_192 : i1 to i32
        %sign3A_194 = arith.constant 0 : i32
        %sign3A_195 = arith.cmpi slt, %jit3A_182, %sign3A_194 : i32
        %sign3A_196 = arith.extui %sign3A_195 : i1 to i32
        %sign3A_197 = arith.subi %sign3A_193, %sign3A_196 : i32
        %ne3A_198 = arith.cmpi ne, %sign3A_190, %sign3A_197 : i32
        %rem3A_199 = arith.remsi %add3A_181, %jit3A_182 : i32
        %ne3A_200 = arith.constant 0 : i32
        %ne3A_201 = arith.cmpi ne, %rem3A_199, %ne3A_200 : i32
        %and3A_202 = arith.andi %ne3A_198, %ne3A_201 : i1
        %sub3A_203 = arith.constant 1 : i32
        %sub3A_204 = arith.subi %div3A_183, %sub3A_203 : i32
        %select_n3A_205 = arith.select %and3A_202, %sub3A_204, %div3A_183 : i32
        %jit3A_206 = arith.constant 169 : i32
        %eq3A_207 = arith.constant 0 : i32
        %eq3A_208 = arith.cmpi eq, %jit3A_206, %eq3A_207 : i32
        %jit3A_209 = arith.constant 1 : i32
        %select_n3A_210 = arith.select %eq3A_208, %jit3A_209, %jit3A_206 : i32
        %rem3A_211 = arith.remsi %add3A_181, %select_n3A_210 : i32
        %ne3A_212 = arith.constant 0 : i32
        %ne3A_213 = arith.cmpi ne, %rem3A_211, %ne3A_212 : i32
        %lt3A_214 = arith.constant 0 : i32
        %lt3A_215 = arith.cmpi slt, %rem3A_211, %lt3A_214 : i32
        %lt3A_216 = arith.constant 0 : i32
        %lt3A_217 = arith.cmpi slt, %select_n3A_210, %lt3A_216 : i32
        %ne3A_218 = arith.xori %lt3A_215, %lt3A_217 : i1
        %and3A_219 = arith.andi %ne3A_218, %ne3A_213 : i1
        %add3A_220 = arith.addi %rem3A_211, %select_n3A_210 : i32
        %select_n3A_221 = arith.select %and3A_219, %add3A_220, %rem3A_211 : i32
        %mul3A_222 = arith.constant 1536 : i32
        %mul3A_223 = arith.muli %select_n3A_221, %mul3A_222 : i32
        %mul3A_224 = arith.constant 16 : i32
        %mul3A_225 = arith.muli %select_n3A_205, %mul3A_224 : i32
        %multiple_of3A_226 = tpu.assume_multiple %mul3A_225, 16 : i32
        %multiple_of3A_227 = tpu.assume_multiple %mul3A_223, 1536 : i32
        %dma_start3A = tpu.memref_slice %arg2[%multiple_of3A_226, %multiple_of3A_227] : memref<416x260000xf32, #tpu.memory_space<hbm>> -> memref<16x1536xf32, #tpu.memory_space<hbm>>
        %dma_start3A_228 = tpu.memref_slice %arg2[%multiple_of3A_226, %multiple_of3A_227] : memref<416x260000xf32, #tpu.memory_space<hbm>> -> memref<16x1536xf32, #tpu.memory_space<hbm>>
        tpu.enqueue_dma source(%dma_start3A_228 : memref<16x1536xf32, #tpu.memory_space<hbm>>) target(%arg5 : memref<16x1536xf32, #tpu.memory_space<vmem>>) target_semaphore(%arg9 : memref<!tpu.dma_semaphore, #tpu.memory_space<semaphore_mem>>)
      } else {
      }
      %mul3A_158 = arith.constant 32 : i32
      %mul3A_159 = arith.muli %add3A_147, %mul3A_158 : i32
      %add3A_160 = arith.addi %add3A, %mul3A_159 : i32
      %lt3A_161 = arith.constant 4394 : i32
      %lt3A_162 = arith.cmpi slt, %add3A_160, %lt3A_161 : i32
      %ge3A_163 = arith.constant 2 : i32
      %ge3A_164 = arith.cmpi sge, %add3A_147, %ge3A_163 : i32
      %and3A_165 = arith.andi %lt3A_162, %ge3A_164 : i1
      %convert_element_type3A_166 = arith.extui %and3A_165 : i1 to i32
      %cond3A_167 = arith.constant 0 : i32
      %cond3A_168 = arith.cmpi ne, %convert_element_type3A_166, %cond3A_167 : i32
      scf.if %cond3A_168 {
        %sub3A_177 = arith.constant 2 : i32
        %sub3A_178 = arith.subi %add3A_147, %sub3A_177 : i32
        %mul3A_179 = arith.constant 32 : i32
        %mul3A_180 = arith.muli %sub3A_178, %mul3A_179 : i32
        %add3A_181 = arith.addi %add3A, %mul3A_180 : i32
        %jit3A_182 = arith.constant 169 : i32
        %div3A_183 = arith.divsi %add3A_181, %jit3A_182 : i32
        %sign3A_184 = arith.constant 0 : i32
        %sign3A_185 = arith.cmpi sgt, %add3A_181, %sign3A_184 : i32
        %sign3A_186 = arith.extui %sign3A_185 : i1 to i32
        %sign3A_187 = arith.constant 0 : i32
        %sign3A_188 = arith.cmpi slt, %add3A_181, %sign3A_187 : i32
        %sign3A_189 = arith.extui %sign3A_188 : i1 to i32
        %sign3A_190 = arith.subi %sign3A_186, %sign3A_189 : i32
        %sign3A_191 = arith.constant 0 : i32
        %sign3A_192 = arith.cmpi sgt, %jit3A_182, %sign3A_191 : i32
        %sign3A_193 = arith.extui %sign3A_192 : i1 to i32
        %sign3A_194 = arith.constant 0 : i32
        %sign3A_195 = arith.cmpi slt, %jit3A_182, %sign3A_194 : i32
        %sign3A_196 = arith.extui %sign3A_195 : i1 to i32
        %sign3A_197 = arith.subi %sign3A_193, %sign3A_196 : i32
        %ne3A_198 = arith.cmpi ne, %sign3A_190, %sign3A_197 : i32
        %rem3A_199 = arith.remsi %add3A_181, %jit3A_182 : i32
        %ne3A_200 = arith.constant 0 : i32
        %ne3A_201 = arith.cmpi ne, %rem3A_199, %ne3A_200 : i32
        %and3A_202 = arith.andi %ne3A_198, %ne3A_201 : i1
        %sub3A_203 = arith.constant 1 : i32
        %sub3A_204 = arith.subi %div3A_183, %sub3A_203 : i32
        %select_n3A_205 = arith.select %and3A_202, %sub3A_204, %div3A_183 : i32
        %jit3A_206 = arith.constant 169 : i32
        %eq3A_207 = arith.constant 0 : i32
        %eq3A_208 = arith.cmpi eq, %jit3A_206, %eq3A_207 : i32
        %jit3A_209 = arith.constant 1 : i32
        %select_n3A_210 = arith.select %eq3A_208, %jit3A_209, %jit3A_206 : i32
        %rem3A_211 = arith.remsi %add3A_181, %select_n3A_210 : i32
        %ne3A_212 = arith.constant 0 : i32
        %ne3A_213 = arith.cmpi ne, %rem3A_211, %ne3A_212 : i32
        %lt3A_214 = arith.constant 0 : i32
        %lt3A_215 = arith.cmpi slt, %rem3A_211, %lt3A_214 : i32
        %lt3A_216 = arith.constant 0 : i32
        %lt3A_217 = arith.cmpi slt, %select_n3A_210, %lt3A_216 : i32
        %ne3A_218 = arith.xori %lt3A_215, %lt3A_217 : i1
        %and3A_219 = arith.andi %ne3A_218, %ne3A_213 : i1
        %add3A_220 = arith.addi %rem3A_211, %select_n3A_210 : i32
        %select_n3A_221 = arith.select %and3A_219, %add3A_220, %rem3A_211 : i32
        %mul3A_222 = arith.constant 1536 : i32
        %mul3A_223 = arith.muli %select_n3A_221, %mul3A_222 : i32
        %mul3A_224 = arith.constant 260000 : i32
        %mul3A_225 = arith.muli %select_n3A_205, %mul3A_224 : i32
        %add3A_226 = arith.addi %mul3A_225, %mul3A_223 : i32
        %mul3A_227 = arith.constant 16 : i32
        %mul3A_228 = arith.muli %add3A_226, %mul3A_227 : i32
        %multiple_of3A_229 = tpu.assume_multiple %mul3A_228, 512 : i32
        %dma_wait3A_230 = tpu.memref_slice %arg4[%multiple_of3A_229] : memref<108160000xf32, #tpu.memory_space<hbm>> -> memref<24576xf32, #tpu.memory_space<hbm>>
        %dma_wait3A_231 = tpu.memref_slice %arg4[%multiple_of3A_229] : memref<108160000xf32, #tpu.memory_space<hbm>> -> memref<24576xf32, #tpu.memory_space<hbm>>
        tpu.wait_dma2 semaphore(%arg10 : memref<!tpu.dma_semaphore, #tpu.memory_space<semaphore_mem>>) src(%arg8 : memref<24576xf32, #tpu.memory_space<vmem>>) dst(%dma_wait3A_231 : memref<24576xf32, #tpu.memory_space<hbm>>)
      } else {
      }
      %mul3A_169 = arith.constant 32 : i32
      %mul3A_170 = arith.muli %add3A_147, %mul3A_169 : i32
      %add3A_171 = arith.addi %add3A, %mul3A_170 : i32
      %lt3A_172 = arith.constant 4394 : i32
      %lt3A_173 = arith.cmpi slt, %add3A_171, %lt3A_172 : i32
      %convert_element_type3A_174 = arith.extui %lt3A_173 : i1 to i32
      %cond3A_175 = arith.constant 0 : i32
      %cond3A_176 = arith.cmpi ne, %convert_element_type3A_174, %cond3A_175 : i32
      scf.if %cond3A_176 {
        %mul3A_177 = arith.constant 32 : i32
        %mul3A_178 = arith.muli %add3A_147, %mul3A_177 : i32
        %add3A_179 = arith.addi %add3A, %mul3A_178 : i32
        %jit3A_180 = arith.constant 169 : i32
        %div3A_181 = arith.divsi %add3A_179, %jit3A_180 : i32
        %sign3A_182 = arith.constant 0 : i32
        %sign3A_183 = arith.cmpi sgt, %add3A_179, %sign3A_182 : i32
        %sign3A_184 = arith.extui %sign3A_183 : i1 to i32
        %sign3A_185 = arith.constant 0 : i32
        %sign3A_186 = arith.cmpi slt, %add3A_179, %sign3A_185 : i32
        %sign3A_187 = arith.extui %sign3A_186 : i1 to i32
        %sign3A_188 = arith.subi %sign3A_184, %sign3A_187 : i32
        %sign3A_189 = arith.constant 0 : i32
        %sign3A_190 = arith.cmpi sgt, %jit3A_180, %sign3A_189 : i32
        %sign3A_191 = arith.extui %sign3A_190 : i1 to i32
        %sign3A_192 = arith.constant 0 : i32
        %sign3A_193 = arith.cmpi slt, %jit3A_180, %sign3A_192 : i32
        %sign3A_194 = arith.extui %sign3A_193 : i1 to i32
        %sign3A_195 = arith.subi %sign3A_191, %sign3A_194 : i32
        %ne3A_196 = arith.cmpi ne, %sign3A_188, %sign3A_195 : i32
        %rem3A_197 = arith.remsi %add3A_179, %jit3A_180 : i32
        %ne3A_198 = arith.constant 0 : i32
        %ne3A_199 = arith.cmpi ne, %rem3A_197, %ne3A_198 : i32
        %and3A_200 = arith.andi %ne3A_196, %ne3A_199 : i1
        %sub3A_201 = arith.constant 1 : i32
        %sub3A_202 = arith.subi %div3A_181, %sub3A_201 : i32
        %select_n3A_203 = arith.select %and3A_200, %sub3A_202, %div3A_181 : i32
        %jit3A_204 = arith.constant 169 : i32
        %eq3A_205 = arith.constant 0 : i32
        %eq3A_206 = arith.cmpi eq, %jit3A_204, %eq3A_205 : i32
        %jit3A_207 = arith.constant 1 : i32
        %select_n3A_208 = arith.select %eq3A_206, %jit3A_207, %jit3A_204 : i32
        %rem3A_209 = arith.remsi %add3A_179, %select_n3A_208 : i32
        %ne3A_210 = arith.constant 0 : i32
        %ne3A_211 = arith.cmpi ne, %rem3A_209, %ne3A_210 : i32
        %lt3A_212 = arith.constant 0 : i32
        %lt3A_213 = arith.cmpi slt, %rem3A_209, %lt3A_212 : i32
        %lt3A_214 = arith.constant 0 : i32
        %lt3A_215 = arith.cmpi slt, %select_n3A_208, %lt3A_214 : i32
        %ne3A_216 = arith.xori %lt3A_213, %lt3A_215 : i1
        %and3A_217 = arith.andi %ne3A_216, %ne3A_211 : i1
        %add3A_218 = arith.addi %rem3A_209, %select_n3A_208 : i32
        %select_n3A_219 = arith.select %and3A_217, %add3A_218, %rem3A_209 : i32
        %mul3A_220 = arith.constant 1536 : i32
        %mul3A_221 = arith.muli %select_n3A_219, %mul3A_220 : i32
        %mul3A_222 = arith.constant 16 : i32
        %mul3A_223 = arith.muli %select_n3A_203, %mul3A_222 : i32
        %multiple_of3A_224 = tpu.assume_multiple %mul3A_223, 16 : i32
        %multiple_of3A_225 = tpu.assume_multiple %mul3A_221, 1536 : i32
        %dma_wait3A_226 = tpu.memref_slice %arg2[%multiple_of3A_224, %multiple_of3A_225] : memref<416x260000xf32, #tpu.memory_space<hbm>> -> memref<16x1536xf32, #tpu.memory_space<hbm>>
        %dma_wait3A_227 = tpu.memref_slice %arg2[%multiple_of3A_224, %multiple_of3A_225] : memref<416x260000xf32, #tpu.memory_space<hbm>> -> memref<16x1536xf32, #tpu.memory_space<hbm>>
        tpu.wait_dma2 semaphore(%arg9 : memref<!tpu.dma_semaphore, #tpu.memory_space<semaphore_mem>>) src(%dma_wait3A_227 : memref<16x1536xf32, #tpu.memory_space<hbm>>) dst(%arg6 : memref<16x1536xf32, #tpu.memory_space<vmem>>)
        %scan3A_228 = arith.constant 0 : i32
        %scan3A_229 = arith.constant 0 : i32
        %scan3A_230 = arith.constant 96 : i32
        %scan3A_231 = arith.addi %scan3A_229, %scan3A_230 : i32
        %scan3A_232 = arith.constant 1 : i32
        scf.for %scan3A_286 = %scan3A_229 to %scan3A_231 step %scan3A_232  : i32 {
          %mul3A_287 = arith.constant 16 : i32
          %mul3A_288 = vector.broadcast %mul3A_287 : i32 to vector<16xi32>
          %mul3A_289 = arith.muli %iota3A, %mul3A_288 : vector<16xi32>
          %mul3A_290 = arith.constant 256 : i32
          %mul3A_291 = arith.muli %scan3A_286, %mul3A_290 : i32
          %add3A_292 = vector.broadcast %mul3A_291 : i32 to vector<16xi32>
          %add3A_293 = arith.addi %mul3A_289, %add3A_292 : vector<16xi32>
          %mul3A_294 = arith.constant 16 : i32
          %mul3A_295 = arith.muli %scan3A_286, %mul3A_294 : i32
          %multiple_of3A_296 = tpu.assume_multiple %mul3A_295, 16 : i32
          %get3A = arith.constant 0 : i32
          %get3A_297 = arith.index_cast %get3A : i32 to index
          %get3A_298 = arith.index_cast %multiple_of3A_296 : i32 to index
          %get3A_299 = tpu.vector_load %arg6[%get3A_297, %get3A_298] {strides = array<i32>} : memref<16x1536xf32, #tpu.memory_space<vmem>>, vector<16xf32>,
          %add3A_300 = arith.constant 0 : i32
          %add3A_301 = vector.broadcast %add3A_300 : i32 to vector<16xi32>
          %add3A_302 = arith.addi %add3A_293, %add3A_301 : vector<16xi32>
          tpu.vector_store_idx %arg8[%add3A_302], %get3A_299 : memref<24576xf32, #tpu.memory_space<vmem>>[vector<16xi32>], vector<16xf32>,
          %get3A_303 = arith.constant 1 : i32
          %get3A_304 = arith.index_cast %get3A_303 : i32 to index
          %get3A_305 = arith.index_cast %multiple_of3A_296 : i32 to index
          %get3A_306 = tpu.vector_load %arg6[%get3A_304, %get3A_305] {strides = array<i32>} : memref<16x1536xf32, #tpu.memory_space<vmem>>, vector<16xf32>,
          %add3A_307 = arith.constant 1 : i32
          %add3A_308 = vector.broadcast %add3A_307 : i32 to vector<16xi32>
          %add3A_309 = arith.addi %add3A_293, %add3A_308 : vector<16xi32>
          tpu.vector_store_idx %arg8[%add3A_309], %get3A_306 : memref<24576xf32, #tpu.memory_space<vmem>>[vector<16xi32>], vector<16xf32>,
          %get3A_310 = arith.constant 2 : i32
          %get3A_311 = arith.index_cast %get3A_310 : i32 to index
          %get3A_312 = arith.index_cast %multiple_of3A_296 : i32 to index
          %get3A_313 = tpu.vector_load %arg6[%get3A_311, %get3A_312] {strides = array<i32>} : memref<16x1536xf32, #tpu.memory_space<vmem>>, vector<16xf32>,
          %add3A_314 = arith.constant 2 : i32
          %add3A_315 = vector.broadcast %add3A_314 : i32 to vector<16xi32>
          %add3A_316 = arith.addi %add3A_293, %add3A_315 : vector<16xi32>
          tpu.vector_store_idx %arg8[%add3A_316], %get3A_313 : memref<24576xf32, #tpu.memory_space<vmem>>[vector<16xi32>], vector<16xf32>,
          %get3A_317 = arith.constant 3 : i32
          %get3A_318 = arith.index_cast %get3A_317 : i32 to index
          %get3A_319 = arith.index_cast %multiple_of3A_296 : i32 to index
          %get3A_320 = tpu.vector_load %arg6[%get3A_318, %get3A_319] {strides = array<i32>} : memref<16x1536xf32, #tpu.memory_space<vmem>>, vector<16xf32>,
          %add3A_321 = arith.constant 3 : i32
          %add3A_322 = vector.broadcast %add3A_321 : i32 to vector<16xi32>
          %add3A_323 = arith.addi %add3A_293, %add3A_322 : vector<16xi32>
          tpu.vector_store_idx %arg8[%add3A_323], %get3A_320 : memref<24576xf32, #tpu.memory_space<vmem>>[vector<16xi32>], vector<16xf32>,
          %get3A_324 = arith.constant 4 : i32
          %get3A_325 = arith.index_cast %get3A_324 : i32 to index
          %get3A_326 = arith.index_cast %multiple_of3A_296 : i32 to index
          %get3A_327 = tpu.vector_load %arg6[%get3A_325, %get3A_326] {strides = array<i32>} : memref<16x1536xf32, #tpu.memory_space<vmem>>, vector<16xf32>,
          %add3A_328 = arith.constant 4 : i32
          %add3A_329 = vector.broadcast %add3A_328 : i32 to vector<16xi32>
          %add3A_330 = arith.addi %add3A_293, %add3A_329 : vector<16xi32>
          tpu.vector_store_idx %arg8[%add3A_330], %get3A_327 : memref<24576xf32, #tpu.memory_space<vmem>>[vector<16xi32>], vector<16xf32>,
          %get3A_331 = arith.constant 5 : i32
          %get3A_332 = arith.index_cast %get3A_331 : i32 to index
          %get3A_333 = arith.index_cast %multiple_of3A_296 : i32 to index
          %get3A_334 = tpu.vector_load %arg6[%get3A_332, %get3A_333] {strides = array<i32>} : memref<16x1536xf32, #tpu.memory_space<vmem>>, vector<16xf32>,
          %add3A_335 = arith.constant 5 : i32
          %add3A_336 = vector.broadcast %add3A_335 : i32 to vector<16xi32>
          %add3A_337 = arith.addi %add3A_293, %add3A_336 : vector<16xi32>
          tpu.vector_store_idx %arg8[%add3A_337], %get3A_334 : memref<24576xf32, #tpu.memory_space<vmem>>[vector<16xi32>], vector<16xf32>,
          %get3A_338 = arith.constant 6 : i32
          %get3A_339 = arith.index_cast %get3A_338 : i32 to index
          %get3A_340 = arith.index_cast %multiple_of3A_296 : i32 to index
          %get3A_341 = tpu.vector_load %arg6[%get3A_339, %get3A_340] {strides = array<i32>} : memref<16x1536xf32, #tpu.memory_space<vmem>>, vector<16xf32>,
          %add3A_342 = arith.constant 6 : i32
          %add3A_343 = vector.broadcast %add3A_342 : i32 to vector<16xi32>
          %add3A_344 = arith.addi %add3A_293, %add3A_343 : vector<16xi32>
          tpu.vector_store_idx %arg8[%add3A_344], %get3A_341 : memref<24576xf32, #tpu.memory_space<vmem>>[vector<16xi32>], vector<16xf32>,
          %get3A_345 = arith.constant 7 : i32
          %get3A_346 = arith.index_cast %get3A_345 : i32 to index
          %get3A_347 = arith.index_cast %multiple_of3A_296 : i32 to index
          %get3A_348 = tpu.vector_load %arg6[%get3A_346, %get3A_347] {strides = array<i32>} : memref<16x1536xf32, #tpu.memory_space<vmem>>, vector<16xf32>,
          %add3A_349 = arith.constant 7 : i32
          %add3A_350 = vector.broadcast %add3A_349 : i32 to vector<16xi32>
          %add3A_351 = arith.addi %add3A_293, %add3A_350 : vector<16xi32>
          tpu.vector_store_idx %arg8[%add3A_351], %get3A_348 : memref<24576xf32, #tpu.memory_space<vmem>>[vector<16xi32>], vector<16xf32>,
          %get3A_352 = arith.constant 8 : i32
          %get3A_353 = arith.index_cast %get3A_352 : i32 to index
          %get3A_354 = arith.index_cast %multiple_of3A_296 : i32 to index
          %get3A_355 = tpu.vector_load %arg6[%get3A_353, %get3A_354] {strides = array<i32>} : memref<16x1536xf32, #tpu.memory_space<vmem>>, vector<16xf32>,
          %add3A_356 = arith.constant 8 : i32
          %add3A_357 = vector.broadcast %add3A_356 : i32 to vector<16xi32>
          %add3A_358 = arith.addi %add3A_293, %add3A_357 : vector<16xi32>
          tpu.vector_store_idx %arg8[%add3A_358], %get3A_355 : memref<24576xf32, #tpu.memory_space<vmem>>[vector<16xi32>], vector<16xf32>,
          %get3A_359 = arith.constant 9 : i32
          %get3A_360 = arith.index_cast %get3A_359 : i32 to index
          %get3A_361 = arith.index_cast %multiple_of3A_296 : i32 to index
          %get3A_362 = tpu.vector_load %arg6[%get3A_360, %get3A_361] {strides = array<i32>} : memref<16x1536xf32, #tpu.memory_space<vmem>>, vector<16xf32>,
          %add3A_363 = arith.constant 9 : i32
          %add3A_364 = vector.broadcast %add3A_363 : i32 to vector<16xi32>
          %add3A_365 = arith.addi %add3A_293, %add3A_364 : vector<16xi32>
          tpu.vector_store_idx %arg8[%add3A_365], %get3A_362 : memref<24576xf32, #tpu.memory_space<vmem>>[vector<16xi32>], vector<16xf32>,
          %get3A_366 = arith.constant 10 : i32
          %get3A_367 = arith.index_cast %get3A_366 : i32 to index
          %get3A_368 = arith.index_cast %multiple_of3A_296 : i32 to index
          %get3A_369 = tpu.vector_load %arg6[%get3A_367, %get3A_368] {strides = array<i32>} : memref<16x1536xf32, #tpu.memory_space<vmem>>, vector<16xf32>,
          %add3A_370 = arith.constant 10 : i32
          %add3A_371 = vector.broadcast %add3A_370 : i32 to vector<16xi32>
          %add3A_372 = arith.addi %add3A_293, %add3A_371 : vector<16xi32>
          tpu.vector_store_idx %arg8[%add3A_372], %get3A_369 : memref<24576xf32, #tpu.memory_space<vmem>>[vector<16xi32>], vector<16xf32>,
          %get3A_373 = arith.constant 11 : i32
          %get3A_374 = arith.index_cast %get3A_373 : i32 to index
          %get3A_375 = arith.index_cast %multiple_of3A_296 : i32 to index
          %get3A_376 = tpu.vector_load %arg6[%get3A_374, %get3A_375] {strides = array<i32>} : memref<16x1536xf32, #tpu.memory_space<vmem>>, vector<16xf32>,
          %add3A_377 = arith.constant 11 : i32
          %add3A_378 = vector.broadcast %add3A_377 : i32 to vector<16xi32>
          %add3A_379 = arith.addi %add3A_293, %add3A_378 : vector<16xi32>
          tpu.vector_store_idx %arg8[%add3A_379], %get3A_376 : memref<24576xf32, #tpu.memory_space<vmem>>[vector<16xi32>], vector<16xf32>,
          %get3A_380 = arith.constant 12 : i32
          %get3A_381 = arith.index_cast %get3A_380 : i32 to index
          %get3A_382 = arith.index_cast %multiple_of3A_296 : i32 to index
          %get3A_383 = tpu.vector_load %arg6[%get3A_381, %get3A_382] {strides = array<i32>} : memref<16x1536xf32, #tpu.memory_space<vmem>>, vector<16xf32>,
          %add3A_384 = arith.constant 12 : i32
          %add3A_385 = vector.broadcast %add3A_384 : i32 to vector<16xi32>
          %add3A_386 = arith.addi %add3A_293, %add3A_385 : vector<16xi32>
          tpu.vector_store_idx %arg8[%add3A_386], %get3A_383 : memref<24576xf32, #tpu.memory_space<vmem>>[vector<16xi32>], vector<16xf32>,
          %get3A_387 = arith.constant 13 : i32
          %get3A_388 = arith.index_cast %get3A_387 : i32 to index
          %get3A_389 = arith.index_cast %multiple_of3A_296 : i32 to index
          %get3A_390 = tpu.vector_load %arg6[%get3A_388, %get3A_389] {strides = array<i32>} : memref<16x1536xf32, #tpu.memory_space<vmem>>, vector<16xf32>,
          %add3A_391 = arith.constant 13 : i32
          %add3A_392 = vector.broadcast %add3A_391 : i32 to vector<16xi32>
          %add3A_393 = arith.addi %add3A_293, %add3A_392 : vector<16xi32>
          tpu.vector_store_idx %arg8[%add3A_393], %get3A_390 : memref<24576xf32, #tpu.memory_space<vmem>>[vector<16xi32>], vector<16xf32>,
          %get3A_394 = arith.constant 14 : i32
          %get3A_395 = arith.index_cast %get3A_394 : i32 to index
          %get3A_396 = arith.index_cast %multiple_of3A_296 : i32 to index
          %get3A_397 = tpu.vector_load %arg6[%get3A_395, %get3A_396] {strides = array<i32>} : memref<16x1536xf32, #tpu.memory_space<vmem>>, vector<16xf32>,
          %add3A_398 = arith.constant 14 : i32
          %add3A_399 = vector.broadcast %add3A_398 : i32 to vector<16xi32>
          %add3A_400 = arith.addi %add3A_293, %add3A_399 : vector<16xi32>
          tpu.vector_store_idx %arg8[%add3A_400], %get3A_397 : memref<24576xf32, #tpu.memory_space<vmem>>[vector<16xi32>], vector<16xf32>,
          %get3A_401 = arith.constant 15 : i32
          %get3A_402 = arith.index_cast %get3A_401 : i32 to index
          %get3A_403 = arith.index_cast %multiple_of3A_296 : i32 to index
          %get3A_404 = tpu.vector_load %arg6[%get3A_402, %get3A_403] {strides = array<i32>} : memref<16x1536xf32, #tpu.memory_space<vmem>>, vector<16xf32>,
          %add3A_405 = arith.constant 15 : i32
          %add3A_406 = vector.broadcast %add3A_405 : i32 to vector<16xi32>
          %add3A_407 = arith.addi %add3A_293, %add3A_406 : vector<16xi32>
          tpu.vector_store_idx %arg8[%add3A_407], %get3A_404 : memref<24576xf32, #tpu.memory_space<vmem>>[vector<16xi32>], vector<16xf32>,
        }
        %scan3A_233 = arith.constant 96 : i32
        %mul3A_234 = arith.constant 32 : i32
        %mul3A_235 = arith.muli %add3A_147, %mul3A_234 : i32
        %add3A_236 = arith.addi %add3A, %mul3A_235 : i32
        %jit3A_237 = arith.constant 169 : i32
        %div3A_238 = arith.divsi %add3A_236, %jit3A_237 : i32
        %sign3A_239 = arith.constant 0 : i32
        %sign3A_240 = arith.cmpi sgt, %add3A_236, %sign3A_239 : i32
        %sign3A_241 = arith.extui %sign3A_240 : i1 to i32
        %sign3A_242 = arith.constant 0 : i32
        %sign3A_243 = arith.cmpi slt, %add3A_236, %sign3A_242 : i32
        %sign3A_244 = arith.extui %sign3A_243 : i1 to i32
        %sign3A_245 = arith.subi %sign3A_241, %sign3A_244 : i32
        %sign3A_246 = arith.constant 0 : i32
        %sign3A_247 = arith.cmpi sgt, %jit3A_237, %sign3A_246 : i32
        %sign3A_248 = arith.extui %sign3A_247 : i1 to i32
        %sign3A_249 = arith.constant 0 : i32
        %sign3A_250 = arith.cmpi slt, %jit3A_237, %sign3A_249 : i32
        %sign3A_251 = arith.extui %sign3A_250 : i1 to i32
        %sign3A_252 = arith.subi %sign3A_248, %sign3A_251 : i32
        %ne3A_253 = arith.cmpi ne, %sign3A_245, %sign3A_252 : i32
        %rem3A_254 = arith.remsi %add3A_236, %jit3A_237 : i32
        %ne3A_255 = arith.constant 0 : i32
        %ne3A_256 = arith.cmpi ne, %rem3A_254, %ne3A_255 : i32
        %and3A_257 = arith.andi %ne3A_253, %ne3A_256 : i1
        %sub3A_258 = arith.constant 1 : i32
        %sub3A_259 = arith.subi %div3A_238, %sub3A_258 : i32
        %select_n3A_260 = arith.select %and3A_257, %sub3A_259, %div3A_238 : i32
        %jit3A_261 = arith.constant 169 : i32
        %eq3A_262 = arith.constant 0 : i32
        %eq3A_263 = arith.cmpi eq, %jit3A_261, %eq3A_262 : i32
        %jit3A_264 = arith.constant 1 : i32
        %select_n3A_265 = arith.select %eq3A_263, %jit3A_264, %jit3A_261 : i32
        %rem3A_266 = arith.remsi %add3A_236, %select_n3A_265 : i32
        %ne3A_267 = arith.constant 0 : i32
        %ne3A_268 = arith.cmpi ne, %rem3A_266, %ne3A_267 : i32
        %lt3A_269 = arith.constant 0 : i32
        %lt3A_270 = arith.cmpi slt, %rem3A_266, %lt3A_269 : i32
        %lt3A_271 = arith.constant 0 : i32
        %lt3A_272 = arith.cmpi slt, %select_n3A_265, %lt3A_271 : i32
        %ne3A_273 = arith.xori %lt3A_270, %lt3A_272 : i1
        %and3A_274 = arith.andi %ne3A_273, %ne3A_268 : i1
        %add3A_275 = arith.addi %rem3A_266, %select_n3A_265 : i32
        %select_n3A_276 = arith.select %and3A_274, %add3A_275, %rem3A_266 : i32
        %mul3A_277 = arith.constant 1536 : i32
        %mul3A_278 = arith.muli %select_n3A_276, %mul3A_277 : i32
        %mul3A_279 = arith.constant 260000 : i32
        %mul3A_280 = arith.muli %select_n3A_260, %mul3A_279 : i32
        %add3A_281 = arith.addi %mul3A_280, %mul3A_278 : i32
        %mul3A_282 = arith.constant 16 : i32
        %mul3A_283 = arith.muli %add3A_281, %mul3A_282 : i32
        %multiple_of3A_284 = tpu.assume_multiple %mul3A_283, 512 : i32
        %dma_start3A = tpu.memref_slice %arg4[%multiple_of3A_284] : memref<108160000xf32, #tpu.memory_space<hbm>> -> memref<24576xf32, #tpu.memory_space<hbm>>
        %dma_start3A_285 = tpu.memref_slice %arg4[%multiple_of3A_284] : memref<108160000xf32, #tpu.memory_space<hbm>> -> memref<24576xf32, #tpu.memory_space<hbm>>
        tpu.enqueue_dma source(%arg8 : memref<24576xf32, #tpu.memory_space<vmem>>) target(%dma_start3A_285 : memref<24576xf32, #tpu.memory_space<hbm>>) target_semaphore(%arg10 : memref<!tpu.dma_semaphore, #tpu.memory_space<semaphore_mem>>)
      } else {
      }
    }
    %scan3A_18 = arith.constant 69 : i32
    %add3A_19 = arith.constant 0 : i32
    %add3A_20 = arith.addi %add3A, %add3A_19 : i32
    %jit3A = arith.constant 169 : i32
    %div3A = arith.divsi %add3A_20, %jit3A : i32
    %sign3A = arith.constant 0 : i32
    %sign3A_21 = arith.cmpi sgt, %add3A_20, %sign3A : i32
    %sign3A_22 = arith.extui %sign3A_21 : i1 to i32
    %sign3A_23 = arith.constant 0 : i32
    %sign3A_24 = arith.cmpi slt, %add3A_20, %sign3A_23 : i32
    %sign3A_25 = arith.extui %sign3A_24 : i1 to i32
    %sign3A_26 = arith.subi %sign3A_22, %sign3A_25 : i32
    %sign3A_27 = arith.constant 0 : i32
    %sign3A_28 = arith.cmpi sgt, %jit3A, %sign3A_27 : i32
    %sign3A_29 = arith.extui %sign3A_28 : i1 to i32
    %sign3A_30 = arith.constant 0 : i32
    %sign3A_31 = arith.cmpi slt, %jit3A, %sign3A_30 : i32
    %sign3A_32 = arith.extui %sign3A_31 : i1 to i32
    %sign3A_33 = arith.subi %sign3A_29, %sign3A_32 : i32
    %ne3A = arith.cmpi ne, %sign3A_26, %sign3A_33 : i32
    %rem3A = arith.remsi %add3A_20, %jit3A : i32
    %ne3A_34 = arith.constant 0 : i32
    %ne3A_35 = arith.cmpi ne, %rem3A, %ne3A_34 : i32
    %and3A = arith.andi %ne3A, %ne3A_35 : i1
    %sub3A = arith.constant 1 : i32
    %sub3A_36 = arith.subi %div3A, %sub3A : i32
    %select_n3A = arith.select %and3A, %sub3A_36, %div3A : i32
    %jit3A_37 = arith.constant 169 : i32
    %eq3A_38 = arith.constant 0 : i32
    %eq3A_39 = arith.cmpi eq, %jit3A_37, %eq3A_38 : i32
    %jit3A_40 = arith.constant 1 : i32
    %select_n3A_41 = arith.select %eq3A_39, %jit3A_40, %jit3A_37 : i32
    %rem3A_42 = arith.remsi %add3A_20, %select_n3A_41 : i32
    %ne3A_43 = arith.constant 0 : i32
    %ne3A_44 = arith.cmpi ne, %rem3A_42, %ne3A_43 : i32
    %lt3A_45 = arith.constant 0 : i32
    %lt3A_46 = arith.cmpi slt, %rem3A_42, %lt3A_45 : i32
    %lt3A_47 = arith.constant 0 : i32
    %lt3A_48 = arith.cmpi slt, %select_n3A_41, %lt3A_47 : i32
    %ne3A_49 = arith.xori %lt3A_46, %lt3A_48 : i1
    %and3A_50 = arith.andi %ne3A_49, %ne3A_44 : i1
    %add3A_51 = arith.addi %rem3A_42, %select_n3A_41 : i32
    %select_n3A_52 = arith.select %and3A_50, %add3A_51, %rem3A_42 : i32
    %mul3A_53 = arith.constant 1536 : i32
    %mul3A_54 = arith.muli %select_n3A_52, %mul3A_53 : i32
    %mul3A_55 = arith.constant 260000 : i32
    %mul3A_56 = arith.muli %select_n3A, %mul3A_55 : i32
    %add3A_57 = arith.addi %mul3A_56, %mul3A_54 : i32
    %mul3A_58 = arith.constant 16 : i32
    %mul3A_59 = arith.muli %add3A_57, %mul3A_58 : i32
    %multiple_of3A = tpu.assume_multiple %mul3A_59, 512 : i32
    %dma_wait3A = tpu.memref_slice %arg4[%multiple_of3A] : memref<108160000xf32, #tpu.memory_space<hbm>> -> memref<24576xf32, #tpu.memory_space<hbm>>
    %dma_wait3A_60 = tpu.memref_slice %arg4[%multiple_of3A] : memref<108160000xf32, #tpu.memory_space<hbm>> -> memref<24576xf32, #tpu.memory_space<hbm>>
    tpu.wait_dma2 semaphore(%arg10 : memref<!tpu.dma_semaphore, #tpu.memory_space<semaphore_mem>>) src(%arg7 : memref<24576xf32, #tpu.memory_space<vmem>>) dst(%dma_wait3A_60 : memref<24576xf32, #tpu.memory_space<hbm>>)
    %add3A_61 = arith.constant 0 : i32
    %add3A_62 = arith.addi %add3A, %add3A_61 : i32
    %jit3A_63 = arith.constant 169 : i32
    %div3A_64 = arith.divsi %add3A_62, %jit3A_63 : i32
    %sign3A_65 = arith.constant 0 : i32
    %sign3A_66 = arith.cmpi sgt, %add3A_62, %sign3A_65 : i32
    %sign3A_67 = arith.extui %sign3A_66 : i1 to i32
    %sign3A_68 = arith.constant 0 : i32
    %sign3A_69 = arith.cmpi slt, %add3A_62, %sign3A_68 : i32
    %sign3A_70 = arith.extui %sign3A_69 : i1 to i32
    %sign3A_71 = arith.subi %sign3A_67, %sign3A_70 : i32
    %sign3A_72 = arith.constant 0 : i32
    %sign3A_73 = arith.cmpi sgt, %jit3A_63, %sign3A_72 : i32
    %sign3A_74 = arith.extui %sign3A_73 : i1 to i32
    %sign3A_75 = arith.constant 0 : i32
    %sign3A_76 = arith.cmpi slt, %jit3A_63, %sign3A_75 : i32
    %sign3A_77 = arith.extui %sign3A_76 : i1 to i32
    %sign3A_78 = arith.subi %sign3A_74, %sign3A_77 : i32
    %ne3A_79 = arith.cmpi ne, %sign3A_71, %sign3A_78 : i32
    %rem3A_80 = arith.remsi %add3A_62, %jit3A_63 : i32
    %ne3A_81 = arith.constant 0 : i32
    %ne3A_82 = arith.cmpi ne, %rem3A_80, %ne3A_81 : i32
    %and3A_83 = arith.andi %ne3A_79, %ne3A_82 : i1
    %sub3A_84 = arith.constant 1 : i32
    %sub3A_85 = arith.subi %div3A_64, %sub3A_84 : i32
    %select_n3A_86 = arith.select %and3A_83, %sub3A_85, %div3A_64 : i32
    %jit3A_87 = arith.constant 169 : i32
    %eq3A_88 = arith.constant 0 : i32
    %eq3A_89 = arith.cmpi eq, %jit3A_87, %eq3A_88 : i32
    %jit3A_90 = arith.constant 1 : i32
    %select_n3A_91 = arith.select %eq3A_89, %jit3A_90, %jit3A_87 : i32
    %rem3A_92 = arith.remsi %add3A_62, %select_n3A_91 : i32
    %ne3A_93 = arith.constant 0 : i32
    %ne3A_94 = arith.cmpi ne, %rem3A_92, %ne3A_93 : i32
    %lt3A_95 = arith.constant 0 : i32
    %lt3A_96 = arith.cmpi slt, %rem3A_92, %lt3A_95 : i32
    %lt3A_97 = arith.constant 0 : i32
    %lt3A_98 = arith.cmpi slt, %select_n3A_91, %lt3A_97 : i32
    %ne3A_99 = arith.xori %lt3A_96, %lt3A_98 : i1
    %and3A_100 = arith.andi %ne3A_99, %ne3A_94 : i1
    %add3A_101 = arith.addi %rem3A_92, %select_n3A_91 : i32
    %select_n3A_102 = arith.select %and3A_100, %add3A_101, %rem3A_92 : i32
    %mul3A_103 = arith.constant 1536 : i32
    %mul3A_104 = arith.muli %select_n3A_102, %mul3A_103 : i32
    %mul3A_105 = arith.constant 260000 : i32
    %mul3A_106 = arith.muli %select_n3A_86, %mul3A_105 : i32
    %add3A_107 = arith.addi %mul3A_106, %mul3A_104 : i32
    %mul3A_108 = arith.constant 16 : i32
    %mul3A_109 = arith.muli %add3A_107, %mul3A_108 : i32
    %multiple_of3A_110 = tpu.assume_multiple %mul3A_109, 512 : i32
    %dma_wait3A_111 = tpu.memref_slice %arg4[%multiple_of3A_110] : memref<108160000xf32, #tpu.memory_space<hbm>> -> memref<24576xf32, #tpu.memory_space<hbm>>
    %dma_wait3A_112 = tpu.memref_slice %arg4[%multiple_of3A_110] : memref<108160000xf32, #tpu.memory_space<hbm>> -> memref<24576xf32, #tpu.memory_space<hbm>>
    tpu.wait_dma2 semaphore(%arg10 : memref<!tpu.dma_semaphore, #tpu.memory_space<semaphore_mem>>) src(%arg8 : memref<24576xf32, #tpu.memory_space<vmem>>) dst(%dma_wait3A_112 : memref<24576xf32, #tpu.memory_space<hbm>>)
    return
  }
}

#map = affine_map<(d0, d1) -> (0, 0)>
#map1 = affine_map<(d0, d1) -> (0)>
module attributes {stable_mosaic.version = 14 : i64} {
  func.func @_sc_body(%arg0: i32, %arg1: i32, %arg2: memref<6760000x16xf32, #tpu.memory_space<hbm>>, %arg3: memref<131072xi32, #tpu.memory_space<hbm>>, %arg4: memref<2688xi32, #tpu.memory_space<hbm>>, %arg5: memref<2688xi32, #tpu.memory_space<hbm>>, %arg6: memref<128xi32, #tpu.memory_space<hbm>>, %arg7: memref<260000x16xf32, #tpu.memory_space<hbm>>, %arg8: memref<16250x16xf32, #tpu.memory_space<hbm>>, %arg9: memref<21299200xf32, #tpu.memory_space<hbm>>, %arg10: memref<131072x16xf32, #tpu.memory_space<hbm>>, %arg11: memref<131072x16xf32, #tpu.memory_space<hbm>>, %arg12: memref<2688xi32, #tpu.memory_space<vmem>>, %arg13: memref<2688xi32, #tpu.memory_space<vmem>>, %arg14: memref<128xi32, #tpu.memory_space<vmem>>, %arg15: memref<128xi32, #tpu.memory_space<vmem>>, %arg16: memref<2688xi32, #tpu.memory_space<vmem>>, %arg17: memref<128xi32, #tpu.memory_space<vmem>>, %arg18: memref<128xi32, #tpu.memory_space<vmem>>, %arg19: memref<2688x16xf32, #tpu.memory_space<vmem>>, %arg20: memref<20800xf32, #tpu.memory_space<vmem>>, %arg21: memref<128x16xf32, #tpu.memory_space<vmem>>, %arg22: memref<128x16xf32, #tpu.memory_space<vmem>>, %arg23: memref<!tpu.dma_semaphore, #tpu.memory_space<semaphore_mem>>, %arg24: memref<!tpu.dma_semaphore, #tpu.memory_space<semaphore_mem>>) attributes {dimension_semantics = [#tpu.dimension_semantics<core_parallel>, #tpu.dimension_semantics<subcore_parallel>], iteration_bounds = array<i64: 2, 16>, scalar_prefetch = 0 : i64, scratch_operands = 13 : i64, tpu.core_type = #tpu.core_type<sc_vector_subcore>, window_params = [{transform_indices = #map}, {transform_indices = #map1}, {transform_indices = #map1}, {transform_indices = #map1}, {transform_indices = #map1}, {transform_indices = #map}, {transform_indices = #map}, {transform_indices = #map1}, {transform_indices = #map}, {transform_indices = #map}]} {
    %mul3A = arith.constant 2 : i32
    %mul3A_0 = arith.muli %arg1, %mul3A : i32
    %add3A = arith.addi %mul3A_0, %arg0 : i32
    "tpu.region"() ({
      %run_scoped3A = tpu.sem_alloc : memref<!tpu.dma_semaphore, #tpu.memory_space<semaphore_mem>>
      tpu.enqueue_dma source(%arg4 : memref<2688xi32, #tpu.memory_space<hbm>>) target(%arg12 : memref<2688xi32, #tpu.memory_space<vmem>>) target_semaphore(%run_scoped3A : memref<!tpu.dma_semaphore, #tpu.memory_space<semaphore_mem>>)
      tpu.wait_dma2 semaphore(%run_scoped3A : memref<!tpu.dma_semaphore, #tpu.memory_space<semaphore_mem>>) src(%arg4 : memref<2688xi32, #tpu.memory_space<hbm>>) dst(%arg12 : memref<2688xi32, #tpu.memory_space<vmem>>)
      tpu.yield
    }) : () -> ()
    "tpu.region"() ({
      %run_scoped3A = tpu.sem_alloc : memref<!tpu.dma_semaphore, #tpu.memory_space<semaphore_mem>>
      tpu.enqueue_dma source(%arg5 : memref<2688xi32, #tpu.memory_space<hbm>>) target(%arg13 : memref<2688xi32, #tpu.memory_space<vmem>>) target_semaphore(%run_scoped3A : memref<!tpu.dma_semaphore, #tpu.memory_space<semaphore_mem>>)
      tpu.wait_dma2 semaphore(%run_scoped3A : memref<!tpu.dma_semaphore, #tpu.memory_space<semaphore_mem>>) src(%arg5 : memref<2688xi32, #tpu.memory_space<hbm>>) dst(%arg13 : memref<2688xi32, #tpu.memory_space<vmem>>)
      tpu.yield
    }) : () -> ()
    "tpu.region"() ({
      %run_scoped3A = tpu.sem_alloc : memref<!tpu.dma_semaphore, #tpu.memory_space<semaphore_mem>>
      tpu.enqueue_dma source(%arg6 : memref<128xi32, #tpu.memory_space<hbm>>) target(%arg14 : memref<128xi32, #tpu.memory_space<vmem>>) target_semaphore(%run_scoped3A : memref<!tpu.dma_semaphore, #tpu.memory_space<semaphore_mem>>)
      tpu.wait_dma2 semaphore(%run_scoped3A : memref<!tpu.dma_semaphore, #tpu.memory_space<semaphore_mem>>) src(%arg6 : memref<128xi32, #tpu.memory_space<hbm>>) dst(%arg14 : memref<128xi32, #tpu.memory_space<vmem>>)
      tpu.yield
    }) : () -> ()
    %scan3A = arith.constant 0 : i32
    %scan3A_1 = arith.constant 0 : i32
    %scan3A_2 = arith.constant 32 : i32
    %scan3A_3 = arith.addi %scan3A_1, %scan3A_2 : i32
    %scan3A_4 = arith.constant 1 : i32
    scf.for %scan3A_6 = %scan3A_1 to %scan3A_3 step %scan3A_4  : i32 {
      %mul3A_7 = arith.constant 128 : i32
      %mul3A_8 = arith.muli %add3A, %mul3A_7 : i32
      %mul3A_9 = arith.constant 4 : i32
      %mul3A_10 = arith.muli %scan3A_6, %mul3A_9 : i32
      %add3A_11 = arith.addi %mul3A_8, %mul3A_10 : i32
      %mul3A_12 = arith.constant 32 : i32
      %mul3A_13 = arith.muli %add3A_11, %mul3A_12 : i32
      %multiple_of3A = tpu.assume_multiple %mul3A_13, 128 : i32
      "tpu.region"() ({
        %run_scoped3A = tpu.sem_alloc : memref<!tpu.dma_semaphore, #tpu.memory_space<semaphore_mem>>
        %dma_start3A_404 = tpu.memref_slice %arg3[%multiple_of3A] : memref<131072xi32, #tpu.memory_space<hbm>> -> memref<128xi32, #tpu.memory_space<hbm>>
        %dma_start3A_405 = tpu.memref_slice %arg3[%multiple_of3A] : memref<131072xi32, #tpu.memory_space<hbm>> -> memref<128xi32, #tpu.memory_space<hbm>>
        tpu.enqueue_dma source(%dma_start3A_405 : memref<128xi32, #tpu.memory_space<hbm>>) target(%arg15 : memref<128xi32, #tpu.memory_space<vmem>>) target_semaphore(%run_scoped3A : memref<!tpu.dma_semaphore, #tpu.memory_space<semaphore_mem>>)
        %dma_wait3A_406 = tpu.memref_slice %arg3[%multiple_of3A] : memref<131072xi32, #tpu.memory_space<hbm>> -> memref<128xi32, #tpu.memory_space<hbm>>
        %dma_wait3A_407 = tpu.memref_slice %arg3[%multiple_of3A] : memref<131072xi32, #tpu.memory_space<hbm>> -> memref<128xi32, #tpu.memory_space<hbm>>
        tpu.wait_dma2 semaphore(%run_scoped3A : memref<!tpu.dma_semaphore, #tpu.memory_space<semaphore_mem>>) src(%dma_wait3A_407 : memref<128xi32, #tpu.memory_space<hbm>>) dst(%arg15 : memref<128xi32, #tpu.memory_space<vmem>>)
        tpu.yield
      }) : () -> ()
      %scan3A_14 = arith.constant 0 : i32
      %scan3A_15 = arith.constant 0 : i32
      %scan3A_16 = arith.constant 8 : i32
      %scan3A_17 = arith.addi %scan3A_15, %scan3A_16 : i32
      %scan3A_18 = arith.constant 1 : i32
      scf.for %scan3A_404 = %scan3A_15 to %scan3A_17 step %scan3A_18  : i32 {
        %mul3A_405 = arith.constant 16 : i32
        %mul3A_406 = arith.muli %scan3A_404, %mul3A_405 : i32
        %multiple_of3A_407 = tpu.assume_multiple %mul3A_406, 16 : i32
        %get3A = arith.index_cast %multiple_of3A_407 : i32 to index
        %get3A_408 = tpu.vector_load %arg15[%get3A] {strides = array<i32>} : memref<128xi32, #tpu.memory_space<vmem>>, vector<16xi32>,
        %get3A_409 = arith.index_cast %multiple_of3A_407 : i32 to index
        %get3A_410 = tpu.vector_load %arg14[%get3A_409] {strides = array<i32>} : memref<128xi32, #tpu.memory_space<vmem>>, vector<16xi32>,
        %add3A_411 = arith.addi %get3A_408, %get3A_410 : vector<16xi32>
        %swap3A = arith.index_cast %multiple_of3A_407 : i32 to index
        %swap3A_412 = tpu.vector_load %arg17[%swap3A] {strides = array<i32>} : memref<128xi32, #tpu.memory_space<vmem>>, vector<16xi32>,
        tpu.vector_store %arg17[%swap3A], %add3A_411 {strides = array<i32>} : memref<128xi32, #tpu.memory_space<vmem>>, vector<16xi32>,
        %shift_right_arithmetic3A = arith.constant 4 : i32
        %shift_right_arithmetic3A_413 = vector.broadcast %shift_right_arithmetic3A : i32 to vector<16xi32>
        %shift_right_arithmetic3A_414 = arith.shrsi %add3A_411, %shift_right_arithmetic3A_413 : vector<16xi32>
        %swap3A_415 = arith.index_cast %multiple_of3A_407 : i32 to index
        %swap3A_416 = tpu.vector_load %arg18[%swap3A_415] {strides = array<i32>} : memref<128xi32, #tpu.memory_space<vmem>>, vector<16xi32>,
        tpu.vector_store %arg18[%swap3A_415], %shift_right_arithmetic3A_414 {strides = array<i32>} : memref<128xi32, #tpu.memory_space<vmem>>, vector<16xi32>,
      }
      %scan3A_19 = arith.constant 8 : i32
      %scan3A_20 = arith.constant 0 : i32
      %scan3A_21 = arith.constant 0 : i32
      %scan3A_22 = arith.constant 168 : i32
      %scan3A_23 = arith.addi %scan3A_21, %scan3A_22 : i32
      %scan3A_24 = arith.constant 1 : i32
      scf.for %scan3A_404 = %scan3A_21 to %scan3A_23 step %scan3A_24  : i32 {
        %mul3A_405 = arith.constant 16 : i32
        %mul3A_406 = arith.muli %scan3A_404, %mul3A_405 : i32
        %multiple_of3A_407 = tpu.assume_multiple %mul3A_406, 16 : i32
        %get3A = arith.index_cast %multiple_of3A_407 : i32 to index
        %get3A_408 = tpu.vector_load %arg12[%get3A] {strides = array<i32>} : memref<2688xi32, #tpu.memory_space<vmem>>, vector<16xi32>,
        %gather3A = tpu.vector_load_idx %arg15[%get3A_408] : memref<128xi32, #tpu.memory_space<vmem>>[vector<16xi32>], vector<16xi32>,
        %get3A_409 = arith.index_cast %multiple_of3A_407 : i32 to index
        %get3A_410 = tpu.vector_load %arg13[%get3A_409] {strides = array<i32>} : memref<2688xi32, #tpu.memory_space<vmem>>, vector<16xi32>,
        %add3A_411 = arith.addi %gather3A, %get3A_410 : vector<16xi32>
        %swap3A = arith.index_cast %multiple_of3A_407 : i32 to index
        %swap3A_412 = tpu.vector_load %arg16[%swap3A] {strides = array<i32>} : memref<2688xi32, #tpu.memory_space<vmem>>, vector<16xi32>,
        tpu.vector_store %arg16[%swap3A], %add3A_411 {strides = array<i32>} : memref<2688xi32, #tpu.memory_space<vmem>>, vector<16xi32>,
      }
      %scan3A_25 = arith.constant 168 : i32
      %dma_start3A = arith.constant 0 : i32
      %dma_start3A_26 = arith.constant 0 : i32
      %dma_start3A_27 = tpu.memref_slice %arg19[%dma_start3A, %dma_start3A_26] : memref<2688x16xf32, #tpu.memory_space<vmem>> -> memref<128x16xf32, #tpu.memory_space<vmem>>
      %dma_start3A_28 = arith.constant 0 : i32
      %dma_start3A_29 = tpu.memref_slice %arg16[%dma_start3A_28] : memref<2688xi32, #tpu.memory_space<vmem>> -> memref<128xi32, #tpu.memory_space<vmem>>
      %dma_start3A_30 = arith.constant 0 : i32
      %dma_start3A_31 = arith.constant 0 : i32
      %dma_start3A_32 = tpu.memref_slice %arg2[%dma_start3A_30, %dma_start3A_31] : memref<6760000x16xf32, #tpu.memory_space<hbm>> -> memref<6760000x16xf32, #tpu.memory_space<hbm>>
      tpu.enqueue_indirect_dma source(%dma_start3A_32 : memref<6760000x16xf32, #tpu.memory_space<hbm>>) target(%dma_start3A_27 : memref<128x16xf32, #tpu.memory_space<vmem>>) offsets(%dma_start3A_29 : memref<128xi32, #tpu.memory_space<vmem>>) semaphore(%arg23 : memref<!tpu.dma_semaphore, #tpu.memory_space<semaphore_mem>>)
      %dma_start3A_33 = arith.constant 128 : i32
      %dma_start3A_34 = arith.constant 0 : i32
      %dma_start3A_35 = tpu.memref_slice %arg19[%dma_start3A_33, %dma_start3A_34] : memref<2688x16xf32, #tpu.memory_space<vmem>> -> memref<128x16xf32, #tpu.memory_space<vmem>>
      %dma_start3A_36 = arith.constant 128 : i32
      %dma_start3A_37 = tpu.memref_slice %arg16[%dma_start3A_36] : memref<2688xi32, #tpu.memory_space<vmem>> -> memref<128xi32, #tpu.memory_space<vmem>>
      %dma_start3A_38 = arith.constant 0 : i32
      %dma_start3A_39 = arith.constant 0 : i32
      %dma_start3A_40 = tpu.memref_slice %arg2[%dma_start3A_38, %dma_start3A_39] : memref<6760000x16xf32, #tpu.memory_space<hbm>> -> memref<6760000x16xf32, #tpu.memory_space<hbm>>
      tpu.enqueue_indirect_dma source(%dma_start3A_40 : memref<6760000x16xf32, #tpu.memory_space<hbm>>) target(%dma_start3A_35 : memref<128x16xf32, #tpu.memory_space<vmem>>) offsets(%dma_start3A_37 : memref<128xi32, #tpu.memory_space<vmem>>) semaphore(%arg23 : memref<!tpu.dma_semaphore, #tpu.memory_space<semaphore_mem>>)
      %dma_start3A_41 = arith.constant 256 : i32
      %dma_start3A_42 = arith.constant 0 : i32
      %dma_start3A_43 = tpu.memref_slice %arg19[%dma_start3A_41, %dma_start3A_42] : memref<2688x16xf32, #tpu.memory_space<vmem>> -> memref<128x16xf32, #tpu.memory_space<vmem>>
      %dma_start3A_44 = arith.constant 256 : i32
      %dma_start3A_45 = tpu.memref_slice %arg16[%dma_start3A_44] : memref<2688xi32, #tpu.memory_space<vmem>> -> memref<128xi32, #tpu.memory_space<vmem>>
      %dma_start3A_46 = arith.constant 0 : i32
      %dma_start3A_47 = arith.constant 0 : i32
      %dma_start3A_48 = tpu.memref_slice %arg2[%dma_start3A_46, %dma_start3A_47] : memref<6760000x16xf32, #tpu.memory_space<hbm>> -> memref<6760000x16xf32, #tpu.memory_space<hbm>>
      tpu.enqueue_indirect_dma source(%dma_start3A_48 : memref<6760000x16xf32, #tpu.memory_space<hbm>>) target(%dma_start3A_43 : memref<128x16xf32, #tpu.memory_space<vmem>>) offsets(%dma_start3A_45 : memref<128xi32, #tpu.memory_space<vmem>>) semaphore(%arg23 : memref<!tpu.dma_semaphore, #tpu.memory_space<semaphore_mem>>)
      %dma_start3A_49 = arith.constant 384 : i32
      %dma_start3A_50 = arith.constant 0 : i32
      %dma_start3A_51 = tpu.memref_slice %arg19[%dma_start3A_49, %dma_start3A_50] : memref<2688x16xf32, #tpu.memory_space<vmem>> -> memref<128x16xf32, #tpu.memory_space<vmem>>
      %dma_start3A_52 = arith.constant 384 : i32
      %dma_start3A_53 = tpu.memref_slice %arg16[%dma_start3A_52] : memref<2688xi32, #tpu.memory_space<vmem>> -> memref<128xi32, #tpu.memory_space<vmem>>
      %dma_start3A_54 = arith.constant 0 : i32
      %dma_start3A_55 = arith.constant 0 : i32
      %dma_start3A_56 = tpu.memref_slice %arg2[%dma_start3A_54, %dma_start3A_55] : memref<6760000x16xf32, #tpu.memory_space<hbm>> -> memref<6760000x16xf32, #tpu.memory_space<hbm>>
      tpu.enqueue_indirect_dma source(%dma_start3A_56 : memref<6760000x16xf32, #tpu.memory_space<hbm>>) target(%dma_start3A_51 : memref<128x16xf32, #tpu.memory_space<vmem>>) offsets(%dma_start3A_53 : memref<128xi32, #tpu.memory_space<vmem>>) semaphore(%arg23 : memref<!tpu.dma_semaphore, #tpu.memory_space<semaphore_mem>>)
      %dma_start3A_57 = arith.constant 512 : i32
      %dma_start3A_58 = arith.constant 0 : i32
      %dma_start3A_59 = tpu.memref_slice %arg19[%dma_start3A_57, %dma_start3A_58] : memref<2688x16xf32, #tpu.memory_space<vmem>> -> memref<128x16xf32, #tpu.memory_space<vmem>>
      %dma_start3A_60 = arith.constant 512 : i32
      %dma_start3A_61 = tpu.memref_slice %arg16[%dma_start3A_60] : memref<2688xi32, #tpu.memory_space<vmem>> -> memref<128xi32, #tpu.memory_space<vmem>>
      %dma_start3A_62 = arith.constant 0 : i32
      %dma_start3A_63 = arith.constant 0 : i32
      %dma_start3A_64 = tpu.memref_slice %arg2[%dma_start3A_62, %dma_start3A_63] : memref<6760000x16xf32, #tpu.memory_space<hbm>> -> memref<6760000x16xf32, #tpu.memory_space<hbm>>
      tpu.enqueue_indirect_dma source(%dma_start3A_64 : memref<6760000x16xf32, #tpu.memory_space<hbm>>) target(%dma_start3A_59 : memref<128x16xf32, #tpu.memory_space<vmem>>) offsets(%dma_start3A_61 : memref<128xi32, #tpu.memory_space<vmem>>) semaphore(%arg23 : memref<!tpu.dma_semaphore, #tpu.memory_space<semaphore_mem>>)
      %dma_start3A_65 = arith.constant 640 : i32
      %dma_start3A_66 = arith.constant 0 : i32
      %dma_start3A_67 = tpu.memref_slice %arg19[%dma_start3A_65, %dma_start3A_66] : memref<2688x16xf32, #tpu.memory_space<vmem>> -> memref<128x16xf32, #tpu.memory_space<vmem>>
      %dma_start3A_68 = arith.constant 640 : i32
      %dma_start3A_69 = tpu.memref_slice %arg16[%dma_start3A_68] : memref<2688xi32, #tpu.memory_space<vmem>> -> memref<128xi32, #tpu.memory_space<vmem>>
      %dma_start3A_70 = arith.constant 0 : i32
      %dma_start3A_71 = arith.constant 0 : i32
      %dma_start3A_72 = tpu.memref_slice %arg2[%dma_start3A_70, %dma_start3A_71] : memref<6760000x16xf32, #tpu.memory_space<hbm>> -> memref<6760000x16xf32, #tpu.memory_space<hbm>>
      tpu.enqueue_indirect_dma source(%dma_start3A_72 : memref<6760000x16xf32, #tpu.memory_space<hbm>>) target(%dma_start3A_67 : memref<128x16xf32, #tpu.memory_space<vmem>>) offsets(%dma_start3A_69 : memref<128xi32, #tpu.memory_space<vmem>>) semaphore(%arg23 : memref<!tpu.dma_semaphore, #tpu.memory_space<semaphore_mem>>)
      %dma_start3A_73 = arith.constant 768 : i32
      %dma_start3A_74 = arith.constant 0 : i32
      %dma_start3A_75 = tpu.memref_slice %arg19[%dma_start3A_73, %dma_start3A_74] : memref<2688x16xf32, #tpu.memory_space<vmem>> -> memref<128x16xf32, #tpu.memory_space<vmem>>
      %dma_start3A_76 = arith.constant 768 : i32
      %dma_start3A_77 = tpu.memref_slice %arg16[%dma_start3A_76] : memref<2688xi32, #tpu.memory_space<vmem>> -> memref<128xi32, #tpu.memory_space<vmem>>
      %dma_start3A_78 = arith.constant 0 : i32
      %dma_start3A_79 = arith.constant 0 : i32
      %dma_start3A_80 = tpu.memref_slice %arg2[%dma_start3A_78, %dma_start3A_79] : memref<6760000x16xf32, #tpu.memory_space<hbm>> -> memref<6760000x16xf32, #tpu.memory_space<hbm>>
      tpu.enqueue_indirect_dma source(%dma_start3A_80 : memref<6760000x16xf32, #tpu.memory_space<hbm>>) target(%dma_start3A_75 : memref<128x16xf32, #tpu.memory_space<vmem>>) offsets(%dma_start3A_77 : memref<128xi32, #tpu.memory_space<vmem>>) semaphore(%arg23 : memref<!tpu.dma_semaphore, #tpu.memory_space<semaphore_mem>>)
      %dma_start3A_81 = arith.constant 896 : i32
      %dma_start3A_82 = arith.constant 0 : i32
      %dma_start3A_83 = tpu.memref_slice %arg19[%dma_start3A_81, %dma_start3A_82] : memref<2688x16xf32, #tpu.memory_space<vmem>> -> memref<128x16xf32, #tpu.memory_space<vmem>>
      %dma_start3A_84 = arith.constant 896 : i32
      %dma_start3A_85 = tpu.memref_slice %arg16[%dma_start3A_84] : memref<2688xi32, #tpu.memory_space<vmem>> -> memref<128xi32, #tpu.memory_space<vmem>>
      %dma_start3A_86 = arith.constant 0 : i32
      %dma_start3A_87 = arith.constant 0 : i32
      %dma_start3A_88 = tpu.memref_slice %arg2[%dma_start3A_86, %dma_start3A_87] : memref<6760000x16xf32, #tpu.memory_space<hbm>> -> memref<6760000x16xf32, #tpu.memory_space<hbm>>
      tpu.enqueue_indirect_dma source(%dma_start3A_88 : memref<6760000x16xf32, #tpu.memory_space<hbm>>) target(%dma_start3A_83 : memref<128x16xf32, #tpu.memory_space<vmem>>) offsets(%dma_start3A_85 : memref<128xi32, #tpu.memory_space<vmem>>) semaphore(%arg23 : memref<!tpu.dma_semaphore, #tpu.memory_space<semaphore_mem>>)
      %dma_start3A_89 = arith.constant 1024 : i32
      %dma_start3A_90 = arith.constant 0 : i32
      %dma_start3A_91 = tpu.memref_slice %arg19[%dma_start3A_89, %dma_start3A_90] : memref<2688x16xf32, #tpu.memory_space<vmem>> -> memref<128x16xf32, #tpu.memory_space<vmem>>
      %dma_start3A_92 = arith.constant 1024 : i32
      %dma_start3A_93 = tpu.memref_slice %arg16[%dma_start3A_92] : memref<2688xi32, #tpu.memory_space<vmem>> -> memref<128xi32, #tpu.memory_space<vmem>>
      %dma_start3A_94 = arith.constant 0 : i32
      %dma_start3A_95 = arith.constant 0 : i32
      %dma_start3A_96 = tpu.memref_slice %arg2[%dma_start3A_94, %dma_start3A_95] : memref<6760000x16xf32, #tpu.memory_space<hbm>> -> memref<6760000x16xf32, #tpu.memory_space<hbm>>
      tpu.enqueue_indirect_dma source(%dma_start3A_96 : memref<6760000x16xf32, #tpu.memory_space<hbm>>) target(%dma_start3A_91 : memref<128x16xf32, #tpu.memory_space<vmem>>) offsets(%dma_start3A_93 : memref<128xi32, #tpu.memory_space<vmem>>) semaphore(%arg23 : memref<!tpu.dma_semaphore, #tpu.memory_space<semaphore_mem>>)
      %dma_start3A_97 = arith.constant 1152 : i32
      %dma_start3A_98 = arith.constant 0 : i32
      %dma_start3A_99 = tpu.memref_slice %arg19[%dma_start3A_97, %dma_start3A_98] : memref<2688x16xf32, #tpu.memory_space<vmem>> -> memref<128x16xf32, #tpu.memory_space<vmem>>
      %dma_start3A_100 = arith.constant 1152 : i32
      %dma_start3A_101 = tpu.memref_slice %arg16[%dma_start3A_100] : memref<2688xi32, #tpu.memory_space<vmem>> -> memref<128xi32, #tpu.memory_space<vmem>>
      %dma_start3A_102 = arith.constant 0 : i32
      %dma_start3A_103 = arith.constant 0 : i32
      %dma_start3A_104 = tpu.memref_slice %arg2[%dma_start3A_102, %dma_start3A_103] : memref<6760000x16xf32, #tpu.memory_space<hbm>> -> memref<6760000x16xf32, #tpu.memory_space<hbm>>
      tpu.enqueue_indirect_dma source(%dma_start3A_104 : memref<6760000x16xf32, #tpu.memory_space<hbm>>) target(%dma_start3A_99 : memref<128x16xf32, #tpu.memory_space<vmem>>) offsets(%dma_start3A_101 : memref<128xi32, #tpu.memory_space<vmem>>) semaphore(%arg23 : memref<!tpu.dma_semaphore, #tpu.memory_space<semaphore_mem>>)
      %dma_start3A_105 = arith.constant 1280 : i32
      %dma_start3A_106 = arith.constant 0 : i32
      %dma_start3A_107 = tpu.memref_slice %arg19[%dma_start3A_105, %dma_start3A_106] : memref<2688x16xf32, #tpu.memory_space<vmem>> -> memref<128x16xf32, #tpu.memory_space<vmem>>
      %dma_start3A_108 = arith.constant 1280 : i32
      %dma_start3A_109 = tpu.memref_slice %arg16[%dma_start3A_108] : memref<2688xi32, #tpu.memory_space<vmem>> -> memref<128xi32, #tpu.memory_space<vmem>>
      %dma_start3A_110 = arith.constant 0 : i32
      %dma_start3A_111 = arith.constant 0 : i32
      %dma_start3A_112 = tpu.memref_slice %arg2[%dma_start3A_110, %dma_start3A_111] : memref<6760000x16xf32, #tpu.memory_space<hbm>> -> memref<6760000x16xf32, #tpu.memory_space<hbm>>
      tpu.enqueue_indirect_dma source(%dma_start3A_112 : memref<6760000x16xf32, #tpu.memory_space<hbm>>) target(%dma_start3A_107 : memref<128x16xf32, #tpu.memory_space<vmem>>) offsets(%dma_start3A_109 : memref<128xi32, #tpu.memory_space<vmem>>) semaphore(%arg23 : memref<!tpu.dma_semaphore, #tpu.memory_space<semaphore_mem>>)
      %dma_start3A_113 = arith.constant 1408 : i32
      %dma_start3A_114 = arith.constant 0 : i32
      %dma_start3A_115 = tpu.memref_slice %arg19[%dma_start3A_113, %dma_start3A_114] : memref<2688x16xf32, #tpu.memory_space<vmem>> -> memref<128x16xf32, #tpu.memory_space<vmem>>
      %dma_start3A_116 = arith.constant 1408 : i32
      %dma_start3A_117 = tpu.memref_slice %arg16[%dma_start3A_116] : memref<2688xi32, #tpu.memory_space<vmem>> -> memref<128xi32, #tpu.memory_space<vmem>>
      %dma_start3A_118 = arith.constant 0 : i32
      %dma_start3A_119 = arith.constant 0 : i32
      %dma_start3A_120 = tpu.memref_slice %arg2[%dma_start3A_118, %dma_start3A_119] : memref<6760000x16xf32, #tpu.memory_space<hbm>> -> memref<6760000x16xf32, #tpu.memory_space<hbm>>
      tpu.enqueue_indirect_dma source(%dma_start3A_120 : memref<6760000x16xf32, #tpu.memory_space<hbm>>) target(%dma_start3A_115 : memref<128x16xf32, #tpu.memory_space<vmem>>) offsets(%dma_start3A_117 : memref<128xi32, #tpu.memory_space<vmem>>) semaphore(%arg23 : memref<!tpu.dma_semaphore, #tpu.memory_space<semaphore_mem>>)
      %dma_start3A_121 = arith.constant 1536 : i32
      %dma_start3A_122 = arith.constant 0 : i32
      %dma_start3A_123 = tpu.memref_slice %arg19[%dma_start3A_121, %dma_start3A_122] : memref<2688x16xf32, #tpu.memory_space<vmem>> -> memref<128x16xf32, #tpu.memory_space<vmem>>
      %dma_start3A_124 = arith.constant 1536 : i32
      %dma_start3A_125 = tpu.memref_slice %arg16[%dma_start3A_124] : memref<2688xi32, #tpu.memory_space<vmem>> -> memref<128xi32, #tpu.memory_space<vmem>>
      %dma_start3A_126 = arith.constant 0 : i32
      %dma_start3A_127 = arith.constant 0 : i32
      %dma_start3A_128 = tpu.memref_slice %arg2[%dma_start3A_126, %dma_start3A_127] : memref<6760000x16xf32, #tpu.memory_space<hbm>> -> memref<6760000x16xf32, #tpu.memory_space<hbm>>
      tpu.enqueue_indirect_dma source(%dma_start3A_128 : memref<6760000x16xf32, #tpu.memory_space<hbm>>) target(%dma_start3A_123 : memref<128x16xf32, #tpu.memory_space<vmem>>) offsets(%dma_start3A_125 : memref<128xi32, #tpu.memory_space<vmem>>) semaphore(%arg23 : memref<!tpu.dma_semaphore, #tpu.memory_space<semaphore_mem>>)
      %dma_start3A_129 = arith.constant 1664 : i32
      %dma_start3A_130 = arith.constant 0 : i32
      %dma_start3A_131 = tpu.memref_slice %arg19[%dma_start3A_129, %dma_start3A_130] : memref<2688x16xf32, #tpu.memory_space<vmem>> -> memref<128x16xf32, #tpu.memory_space<vmem>>
      %dma_start3A_132 = arith.constant 1664 : i32
      %dma_start3A_133 = tpu.memref_slice %arg16[%dma_start3A_132] : memref<2688xi32, #tpu.memory_space<vmem>> -> memref<128xi32, #tpu.memory_space<vmem>>
      %dma_start3A_134 = arith.constant 0 : i32
      %dma_start3A_135 = arith.constant 0 : i32
      %dma_start3A_136 = tpu.memref_slice %arg2[%dma_start3A_134, %dma_start3A_135] : memref<6760000x16xf32, #tpu.memory_space<hbm>> -> memref<6760000x16xf32, #tpu.memory_space<hbm>>
      tpu.enqueue_indirect_dma source(%dma_start3A_136 : memref<6760000x16xf32, #tpu.memory_space<hbm>>) target(%dma_start3A_131 : memref<128x16xf32, #tpu.memory_space<vmem>>) offsets(%dma_start3A_133 : memref<128xi32, #tpu.memory_space<vmem>>) semaphore(%arg23 : memref<!tpu.dma_semaphore, #tpu.memory_space<semaphore_mem>>)
      %dma_start3A_137 = arith.constant 1792 : i32
      %dma_start3A_138 = arith.constant 0 : i32
      %dma_start3A_139 = tpu.memref_slice %arg19[%dma_start3A_137, %dma_start3A_138] : memref<2688x16xf32, #tpu.memory_space<vmem>> -> memref<128x16xf32, #tpu.memory_space<vmem>>
      %dma_start3A_140 = arith.constant 1792 : i32
      %dma_start3A_141 = tpu.memref_slice %arg16[%dma_start3A_140] : memref<2688xi32, #tpu.memory_space<vmem>> -> memref<128xi32, #tpu.memory_space<vmem>>
      %dma_start3A_142 = arith.constant 0 : i32
      %dma_start3A_143 = arith.constant 0 : i32
      %dma_start3A_144 = tpu.memref_slice %arg2[%dma_start3A_142, %dma_start3A_143] : memref<6760000x16xf32, #tpu.memory_space<hbm>> -> memref<6760000x16xf32, #tpu.memory_space<hbm>>
      tpu.enqueue_indirect_dma source(%dma_start3A_144 : memref<6760000x16xf32, #tpu.memory_space<hbm>>) target(%dma_start3A_139 : memref<128x16xf32, #tpu.memory_space<vmem>>) offsets(%dma_start3A_141 : memref<128xi32, #tpu.memory_space<vmem>>) semaphore(%arg23 : memref<!tpu.dma_semaphore, #tpu.memory_space<semaphore_mem>>)
      %dma_start3A_145 = arith.constant 1920 : i32
      %dma_start3A_146 = arith.constant 0 : i32
      %dma_start3A_147 = tpu.memref_slice %arg19[%dma_start3A_145, %dma_start3A_146] : memref<2688x16xf32, #tpu.memory_space<vmem>> -> memref<128x16xf32, #tpu.memory_space<vmem>>
      %dma_start3A_148 = arith.constant 1920 : i32
      %dma_start3A_149 = tpu.memref_slice %arg16[%dma_start3A_148] : memref<2688xi32, #tpu.memory_space<vmem>> -> memref<128xi32, #tpu.memory_space<vmem>>
      %dma_start3A_150 = arith.constant 0 : i32
      %dma_start3A_151 = arith.constant 0 : i32
      %dma_start3A_152 = tpu.memref_slice %arg2[%dma_start3A_150, %dma_start3A_151] : memref<6760000x16xf32, #tpu.memory_space<hbm>> -> memref<6760000x16xf32, #tpu.memory_space<hbm>>
      tpu.enqueue_indirect_dma source(%dma_start3A_152 : memref<6760000x16xf32, #tpu.memory_space<hbm>>) target(%dma_start3A_147 : memref<128x16xf32, #tpu.memory_space<vmem>>) offsets(%dma_start3A_149 : memref<128xi32, #tpu.memory_space<vmem>>) semaphore(%arg23 : memref<!tpu.dma_semaphore, #tpu.memory_space<semaphore_mem>>)
      %dma_start3A_153 = arith.constant 2048 : i32
      %dma_start3A_154 = arith.constant 0 : i32
      %dma_start3A_155 = tpu.memref_slice %arg19[%dma_start3A_153, %dma_start3A_154] : memref<2688x16xf32, #tpu.memory_space<vmem>> -> memref<128x16xf32, #tpu.memory_space<vmem>>
      %dma_start3A_156 = arith.constant 2048 : i32
      %dma_start3A_157 = tpu.memref_slice %arg16[%dma_start3A_156] : memref<2688xi32, #tpu.memory_space<vmem>> -> memref<128xi32, #tpu.memory_space<vmem>>
      %dma_start3A_158 = arith.constant 0 : i32
      %dma_start3A_159 = arith.constant 0 : i32
      %dma_start3A_160 = tpu.memref_slice %arg2[%dma_start3A_158, %dma_start3A_159] : memref<6760000x16xf32, #tpu.memory_space<hbm>> -> memref<6760000x16xf32, #tpu.memory_space<hbm>>
      tpu.enqueue_indirect_dma source(%dma_start3A_160 : memref<6760000x16xf32, #tpu.memory_space<hbm>>) target(%dma_start3A_155 : memref<128x16xf32, #tpu.memory_space<vmem>>) offsets(%dma_start3A_157 : memref<128xi32, #tpu.memory_space<vmem>>) semaphore(%arg23 : memref<!tpu.dma_semaphore, #tpu.memory_space<semaphore_mem>>)
      %dma_start3A_161 = arith.constant 2176 : i32
      %dma_start3A_162 = arith.constant 0 : i32
      %dma_start3A_163 = tpu.memref_slice %arg19[%dma_start3A_161, %dma_start3A_162] : memref<2688x16xf32, #tpu.memory_space<vmem>> -> memref<128x16xf32, #tpu.memory_space<vmem>>
      %dma_start3A_164 = arith.constant 2176 : i32
      %dma_start3A_165 = tpu.memref_slice %arg16[%dma_start3A_164] : memref<2688xi32, #tpu.memory_space<vmem>> -> memref<128xi32, #tpu.memory_space<vmem>>
      %dma_start3A_166 = arith.constant 0 : i32
      %dma_start3A_167 = arith.constant 0 : i32
      %dma_start3A_168 = tpu.memref_slice %arg2[%dma_start3A_166, %dma_start3A_167] : memref<6760000x16xf32, #tpu.memory_space<hbm>> -> memref<6760000x16xf32, #tpu.memory_space<hbm>>
      tpu.enqueue_indirect_dma source(%dma_start3A_168 : memref<6760000x16xf32, #tpu.memory_space<hbm>>) target(%dma_start3A_163 : memref<128x16xf32, #tpu.memory_space<vmem>>) offsets(%dma_start3A_165 : memref<128xi32, #tpu.memory_space<vmem>>) semaphore(%arg23 : memref<!tpu.dma_semaphore, #tpu.memory_space<semaphore_mem>>)
      %dma_start3A_169 = arith.constant 2304 : i32
      %dma_start3A_170 = arith.constant 0 : i32
      %dma_start3A_171 = tpu.memref_slice %arg19[%dma_start3A_169, %dma_start3A_170] : memref<2688x16xf32, #tpu.memory_space<vmem>> -> memref<128x16xf32, #tpu.memory_space<vmem>>
      %dma_start3A_172 = arith.constant 2304 : i32
      %dma_start3A_173 = tpu.memref_slice %arg16[%dma_start3A_172] : memref<2688xi32, #tpu.memory_space<vmem>> -> memref<128xi32, #tpu.memory_space<vmem>>
      %dma_start3A_174 = arith.constant 0 : i32
      %dma_start3A_175 = arith.constant 0 : i32
      %dma_start3A_176 = tpu.memref_slice %arg2[%dma_start3A_174, %dma_start3A_175] : memref<6760000x16xf32, #tpu.memory_space<hbm>> -> memref<6760000x16xf32, #tpu.memory_space<hbm>>
      tpu.enqueue_indirect_dma source(%dma_start3A_176 : memref<6760000x16xf32, #tpu.memory_space<hbm>>) target(%dma_start3A_171 : memref<128x16xf32, #tpu.memory_space<vmem>>) offsets(%dma_start3A_173 : memref<128xi32, #tpu.memory_space<vmem>>) semaphore(%arg23 : memref<!tpu.dma_semaphore, #tpu.memory_space<semaphore_mem>>)
      %dma_start3A_177 = arith.constant 2432 : i32
      %dma_start3A_178 = arith.constant 0 : i32
      %dma_start3A_179 = tpu.memref_slice %arg19[%dma_start3A_177, %dma_start3A_178] : memref<2688x16xf32, #tpu.memory_space<vmem>> -> memref<128x16xf32, #tpu.memory_space<vmem>>
      %dma_start3A_180 = arith.constant 2432 : i32
      %dma_start3A_181 = tpu.memref_slice %arg16[%dma_start3A_180] : memref<2688xi32, #tpu.memory_space<vmem>> -> memref<128xi32, #tpu.memory_space<vmem>>
      %dma_start3A_182 = arith.constant 0 : i32
      %dma_start3A_183 = arith.constant 0 : i32
      %dma_start3A_184 = tpu.memref_slice %arg2[%dma_start3A_182, %dma_start3A_183] : memref<6760000x16xf32, #tpu.memory_space<hbm>> -> memref<6760000x16xf32, #tpu.memory_space<hbm>>
      tpu.enqueue_indirect_dma source(%dma_start3A_184 : memref<6760000x16xf32, #tpu.memory_space<hbm>>) target(%dma_start3A_179 : memref<128x16xf32, #tpu.memory_space<vmem>>) offsets(%dma_start3A_181 : memref<128xi32, #tpu.memory_space<vmem>>) semaphore(%arg23 : memref<!tpu.dma_semaphore, #tpu.memory_space<semaphore_mem>>)
      %dma_start3A_185 = arith.constant 2560 : i32
      %dma_start3A_186 = arith.constant 0 : i32
      %dma_start3A_187 = tpu.memref_slice %arg19[%dma_start3A_185, %dma_start3A_186] : memref<2688x16xf32, #tpu.memory_space<vmem>> -> memref<128x16xf32, #tpu.memory_space<vmem>>
      %dma_start3A_188 = arith.constant 2560 : i32
      %dma_start3A_189 = tpu.memref_slice %arg16[%dma_start3A_188] : memref<2688xi32, #tpu.memory_space<vmem>> -> memref<128xi32, #tpu.memory_space<vmem>>
      %dma_start3A_190 = arith.constant 0 : i32
      %dma_start3A_191 = arith.constant 0 : i32
      %dma_start3A_192 = tpu.memref_slice %arg2[%dma_start3A_190, %dma_start3A_191] : memref<6760000x16xf32, #tpu.memory_space<hbm>> -> memref<6760000x16xf32, #tpu.memory_space<hbm>>
      tpu.enqueue_indirect_dma source(%dma_start3A_192 : memref<6760000x16xf32, #tpu.memory_space<hbm>>) target(%dma_start3A_187 : memref<128x16xf32, #tpu.memory_space<vmem>>) offsets(%dma_start3A_189 : memref<128xi32, #tpu.memory_space<vmem>>) semaphore(%arg23 : memref<!tpu.dma_semaphore, #tpu.memory_space<semaphore_mem>>)
      %dma_start3A_193 = arith.constant 0 : i32
      %dma_start3A_194 = arith.constant 0 : i32
      %dma_start3A_195 = tpu.memref_slice %arg7[%dma_start3A_193, %dma_start3A_194] : memref<260000x16xf32, #tpu.memory_space<hbm>> -> memref<260000x16xf32, #tpu.memory_space<hbm>>
      tpu.enqueue_indirect_dma source(%dma_start3A_195 : memref<260000x16xf32, #tpu.memory_space<hbm>>) target(%arg21 : memref<128x16xf32, #tpu.memory_space<vmem>>) offsets(%arg17 : memref<128xi32, #tpu.memory_space<vmem>>) semaphore(%arg24 : memref<!tpu.dma_semaphore, #tpu.memory_space<semaphore_mem>>)
      %dma_start3A_196 = arith.constant 0 : i32
      %dma_start3A_197 = arith.constant 0 : i32
      %dma_start3A_198 = tpu.memref_slice %arg8[%dma_start3A_196, %dma_start3A_197] : memref<16250x16xf32, #tpu.memory_space<hbm>> -> memref<16250x16xf32, #tpu.memory_space<hbm>>
      tpu.enqueue_indirect_dma source(%dma_start3A_198 : memref<16250x16xf32, #tpu.memory_space<hbm>>) target(%arg22 : memref<128x16xf32, #tpu.memory_space<vmem>>) offsets(%arg18 : memref<128xi32, #tpu.memory_space<vmem>>) semaphore(%arg24 : memref<!tpu.dma_semaphore, #tpu.memory_space<semaphore_mem>>)
      %dma_wait3A = arith.constant 0 : i32
      %dma_wait3A_199 = arith.constant 0 : i32
      %dma_wait3A_200 = tpu.memref_slice %arg19[%dma_wait3A, %dma_wait3A_199] : memref<2688x16xf32, #tpu.memory_space<vmem>> -> memref<128x16xf32, #tpu.memory_space<vmem>>
      %dma_wait3A_201 = arith.constant 0 : i32
      %dma_wait3A_202 = tpu.memref_slice %arg16[%dma_wait3A_201] : memref<2688xi32, #tpu.memory_space<vmem>> -> memref<128xi32, #tpu.memory_space<vmem>>
      %dma_wait3A_203 = arith.constant 0 : i32
      %dma_wait3A_204 = arith.constant 0 : i32
      %dma_wait3A_205 = tpu.memref_slice %arg2[%dma_wait3A_203, %dma_wait3A_204] : memref<6760000x16xf32, #tpu.memory_space<hbm>> -> memref<6760000x16xf32, #tpu.memory_space<hbm>>
      tpu.wait_indirect_dma semaphore(%arg23 : memref<!tpu.dma_semaphore, #tpu.memory_space<semaphore_mem>>) src(%dma_wait3A_205 : memref<6760000x16xf32, #tpu.memory_space<hbm>>) dst(%dma_wait3A_200 : memref<128x16xf32, #tpu.memory_space<vmem>>)
      %dma_wait3A_206 = arith.constant 128 : i32
      %dma_wait3A_207 = arith.constant 0 : i32
      %dma_wait3A_208 = tpu.memref_slice %arg19[%dma_wait3A_206, %dma_wait3A_207] : memref<2688x16xf32, #tpu.memory_space<vmem>> -> memref<128x16xf32, #tpu.memory_space<vmem>>
      %dma_wait3A_209 = arith.constant 128 : i32
      %dma_wait3A_210 = tpu.memref_slice %arg16[%dma_wait3A_209] : memref<2688xi32, #tpu.memory_space<vmem>> -> memref<128xi32, #tpu.memory_space<vmem>>
      %dma_wait3A_211 = arith.constant 0 : i32
      %dma_wait3A_212 = arith.constant 0 : i32
      %dma_wait3A_213 = tpu.memref_slice %arg2[%dma_wait3A_211, %dma_wait3A_212] : memref<6760000x16xf32, #tpu.memory_space<hbm>> -> memref<6760000x16xf32, #tpu.memory_space<hbm>>
      tpu.wait_indirect_dma semaphore(%arg23 : memref<!tpu.dma_semaphore, #tpu.memory_space<semaphore_mem>>) src(%dma_wait3A_213 : memref<6760000x16xf32, #tpu.memory_space<hbm>>) dst(%dma_wait3A_208 : memref<128x16xf32, #tpu.memory_space<vmem>>)
      %dma_wait3A_214 = arith.constant 256 : i32
      %dma_wait3A_215 = arith.constant 0 : i32
      %dma_wait3A_216 = tpu.memref_slice %arg19[%dma_wait3A_214, %dma_wait3A_215] : memref<2688x16xf32, #tpu.memory_space<vmem>> -> memref<128x16xf32, #tpu.memory_space<vmem>>
      %dma_wait3A_217 = arith.constant 256 : i32
      %dma_wait3A_218 = tpu.memref_slice %arg16[%dma_wait3A_217] : memref<2688xi32, #tpu.memory_space<vmem>> -> memref<128xi32, #tpu.memory_space<vmem>>
      %dma_wait3A_219 = arith.constant 0 : i32
      %dma_wait3A_220 = arith.constant 0 : i32
      %dma_wait3A_221 = tpu.memref_slice %arg2[%dma_wait3A_219, %dma_wait3A_220] : memref<6760000x16xf32, #tpu.memory_space<hbm>> -> memref<6760000x16xf32, #tpu.memory_space<hbm>>
      tpu.wait_indirect_dma semaphore(%arg23 : memref<!tpu.dma_semaphore, #tpu.memory_space<semaphore_mem>>) src(%dma_wait3A_221 : memref<6760000x16xf32, #tpu.memory_space<hbm>>) dst(%dma_wait3A_216 : memref<128x16xf32, #tpu.memory_space<vmem>>)
      %dma_wait3A_222 = arith.constant 384 : i32
      %dma_wait3A_223 = arith.constant 0 : i32
      %dma_wait3A_224 = tpu.memref_slice %arg19[%dma_wait3A_222, %dma_wait3A_223] : memref<2688x16xf32, #tpu.memory_space<vmem>> -> memref<128x16xf32, #tpu.memory_space<vmem>>
      %dma_wait3A_225 = arith.constant 384 : i32
      %dma_wait3A_226 = tpu.memref_slice %arg16[%dma_wait3A_225] : memref<2688xi32, #tpu.memory_space<vmem>> -> memref<128xi32, #tpu.memory_space<vmem>>
      %dma_wait3A_227 = arith.constant 0 : i32
      %dma_wait3A_228 = arith.constant 0 : i32
      %dma_wait3A_229 = tpu.memref_slice %arg2[%dma_wait3A_227, %dma_wait3A_228] : memref<6760000x16xf32, #tpu.memory_space<hbm>> -> memref<6760000x16xf32, #tpu.memory_space<hbm>>
      tpu.wait_indirect_dma semaphore(%arg23 : memref<!tpu.dma_semaphore, #tpu.memory_space<semaphore_mem>>) src(%dma_wait3A_229 : memref<6760000x16xf32, #tpu.memory_space<hbm>>) dst(%dma_wait3A_224 : memref<128x16xf32, #tpu.memory_space<vmem>>)
      %dma_wait3A_230 = arith.constant 512 : i32
      %dma_wait3A_231 = arith.constant 0 : i32
      %dma_wait3A_232 = tpu.memref_slice %arg19[%dma_wait3A_230, %dma_wait3A_231] : memref<2688x16xf32, #tpu.memory_space<vmem>> -> memref<128x16xf32, #tpu.memory_space<vmem>>
      %dma_wait3A_233 = arith.constant 512 : i32
      %dma_wait3A_234 = tpu.memref_slice %arg16[%dma_wait3A_233] : memref<2688xi32, #tpu.memory_space<vmem>> -> memref<128xi32, #tpu.memory_space<vmem>>
      %dma_wait3A_235 = arith.constant 0 : i32
      %dma_wait3A_236 = arith.constant 0 : i32
      %dma_wait3A_237 = tpu.memref_slice %arg2[%dma_wait3A_235, %dma_wait3A_236] : memref<6760000x16xf32, #tpu.memory_space<hbm>> -> memref<6760000x16xf32, #tpu.memory_space<hbm>>
      tpu.wait_indirect_dma semaphore(%arg23 : memref<!tpu.dma_semaphore, #tpu.memory_space<semaphore_mem>>) src(%dma_wait3A_237 : memref<6760000x16xf32, #tpu.memory_space<hbm>>) dst(%dma_wait3A_232 : memref<128x16xf32, #tpu.memory_space<vmem>>)
      %dma_wait3A_238 = arith.constant 640 : i32
      %dma_wait3A_239 = arith.constant 0 : i32
      %dma_wait3A_240 = tpu.memref_slice %arg19[%dma_wait3A_238, %dma_wait3A_239] : memref<2688x16xf32, #tpu.memory_space<vmem>> -> memref<128x16xf32, #tpu.memory_space<vmem>>
      %dma_wait3A_241 = arith.constant 640 : i32
      %dma_wait3A_242 = tpu.memref_slice %arg16[%dma_wait3A_241] : memref<2688xi32, #tpu.memory_space<vmem>> -> memref<128xi32, #tpu.memory_space<vmem>>
      %dma_wait3A_243 = arith.constant 0 : i32
      %dma_wait3A_244 = arith.constant 0 : i32
      %dma_wait3A_245 = tpu.memref_slice %arg2[%dma_wait3A_243, %dma_wait3A_244] : memref<6760000x16xf32, #tpu.memory_space<hbm>> -> memref<6760000x16xf32, #tpu.memory_space<hbm>>
      tpu.wait_indirect_dma semaphore(%arg23 : memref<!tpu.dma_semaphore, #tpu.memory_space<semaphore_mem>>) src(%dma_wait3A_245 : memref<6760000x16xf32, #tpu.memory_space<hbm>>) dst(%dma_wait3A_240 : memref<128x16xf32, #tpu.memory_space<vmem>>)
      %dma_wait3A_246 = arith.constant 768 : i32
      %dma_wait3A_247 = arith.constant 0 : i32
      %dma_wait3A_248 = tpu.memref_slice %arg19[%dma_wait3A_246, %dma_wait3A_247] : memref<2688x16xf32, #tpu.memory_space<vmem>> -> memref<128x16xf32, #tpu.memory_space<vmem>>
      %dma_wait3A_249 = arith.constant 768 : i32
      %dma_wait3A_250 = tpu.memref_slice %arg16[%dma_wait3A_249] : memref<2688xi32, #tpu.memory_space<vmem>> -> memref<128xi32, #tpu.memory_space<vmem>>
      %dma_wait3A_251 = arith.constant 0 : i32
      %dma_wait3A_252 = arith.constant 0 : i32
      %dma_wait3A_253 = tpu.memref_slice %arg2[%dma_wait3A_251, %dma_wait3A_252] : memref<6760000x16xf32, #tpu.memory_space<hbm>> -> memref<6760000x16xf32, #tpu.memory_space<hbm>>
      tpu.wait_indirect_dma semaphore(%arg23 : memref<!tpu.dma_semaphore, #tpu.memory_space<semaphore_mem>>) src(%dma_wait3A_253 : memref<6760000x16xf32, #tpu.memory_space<hbm>>) dst(%dma_wait3A_248 : memref<128x16xf32, #tpu.memory_space<vmem>>)
      %dma_wait3A_254 = arith.constant 896 : i32
      %dma_wait3A_255 = arith.constant 0 : i32
      %dma_wait3A_256 = tpu.memref_slice %arg19[%dma_wait3A_254, %dma_wait3A_255] : memref<2688x16xf32, #tpu.memory_space<vmem>> -> memref<128x16xf32, #tpu.memory_space<vmem>>
      %dma_wait3A_257 = arith.constant 896 : i32
      %dma_wait3A_258 = tpu.memref_slice %arg16[%dma_wait3A_257] : memref<2688xi32, #tpu.memory_space<vmem>> -> memref<128xi32, #tpu.memory_space<vmem>>
      %dma_wait3A_259 = arith.constant 0 : i32
      %dma_wait3A_260 = arith.constant 0 : i32
      %dma_wait3A_261 = tpu.memref_slice %arg2[%dma_wait3A_259, %dma_wait3A_260] : memref<6760000x16xf32, #tpu.memory_space<hbm>> -> memref<6760000x16xf32, #tpu.memory_space<hbm>>
      tpu.wait_indirect_dma semaphore(%arg23 : memref<!tpu.dma_semaphore, #tpu.memory_space<semaphore_mem>>) src(%dma_wait3A_261 : memref<6760000x16xf32, #tpu.memory_space<hbm>>) dst(%dma_wait3A_256 : memref<128x16xf32, #tpu.memory_space<vmem>>)
      %dma_wait3A_262 = arith.constant 1024 : i32
      %dma_wait3A_263 = arith.constant 0 : i32
      %dma_wait3A_264 = tpu.memref_slice %arg19[%dma_wait3A_262, %dma_wait3A_263] : memref<2688x16xf32, #tpu.memory_space<vmem>> -> memref<128x16xf32, #tpu.memory_space<vmem>>
      %dma_wait3A_265 = arith.constant 1024 : i32
      %dma_wait3A_266 = tpu.memref_slice %arg16[%dma_wait3A_265] : memref<2688xi32, #tpu.memory_space<vmem>> -> memref<128xi32, #tpu.memory_space<vmem>>
      %dma_wait3A_267 = arith.constant 0 : i32
      %dma_wait3A_268 = arith.constant 0 : i32
      %dma_wait3A_269 = tpu.memref_slice %arg2[%dma_wait3A_267, %dma_wait3A_268] : memref<6760000x16xf32, #tpu.memory_space<hbm>> -> memref<6760000x16xf32, #tpu.memory_space<hbm>>
      tpu.wait_indirect_dma semaphore(%arg23 : memref<!tpu.dma_semaphore, #tpu.memory_space<semaphore_mem>>) src(%dma_wait3A_269 : memref<6760000x16xf32, #tpu.memory_space<hbm>>) dst(%dma_wait3A_264 : memref<128x16xf32, #tpu.memory_space<vmem>>)
      %dma_wait3A_270 = arith.constant 1152 : i32
      %dma_wait3A_271 = arith.constant 0 : i32
      %dma_wait3A_272 = tpu.memref_slice %arg19[%dma_wait3A_270, %dma_wait3A_271] : memref<2688x16xf32, #tpu.memory_space<vmem>> -> memref<128x16xf32, #tpu.memory_space<vmem>>
      %dma_wait3A_273 = arith.constant 1152 : i32
      %dma_wait3A_274 = tpu.memref_slice %arg16[%dma_wait3A_273] : memref<2688xi32, #tpu.memory_space<vmem>> -> memref<128xi32, #tpu.memory_space<vmem>>
      %dma_wait3A_275 = arith.constant 0 : i32
      %dma_wait3A_276 = arith.constant 0 : i32
      %dma_wait3A_277 = tpu.memref_slice %arg2[%dma_wait3A_275, %dma_wait3A_276] : memref<6760000x16xf32, #tpu.memory_space<hbm>> -> memref<6760000x16xf32, #tpu.memory_space<hbm>>
      tpu.wait_indirect_dma semaphore(%arg23 : memref<!tpu.dma_semaphore, #tpu.memory_space<semaphore_mem>>) src(%dma_wait3A_277 : memref<6760000x16xf32, #tpu.memory_space<hbm>>) dst(%dma_wait3A_272 : memref<128x16xf32, #tpu.memory_space<vmem>>)
      %dma_wait3A_278 = arith.constant 1280 : i32
      %dma_wait3A_279 = arith.constant 0 : i32
      %dma_wait3A_280 = tpu.memref_slice %arg19[%dma_wait3A_278, %dma_wait3A_279] : memref<2688x16xf32, #tpu.memory_space<vmem>> -> memref<128x16xf32, #tpu.memory_space<vmem>>
      %dma_wait3A_281 = arith.constant 1280 : i32
      %dma_wait3A_282 = tpu.memref_slice %arg16[%dma_wait3A_281] : memref<2688xi32, #tpu.memory_space<vmem>> -> memref<128xi32, #tpu.memory_space<vmem>>
      %dma_wait3A_283 = arith.constant 0 : i32
      %dma_wait3A_284 = arith.constant 0 : i32
      %dma_wait3A_285 = tpu.memref_slice %arg2[%dma_wait3A_283, %dma_wait3A_284] : memref<6760000x16xf32, #tpu.memory_space<hbm>> -> memref<6760000x16xf32, #tpu.memory_space<hbm>>
      tpu.wait_indirect_dma semaphore(%arg23 : memref<!tpu.dma_semaphore, #tpu.memory_space<semaphore_mem>>) src(%dma_wait3A_285 : memref<6760000x16xf32, #tpu.memory_space<hbm>>) dst(%dma_wait3A_280 : memref<128x16xf32, #tpu.memory_space<vmem>>)
      %dma_wait3A_286 = arith.constant 1408 : i32
      %dma_wait3A_287 = arith.constant 0 : i32
      %dma_wait3A_288 = tpu.memref_slice %arg19[%dma_wait3A_286, %dma_wait3A_287] : memref<2688x16xf32, #tpu.memory_space<vmem>> -> memref<128x16xf32, #tpu.memory_space<vmem>>
      %dma_wait3A_289 = arith.constant 1408 : i32
      %dma_wait3A_290 = tpu.memref_slice %arg16[%dma_wait3A_289] : memref<2688xi32, #tpu.memory_space<vmem>> -> memref<128xi32, #tpu.memory_space<vmem>>
      %dma_wait3A_291 = arith.constant 0 : i32
      %dma_wait3A_292 = arith.constant 0 : i32
      %dma_wait3A_293 = tpu.memref_slice %arg2[%dma_wait3A_291, %dma_wait3A_292] : memref<6760000x16xf32, #tpu.memory_space<hbm>> -> memref<6760000x16xf32, #tpu.memory_space<hbm>>
      tpu.wait_indirect_dma semaphore(%arg23 : memref<!tpu.dma_semaphore, #tpu.memory_space<semaphore_mem>>) src(%dma_wait3A_293 : memref<6760000x16xf32, #tpu.memory_space<hbm>>) dst(%dma_wait3A_288 : memref<128x16xf32, #tpu.memory_space<vmem>>)
      %dma_wait3A_294 = arith.constant 1536 : i32
      %dma_wait3A_295 = arith.constant 0 : i32
      %dma_wait3A_296 = tpu.memref_slice %arg19[%dma_wait3A_294, %dma_wait3A_295] : memref<2688x16xf32, #tpu.memory_space<vmem>> -> memref<128x16xf32, #tpu.memory_space<vmem>>
      %dma_wait3A_297 = arith.constant 1536 : i32
      %dma_wait3A_298 = tpu.memref_slice %arg16[%dma_wait3A_297] : memref<2688xi32, #tpu.memory_space<vmem>> -> memref<128xi32, #tpu.memory_space<vmem>>
      %dma_wait3A_299 = arith.constant 0 : i32
      %dma_wait3A_300 = arith.constant 0 : i32
      %dma_wait3A_301 = tpu.memref_slice %arg2[%dma_wait3A_299, %dma_wait3A_300] : memref<6760000x16xf32, #tpu.memory_space<hbm>> -> memref<6760000x16xf32, #tpu.memory_space<hbm>>
      tpu.wait_indirect_dma semaphore(%arg23 : memref<!tpu.dma_semaphore, #tpu.memory_space<semaphore_mem>>) src(%dma_wait3A_301 : memref<6760000x16xf32, #tpu.memory_space<hbm>>) dst(%dma_wait3A_296 : memref<128x16xf32, #tpu.memory_space<vmem>>)
      %dma_wait3A_302 = arith.constant 1664 : i32
      %dma_wait3A_303 = arith.constant 0 : i32
      %dma_wait3A_304 = tpu.memref_slice %arg19[%dma_wait3A_302, %dma_wait3A_303] : memref<2688x16xf32, #tpu.memory_space<vmem>> -> memref<128x16xf32, #tpu.memory_space<vmem>>
      %dma_wait3A_305 = arith.constant 1664 : i32
      %dma_wait3A_306 = tpu.memref_slice %arg16[%dma_wait3A_305] : memref<2688xi32, #tpu.memory_space<vmem>> -> memref<128xi32, #tpu.memory_space<vmem>>
      %dma_wait3A_307 = arith.constant 0 : i32
      %dma_wait3A_308 = arith.constant 0 : i32
      %dma_wait3A_309 = tpu.memref_slice %arg2[%dma_wait3A_307, %dma_wait3A_308] : memref<6760000x16xf32, #tpu.memory_space<hbm>> -> memref<6760000x16xf32, #tpu.memory_space<hbm>>
      tpu.wait_indirect_dma semaphore(%arg23 : memref<!tpu.dma_semaphore, #tpu.memory_space<semaphore_mem>>) src(%dma_wait3A_309 : memref<6760000x16xf32, #tpu.memory_space<hbm>>) dst(%dma_wait3A_304 : memref<128x16xf32, #tpu.memory_space<vmem>>)
      %dma_wait3A_310 = arith.constant 1792 : i32
      %dma_wait3A_311 = arith.constant 0 : i32
      %dma_wait3A_312 = tpu.memref_slice %arg19[%dma_wait3A_310, %dma_wait3A_311] : memref<2688x16xf32, #tpu.memory_space<vmem>> -> memref<128x16xf32, #tpu.memory_space<vmem>>
      %dma_wait3A_313 = arith.constant 1792 : i32
      %dma_wait3A_314 = tpu.memref_slice %arg16[%dma_wait3A_313] : memref<2688xi32, #tpu.memory_space<vmem>> -> memref<128xi32, #tpu.memory_space<vmem>>
      %dma_wait3A_315 = arith.constant 0 : i32
      %dma_wait3A_316 = arith.constant 0 : i32
      %dma_wait3A_317 = tpu.memref_slice %arg2[%dma_wait3A_315, %dma_wait3A_316] : memref<6760000x16xf32, #tpu.memory_space<hbm>> -> memref<6760000x16xf32, #tpu.memory_space<hbm>>
      tpu.wait_indirect_dma semaphore(%arg23 : memref<!tpu.dma_semaphore, #tpu.memory_space<semaphore_mem>>) src(%dma_wait3A_317 : memref<6760000x16xf32, #tpu.memory_space<hbm>>) dst(%dma_wait3A_312 : memref<128x16xf32, #tpu.memory_space<vmem>>)
      %dma_wait3A_318 = arith.constant 1920 : i32
      %dma_wait3A_319 = arith.constant 0 : i32
      %dma_wait3A_320 = tpu.memref_slice %arg19[%dma_wait3A_318, %dma_wait3A_319] : memref<2688x16xf32, #tpu.memory_space<vmem>> -> memref<128x16xf32, #tpu.memory_space<vmem>>
      %dma_wait3A_321 = arith.constant 1920 : i32
      %dma_wait3A_322 = tpu.memref_slice %arg16[%dma_wait3A_321] : memref<2688xi32, #tpu.memory_space<vmem>> -> memref<128xi32, #tpu.memory_space<vmem>>
      %dma_wait3A_323 = arith.constant 0 : i32
      %dma_wait3A_324 = arith.constant 0 : i32
      %dma_wait3A_325 = tpu.memref_slice %arg2[%dma_wait3A_323, %dma_wait3A_324] : memref<6760000x16xf32, #tpu.memory_space<hbm>> -> memref<6760000x16xf32, #tpu.memory_space<hbm>>
      tpu.wait_indirect_dma semaphore(%arg23 : memref<!tpu.dma_semaphore, #tpu.memory_space<semaphore_mem>>) src(%dma_wait3A_325 : memref<6760000x16xf32, #tpu.memory_space<hbm>>) dst(%dma_wait3A_320 : memref<128x16xf32, #tpu.memory_space<vmem>>)
      %dma_wait3A_326 = arith.constant 2048 : i32
      %dma_wait3A_327 = arith.constant 0 : i32
      %dma_wait3A_328 = tpu.memref_slice %arg19[%dma_wait3A_326, %dma_wait3A_327] : memref<2688x16xf32, #tpu.memory_space<vmem>> -> memref<128x16xf32, #tpu.memory_space<vmem>>
      %dma_wait3A_329 = arith.constant 2048 : i32
      %dma_wait3A_330 = tpu.memref_slice %arg16[%dma_wait3A_329] : memref<2688xi32, #tpu.memory_space<vmem>> -> memref<128xi32, #tpu.memory_space<vmem>>
      %dma_wait3A_331 = arith.constant 0 : i32
      %dma_wait3A_332 = arith.constant 0 : i32
      %dma_wait3A_333 = tpu.memref_slice %arg2[%dma_wait3A_331, %dma_wait3A_332] : memref<6760000x16xf32, #tpu.memory_space<hbm>> -> memref<6760000x16xf32, #tpu.memory_space<hbm>>
      tpu.wait_indirect_dma semaphore(%arg23 : memref<!tpu.dma_semaphore, #tpu.memory_space<semaphore_mem>>) src(%dma_wait3A_333 : memref<6760000x16xf32, #tpu.memory_space<hbm>>) dst(%dma_wait3A_328 : memref<128x16xf32, #tpu.memory_space<vmem>>)
      %dma_wait3A_334 = arith.constant 2176 : i32
      %dma_wait3A_335 = arith.constant 0 : i32
      %dma_wait3A_336 = tpu.memref_slice %arg19[%dma_wait3A_334, %dma_wait3A_335] : memref<2688x16xf32, #tpu.memory_space<vmem>> -> memref<128x16xf32, #tpu.memory_space<vmem>>
      %dma_wait3A_337 = arith.constant 2176 : i32
      %dma_wait3A_338 = tpu.memref_slice %arg16[%dma_wait3A_337] : memref<2688xi32, #tpu.memory_space<vmem>> -> memref<128xi32, #tpu.memory_space<vmem>>
      %dma_wait3A_339 = arith.constant 0 : i32
      %dma_wait3A_340 = arith.constant 0 : i32
      %dma_wait3A_341 = tpu.memref_slice %arg2[%dma_wait3A_339, %dma_wait3A_340] : memref<6760000x16xf32, #tpu.memory_space<hbm>> -> memref<6760000x16xf32, #tpu.memory_space<hbm>>
      tpu.wait_indirect_dma semaphore(%arg23 : memref<!tpu.dma_semaphore, #tpu.memory_space<semaphore_mem>>) src(%dma_wait3A_341 : memref<6760000x16xf32, #tpu.memory_space<hbm>>) dst(%dma_wait3A_336 : memref<128x16xf32, #tpu.memory_space<vmem>>)
      %dma_wait3A_342 = arith.constant 2304 : i32
      %dma_wait3A_343 = arith.constant 0 : i32
      %dma_wait3A_344 = tpu.memref_slice %arg19[%dma_wait3A_342, %dma_wait3A_343] : memref<2688x16xf32, #tpu.memory_space<vmem>> -> memref<128x16xf32, #tpu.memory_space<vmem>>
      %dma_wait3A_345 = arith.constant 2304 : i32
      %dma_wait3A_346 = tpu.memref_slice %arg16[%dma_wait3A_345] : memref<2688xi32, #tpu.memory_space<vmem>> -> memref<128xi32, #tpu.memory_space<vmem>>
      %dma_wait3A_347 = arith.constant 0 : i32
      %dma_wait3A_348 = arith.constant 0 : i32
      %dma_wait3A_349 = tpu.memref_slice %arg2[%dma_wait3A_347, %dma_wait3A_348] : memref<6760000x16xf32, #tpu.memory_space<hbm>> -> memref<6760000x16xf32, #tpu.memory_space<hbm>>
      tpu.wait_indirect_dma semaphore(%arg23 : memref<!tpu.dma_semaphore, #tpu.memory_space<semaphore_mem>>) src(%dma_wait3A_349 : memref<6760000x16xf32, #tpu.memory_space<hbm>>) dst(%dma_wait3A_344 : memref<128x16xf32, #tpu.memory_space<vmem>>)
      %dma_wait3A_350 = arith.constant 2432 : i32
      %dma_wait3A_351 = arith.constant 0 : i32
      %dma_wait3A_352 = tpu.memref_slice %arg19[%dma_wait3A_350, %dma_wait3A_351] : memref<2688x16xf32, #tpu.memory_space<vmem>> -> memref<128x16xf32, #tpu.memory_space<vmem>>
      %dma_wait3A_353 = arith.constant 2432 : i32
      %dma_wait3A_354 = tpu.memref_slice %arg16[%dma_wait3A_353] : memref<2688xi32, #tpu.memory_space<vmem>> -> memref<128xi32, #tpu.memory_space<vmem>>
      %dma_wait3A_355 = arith.constant 0 : i32
      %dma_wait3A_356 = arith.constant 0 : i32
      %dma_wait3A_357 = tpu.memref_slice %arg2[%dma_wait3A_355, %dma_wait3A_356] : memref<6760000x16xf32, #tpu.memory_space<hbm>> -> memref<6760000x16xf32, #tpu.memory_space<hbm>>
      tpu.wait_indirect_dma semaphore(%arg23 : memref<!tpu.dma_semaphore, #tpu.memory_space<semaphore_mem>>) src(%dma_wait3A_357 : memref<6760000x16xf32, #tpu.memory_space<hbm>>) dst(%dma_wait3A_352 : memref<128x16xf32, #tpu.memory_space<vmem>>)
      %dma_wait3A_358 = arith.constant 2560 : i32
      %dma_wait3A_359 = arith.constant 0 : i32
      %dma_wait3A_360 = tpu.memref_slice %arg19[%dma_wait3A_358, %dma_wait3A_359] : memref<2688x16xf32, #tpu.memory_space<vmem>> -> memref<128x16xf32, #tpu.memory_space<vmem>>
      %dma_wait3A_361 = arith.constant 2560 : i32
      %dma_wait3A_362 = tpu.memref_slice %arg16[%dma_wait3A_361] : memref<2688xi32, #tpu.memory_space<vmem>> -> memref<128xi32, #tpu.memory_space<vmem>>
      %dma_wait3A_363 = arith.constant 0 : i32
      %dma_wait3A_364 = arith.constant 0 : i32
      %dma_wait3A_365 = tpu.memref_slice %arg2[%dma_wait3A_363, %dma_wait3A_364] : memref<6760000x16xf32, #tpu.memory_space<hbm>> -> memref<6760000x16xf32, #tpu.memory_space<hbm>>
      tpu.wait_indirect_dma semaphore(%arg23 : memref<!tpu.dma_semaphore, #tpu.memory_space<semaphore_mem>>) src(%dma_wait3A_365 : memref<6760000x16xf32, #tpu.memory_space<hbm>>) dst(%dma_wait3A_360 : memref<128x16xf32, #tpu.memory_space<vmem>>)
      %dma_wait3A_366 = arith.constant 0 : i32
      %dma_wait3A_367 = arith.constant 0 : i32
      %dma_wait3A_368 = tpu.memref_slice %arg7[%dma_wait3A_366, %dma_wait3A_367] : memref<260000x16xf32, #tpu.memory_space<hbm>> -> memref<260000x16xf32, #tpu.memory_space<hbm>>
      tpu.wait_indirect_dma semaphore(%arg24 : memref<!tpu.dma_semaphore, #tpu.memory_space<semaphore_mem>>) src(%dma_wait3A_368 : memref<260000x16xf32, #tpu.memory_space<hbm>>) dst(%arg21 : memref<128x16xf32, #tpu.memory_space<vmem>>)
      %dma_wait3A_369 = arith.constant 0 : i32
      %dma_wait3A_370 = arith.constant 0 : i32
      %dma_wait3A_371 = tpu.memref_slice %arg8[%dma_wait3A_369, %dma_wait3A_370] : memref<16250x16xf32, #tpu.memory_space<hbm>> -> memref<16250x16xf32, #tpu.memory_space<hbm>>
      tpu.wait_indirect_dma semaphore(%arg24 : memref<!tpu.dma_semaphore, #tpu.memory_space<semaphore_mem>>) src(%dma_wait3A_371 : memref<16250x16xf32, #tpu.memory_space<hbm>>) dst(%arg22 : memref<128x16xf32, #tpu.memory_space<vmem>>)
      %scan3A_372 = arith.constant 0 : i32
      %scan3A_373 = arith.constant 0 : i32
      %scan3A_374 = arith.constant 325 : i32
      %scan3A_375 = arith.addi %scan3A_373, %scan3A_374 : i32
      %scan3A_376 = arith.constant 1 : i32
      scf.for %scan3A_404 = %scan3A_373 to %scan3A_375 step %scan3A_376  : i32 {
        %mul3A_405 = arith.constant 2 : i32
        %mul3A_406 = arith.muli %mul3A_405, %scan3A_404 : i32
        %add3A_407 = arith.constant 0 : i32
        %add3A_408 = arith.addi %add3A_407, %mul3A_406 : i32
        %get3A = arith.index_cast %add3A_408 : i32 to index
        %get3A_409 = arith.constant 0 : index
        %get3A_410 = tpu.vector_load %arg19[%get3A, %get3A_409] {strides = array<i32>} : memref<2688x16xf32, #tpu.memory_space<vmem>>, vector<16xf32>,
        %mul3A_411 = arith.constant 2 : i32
        %mul3A_412 = arith.muli %mul3A_411, %scan3A_404 : i32
        %add3A_413 = arith.constant 0 : i32
        %add3A_414 = arith.addi %add3A_413, %mul3A_412 : i32
        %add3A_415 = arith.constant 1 : i32
        %add3A_416 = arith.addi %add3A_414, %add3A_415 : i32
        %get3A_417 = arith.index_cast %add3A_416 : i32 to index
        %get3A_418 = arith.constant 0 : index
        %get3A_419 = tpu.vector_load %arg19[%get3A_417, %get3A_418] {strides = array<i32>} : memref<2688x16xf32, #tpu.memory_space<vmem>>, vector<16xf32>,
        %mul3A_420 = arith.constant 16 : i32
        %mul3A_421 = arith.muli %scan3A_404, %mul3A_420 : i32
        %add3A_422 = arith.constant 0 : i32
        %add3A_423 = arith.addi %add3A_422, %mul3A_421 : i32
        %multiple_of3A_424 = tpu.assume_multiple %add3A_423, 16 : i32
        %mul3A_425 = arith.mulf %get3A_410, %get3A_419 : vector<16xf32>
        %swap3A = arith.index_cast %multiple_of3A_424 : i32 to index
        %swap3A_426 = tpu.vector_load %arg20[%swap3A] {strides = array<i32>} : memref<20800xf32, #tpu.memory_space<vmem>>, vector<16xf32>,
        tpu.vector_store %arg20[%swap3A], %mul3A_425 {strides = array<i32>} : memref<20800xf32, #tpu.memory_space<vmem>>, vector<16xf32>,
      }
      %scan3A_377 = arith.constant 325 : i32
      %scan3A_378 = arith.constant 0 : i32
      %scan3A_379 = arith.constant 0 : i32
      %scan3A_380 = arith.constant 325 : i32
      %scan3A_381 = arith.addi %scan3A_379, %scan3A_380 : i32
      %scan3A_382 = arith.constant 1 : i32
      scf.for %scan3A_404 = %scan3A_379 to %scan3A_381 step %scan3A_382  : i32 {
        %mul3A_405 = arith.constant 2 : i32
        %mul3A_406 = arith.muli %mul3A_405, %scan3A_404 : i32
        %add3A_407 = arith.constant 672 : i32
        %add3A_408 = arith.addi %add3A_407, %mul3A_406 : i32
        %get3A = arith.index_cast %add3A_408 : i32 to index
        %get3A_409 = arith.constant 0 : index
        %get3A_410 = tpu.vector_load %arg19[%get3A, %get3A_409] {strides = array<i32>} : memref<2688x16xf32, #tpu.memory_space<vmem>>, vector<16xf32>,
        %mul3A_411 = arith.constant 2 : i32
        %mul3A_412 = arith.muli %mul3A_411, %scan3A_404 : i32
        %add3A_413 = arith.constant 672 : i32
        %add3A_414 = arith.addi %add3A_413, %mul3A_412 : i32
        %add3A_415 = arith.constant 1 : i32
        %add3A_416 = arith.addi %add3A_414, %add3A_415 : i32
        %get3A_417 = arith.index_cast %add3A_416 : i32 to index
        %get3A_418 = arith.constant 0 : index
        %get3A_419 = tpu.vector_load %arg19[%get3A_417, %get3A_418] {strides = array<i32>} : memref<2688x16xf32, #tpu.memory_space<vmem>>, vector<16xf32>,
        %mul3A_420 = arith.constant 16 : i32
        %mul3A_421 = arith.muli %scan3A_404, %mul3A_420 : i32
        %add3A_422 = arith.constant 5200 : i32
        %add3A_423 = arith.addi %add3A_422, %mul3A_421 : i32
        %multiple_of3A_424 = tpu.assume_multiple %add3A_423, 16 : i32
        %mul3A_425 = arith.mulf %get3A_410, %get3A_419 : vector<16xf32>
        %swap3A = arith.index_cast %multiple_of3A_424 : i32 to index
        %swap3A_426 = tpu.vector_load %arg20[%swap3A] {strides = array<i32>} : memref<20800xf32, #tpu.memory_space<vmem>>, vector<16xf32>,
        tpu.vector_store %arg20[%swap3A], %mul3A_425 {strides = array<i32>} : memref<20800xf32, #tpu.memory_space<vmem>>, vector<16xf32>,
      }
      %scan3A_383 = arith.constant 325 : i32
      %scan3A_384 = arith.constant 0 : i32
      %scan3A_385 = arith.constant 0 : i32
      %scan3A_386 = arith.constant 325 : i32
      %scan3A_387 = arith.addi %scan3A_385, %scan3A_386 : i32
      %scan3A_388 = arith.constant 1 : i32
      scf.for %scan3A_404 = %scan3A_385 to %scan3A_387 step %scan3A_388  : i32 {
        %mul3A_405 = arith.constant 2 : i32
        %mul3A_406 = arith.muli %mul3A_405, %scan3A_404 : i32
        %add3A_407 = arith.constant 1344 : i32
        %add3A_408 = arith.addi %add3A_407, %mul3A_406 : i32
        %get3A = arith.index_cast %add3A_408 : i32 to index
        %get3A_409 = arith.constant 0 : index
        %get3A_410 = tpu.vector_load %arg19[%get3A, %get3A_409] {strides = array<i32>} : memref<2688x16xf32, #tpu.memory_space<vmem>>, vector<16xf32>,
        %mul3A_411 = arith.constant 2 : i32
        %mul3A_412 = arith.muli %mul3A_411, %scan3A_404 : i32
        %add3A_413 = arith.constant 1344 : i32
        %add3A_414 = arith.addi %add3A_413, %mul3A_412 : i32
        %add3A_415 = arith.constant 1 : i32
        %add3A_416 = arith.addi %add3A_414, %add3A_415 : i32
        %get3A_417 = arith.index_cast %add3A_416 : i32 to index
        %get3A_418 = arith.constant 0 : index
        %get3A_419 = tpu.vector_load %arg19[%get3A_417, %get3A_418] {strides = array<i32>} : memref<2688x16xf32, #tpu.memory_space<vmem>>, vector<16xf32>,
        %mul3A_420 = arith.constant 16 : i32
        %mul3A_421 = arith.muli %scan3A_404, %mul3A_420 : i32
        %add3A_422 = arith.constant 10400 : i32
        %add3A_423 = arith.addi %add3A_422, %mul3A_421 : i32
        %multiple_of3A_424 = tpu.assume_multiple %add3A_423, 16 : i32
        %mul3A_425 = arith.mulf %get3A_410, %get3A_419 : vector<16xf32>
        %swap3A = arith.index_cast %multiple_of3A_424 : i32 to index
        %swap3A_426 = tpu.vector_load %arg20[%swap3A] {strides = array<i32>} : memref<20800xf32, #tpu.memory_space<vmem>>, vector<16xf32>,
        tpu.vector_store %arg20[%swap3A], %mul3A_425 {strides = array<i32>} : memref<20800xf32, #tpu.memory_space<vmem>>, vector<16xf32>,
      }
      %scan3A_389 = arith.constant 325 : i32
      %scan3A_390 = arith.constant 0 : i32
      %scan3A_391 = arith.constant 0 : i32
      %scan3A_392 = arith.constant 325 : i32
      %scan3A_393 = arith.addi %scan3A_391, %scan3A_392 : i32
      %scan3A_394 = arith.constant 1 : i32
      scf.for %scan3A_404 = %scan3A_391 to %scan3A_393 step %scan3A_394  : i32 {
        %mul3A_405 = arith.constant 2 : i32
        %mul3A_406 = arith.muli %mul3A_405, %scan3A_404 : i32
        %add3A_407 = arith.constant 2016 : i32
        %add3A_408 = arith.addi %add3A_407, %mul3A_406 : i32
        %get3A = arith.index_cast %add3A_408 : i32 to index
        %get3A_409 = arith.constant 0 : index
        %get3A_410 = tpu.vector_load %arg19[%get3A, %get3A_409] {strides = array<i32>} : memref<2688x16xf32, #tpu.memory_space<vmem>>, vector<16xf32>,
        %mul3A_411 = arith.constant 2 : i32
        %mul3A_412 = arith.muli %mul3A_411, %scan3A_404 : i32
        %add3A_413 = arith.constant 2016 : i32
        %add3A_414 = arith.addi %add3A_413, %mul3A_412 : i32
        %add3A_415 = arith.constant 1 : i32
        %add3A_416 = arith.addi %add3A_414, %add3A_415 : i32
        %get3A_417 = arith.index_cast %add3A_416 : i32 to index
        %get3A_418 = arith.constant 0 : index
        %get3A_419 = tpu.vector_load %arg19[%get3A_417, %get3A_418] {strides = array<i32>} : memref<2688x16xf32, #tpu.memory_space<vmem>>, vector<16xf32>,
        %mul3A_420 = arith.constant 16 : i32
        %mul3A_421 = arith.muli %scan3A_404, %mul3A_420 : i32
        %add3A_422 = arith.constant 15600 : i32
        %add3A_423 = arith.addi %add3A_422, %mul3A_421 : i32
        %multiple_of3A_424 = tpu.assume_multiple %add3A_423, 16 : i32
        %mul3A_425 = arith.mulf %get3A_410, %get3A_419 : vector<16xf32>
        %swap3A = arith.index_cast %multiple_of3A_424 : i32 to index
        %swap3A_426 = tpu.vector_load %arg20[%swap3A] {strides = array<i32>} : memref<20800xf32, #tpu.memory_space<vmem>>, vector<16xf32>,
        tpu.vector_store %arg20[%swap3A], %mul3A_425 {strides = array<i32>} : memref<20800xf32, #tpu.memory_space<vmem>>, vector<16xf32>,
      }
      %scan3A_395 = arith.constant 325 : i32
      %mul3A_396 = arith.constant 325 : i32
      %mul3A_397 = arith.muli %add3A_11, %mul3A_396 : i32
      %mul3A_398 = arith.constant 16 : i32
      %mul3A_399 = arith.muli %mul3A_397, %mul3A_398 : i32
      %multiple_of3A_400 = tpu.assume_multiple %mul3A_399, 20800 : i32
      "tpu.region"() ({
        %run_scoped3A = tpu.sem_alloc : memref<!tpu.dma_semaphore, #tpu.memory_space<semaphore_mem>>
        %dma_start3A_404 = tpu.memref_slice %arg9[%multiple_of3A_400] : memref<21299200xf32, #tpu.memory_space<hbm>> -> memref<20800xf32, #tpu.memory_space<hbm>>
        %dma_start3A_405 = tpu.memref_slice %arg9[%multiple_of3A_400] : memref<21299200xf32, #tpu.memory_space<hbm>> -> memref<20800xf32, #tpu.memory_space<hbm>>
        tpu.enqueue_dma source(%arg20 : memref<20800xf32, #tpu.memory_space<vmem>>) target(%dma_start3A_405 : memref<20800xf32, #tpu.memory_space<hbm>>) target_semaphore(%run_scoped3A : memref<!tpu.dma_semaphore, #tpu.memory_space<semaphore_mem>>)
        %dma_wait3A_406 = tpu.memref_slice %arg9[%multiple_of3A_400] : memref<21299200xf32, #tpu.memory_space<hbm>> -> memref<20800xf32, #tpu.memory_space<hbm>>
        %dma_wait3A_407 = tpu.memref_slice %arg9[%multiple_of3A_400] : memref<21299200xf32, #tpu.memory_space<hbm>> -> memref<20800xf32, #tpu.memory_space<hbm>>
        tpu.wait_dma2 semaphore(%run_scoped3A : memref<!tpu.dma_semaphore, #tpu.memory_space<semaphore_mem>>) src(%arg20 : memref<20800xf32, #tpu.memory_space<vmem>>) dst(%dma_wait3A_407 : memref<20800xf32, #tpu.memory_space<hbm>>)
        tpu.yield
      }) : () -> ()
      %mul3A_401 = arith.constant 32 : i32
      %mul3A_402 = arith.muli %add3A_11, %mul3A_401 : i32
      %multiple_of3A_403 = tpu.assume_multiple %mul3A_402, 128 : i32
      "tpu.region"() ({
        %run_scoped3A = tpu.sem_alloc : memref<!tpu.dma_semaphore, #tpu.memory_space<semaphore_mem>>
        %dma_start3A_404 = arith.constant 0 : i32
        %dma_start3A_405 = tpu.memref_slice %arg10[%multiple_of3A_403, %dma_start3A_404] : memref<131072x16xf32, #tpu.memory_space<hbm>> -> memref<128x16xf32, #tpu.memory_space<hbm>>
        %dma_start3A_406 = arith.constant 0 : i32
        %dma_start3A_407 = tpu.memref_slice %arg10[%multiple_of3A_403, %dma_start3A_406] : memref<131072x16xf32, #tpu.memory_space<hbm>> -> memref<128x16xf32, #tpu.memory_space<hbm>>
        tpu.enqueue_dma source(%arg21 : memref<128x16xf32, #tpu.memory_space<vmem>>) target(%dma_start3A_407 : memref<128x16xf32, #tpu.memory_space<hbm>>) target_semaphore(%run_scoped3A : memref<!tpu.dma_semaphore, #tpu.memory_space<semaphore_mem>>)
        %dma_wait3A_408 = arith.constant 0 : i32
        %dma_wait3A_409 = tpu.memref_slice %arg10[%multiple_of3A_403, %dma_wait3A_408] : memref<131072x16xf32, #tpu.memory_space<hbm>> -> memref<128x16xf32, #tpu.memory_space<hbm>>
        %dma_wait3A_410 = arith.constant 0 : i32
        %dma_wait3A_411 = tpu.memref_slice %arg10[%multiple_of3A_403, %dma_wait3A_410] : memref<131072x16xf32, #tpu.memory_space<hbm>> -> memref<128x16xf32, #tpu.memory_space<hbm>>
        tpu.wait_dma2 semaphore(%run_scoped3A : memref<!tpu.dma_semaphore, #tpu.memory_space<semaphore_mem>>) src(%arg21 : memref<128x16xf32, #tpu.memory_space<vmem>>) dst(%dma_wait3A_411 : memref<128x16xf32, #tpu.memory_space<hbm>>)
        tpu.yield
      }) : () -> ()
      "tpu.region"() ({
        %run_scoped3A = tpu.sem_alloc : memref<!tpu.dma_semaphore, #tpu.memory_space<semaphore_mem>>
        %dma_start3A_404 = arith.constant 0 : i32
        %dma_start3A_405 = tpu.memref_slice %arg11[%multiple_of3A_403, %dma_start3A_404] : memref<131072x16xf32, #tpu.memory_space<hbm>> -> memref<128x16xf32, #tpu.memory_space<hbm>>
        %dma_start3A_406 = arith.constant 0 : i32
        %dma_start3A_407 = tpu.memref_slice %arg11[%multiple_of3A_403, %dma_start3A_406] : memref<131072x16xf32, #tpu.memory_space<hbm>> -> memref<128x16xf32, #tpu.memory_space<hbm>>
        tpu.enqueue_dma source(%arg22 : memref<128x16xf32, #tpu.memory_space<vmem>>) target(%dma_start3A_407 : memref<128x16xf32, #tpu.memory_space<hbm>>) target_semaphore(%run_scoped3A : memref<!tpu.dma_semaphore, #tpu.memory_space<semaphore_mem>>)
        %dma_wait3A_408 = arith.constant 0 : i32
        %dma_wait3A_409 = tpu.memref_slice %arg11[%multiple_of3A_403, %dma_wait3A_408] : memref<131072x16xf32, #tpu.memory_space<hbm>> -> memref<128x16xf32, #tpu.memory_space<hbm>>
        %dma_wait3A_410 = arith.constant 0 : i32
        %dma_wait3A_411 = tpu.memref_slice %arg11[%multiple_of3A_403, %dma_wait3A_410] : memref<131072x16xf32, #tpu.memory_space<hbm>> -> memref<128x16xf32, #tpu.memory_space<hbm>>
        tpu.wait_dma2 semaphore(%run_scoped3A : memref<!tpu.dma_semaphore, #tpu.memory_space<semaphore_mem>>) src(%arg22 : memref<128x16xf32, #tpu.memory_space<vmem>>) dst(%dma_wait3A_411 : memref<128x16xf32, #tpu.memory_space<hbm>>)
        tpu.yield
      }) : () -> ()
    }
    %scan3A_5 = arith.constant 32 : i32
    return
  }
}

module attributes {stable_mosaic.version = 14 : i64} {
  func.func @_tc_body(%arg0: i32, %arg1: memref<512x5200xf32, #tpu.memory_space<vmem>>, %arg2: memref<512x512xf32, #tpu.memory_space<vmem>>, %arg3: memref<512x512xf32, #tpu.memory_space<vmem>>, %arg4: memref<512x512xf32, #tpu.memory_space<vmem>>, %arg5: memref<1x1xf32, #tpu.memory_space<vmem>>, %arg6: memref<512x64xf32, #tpu.memory_space<vmem>>, %arg7: memref<1x64xf32, #tpu.memory_space<vmem>>, %arg8: memref<1x64xf32, #tpu.memory_space<vmem>>, %arg9: memref<1x64xf32, #tpu.memory_space<vmem>>, %arg10: memref<64x64xf32, #tpu.memory_space<vmem>>, %arg11: memref<1x64xf32, #tpu.memory_space<vmem>>, %arg12: memref<1x64xf32, #tpu.memory_space<vmem>>, %arg13: memref<1x64xf32, #tpu.memory_space<vmem>>, %arg14: memref<5201x64xf32, #tpu.memory_space<vmem>>, %arg15: memref<64x64xf32, #tpu.memory_space<vmem>>, %arg16: memref<1x64xf32, #tpu.memory_space<vmem>>, %arg17: memref<1x64xf32, #tpu.memory_space<vmem>>, %arg18: memref<1x64xf32, #tpu.memory_space<vmem>>, %arg19: memref<64x32xf32, #tpu.memory_space<vmem>>, %arg20: memref<1x32xf32, #tpu.memory_space<vmem>>, %arg21: memref<1x32xf32, #tpu.memory_space<vmem>>, %arg22: memref<1x32xf32, #tpu.memory_space<vmem>>, %arg23: memref<32x1xf32, #tpu.memory_space<vmem>>, %arg24: memref<1x1xf32, #tpu.memory_space<vmem>>, %arg25: memref<512x1xf32, #tpu.memory_space<vmem>>) attributes {dimension_semantics = [#tpu.dimension_semantics<arbitrary>], iteration_bounds = array<i64: 8>, scalar_prefetch = 0 : i64, scratch_operands = 0 : i64, tpu.core_type = #tpu.core_type<tc>, window_params = [{transform_indices = @transform_0, window_bounds = array<i64: 512, 5200>}, {transform_indices = @transform_1, window_bounds = array<i64: 512, 512>}, {transform_indices = @transform_2, window_bounds = array<i64: 512, 512>}, {transform_indices = @transform_3, window_bounds = array<i64: 512, 512>}, {pipeline_mode = #tpu.pipeline_mode<synchronous>, transform_indices = @transform_4, window_bounds = array<i64: 1, 1>}, {pipeline_mode = #tpu.pipeline_mode<synchronous>, transform_indices = @transform_5, window_bounds = array<i64: 512, 64>}, {pipeline_mode = #tpu.pipeline_mode<synchronous>, transform_indices = @transform_6, window_bounds = array<i64: 1, 64>}, {pipeline_mode = #tpu.pipeline_mode<synchronous>, transform_indices = @transform_7, window_bounds = array<i64: 1, 64>}, {pipeline_mode = #tpu.pipeline_mode<synchronous>, transform_indices = @transform_8, window_bounds = array<i64: 1, 64>}, {pipeline_mode = #tpu.pipeline_mode<synchronous>, transform_indices = @transform_9, window_bounds = array<i64: 64, 64>}, {pipeline_mode = #tpu.pipeline_mode<synchronous>, transform_indices = @transform_10, window_bounds = array<i64: 1, 64>}, {pipeline_mode = #tpu.pipeline_mode<synchronous>, transform_indices = @transform_11, window_bounds = array<i64: 1, 64>}, {pipeline_mode = #tpu.pipeline_mode<synchronous>, transform_indices = @transform_12, window_bounds = array<i64: 1, 64>}, {pipeline_mode = #tpu.pipeline_mode<synchronous>, transform_indices = @transform_13, window_bounds = array<i64: 5201, 64>}, {pipeline_mode = #tpu.pipeline_mode<synchronous>, transform_indices = @transform_14, window_bounds = array<i64: 64, 64>}, {pipeline_mode = #tpu.pipeline_mode<synchronous>, transform_indices = @transform_15, window_bounds = array<i64: 1, 64>}, {pipeline_mode = #tpu.pipeline_mode<synchronous>, transform_indices = @transform_16, window_bounds = array<i64: 1, 64>}, {pipeline_mode = #tpu.pipeline_mode<synchronous>, transform_indices = @transform_17, window_bounds = array<i64: 1, 64>}, {pipeline_mode = #tpu.pipeline_mode<synchronous>, transform_indices = @transform_18, window_bounds = array<i64: 64, 32>}, {pipeline_mode = #tpu.pipeline_mode<synchronous>, transform_indices = @transform_19, window_bounds = array<i64: 1, 32>}, {pipeline_mode = #tpu.pipeline_mode<synchronous>, transform_indices = @transform_20, window_bounds = array<i64: 1, 32>}, {pipeline_mode = #tpu.pipeline_mode<synchronous>, transform_indices = @transform_21, window_bounds = array<i64: 1, 32>}, {pipeline_mode = #tpu.pipeline_mode<synchronous>, transform_indices = @transform_22, window_bounds = array<i64: 32, 1>}, {pipeline_mode = #tpu.pipeline_mode<synchronous>, transform_indices = @transform_23, window_bounds = array<i64: 1, 1>}, {transform_indices = @transform_24, window_bounds = array<i64: 512, 1>}]} {
    %get3A = arith.constant 0 : index
    %get3A_0 = arith.constant 0 : index
    %get3A_1 = vector.load %arg3[%get3A, %get3A_0] : memref<512x512xf32, #tpu.memory_space<vmem>>, vector<512x512xf32>
    %get3A_2 = arith.constant 0 : index
    %get3A_3 = arith.constant 0 : index
    %get3A_4 = vector.load %arg4[%get3A_2, %get3A_3] : memref<512x512xf32, #tpu.memory_space<vmem>>, vector<512x512xf32>
    %mul3A = arith.mulf %get3A_1, %get3A_4 : vector<512x512xf32>
    %reduce_sum3A = arith.constant dense<0.000000e+00> : vector<512xf32>
    %reduce_sum3A_5 = vector.multi_reduction <add>, %mul3A, %reduce_sum3A [1] : vector<512x512xf32> to vector<512xf32>
    %broadcast_in_dim3A = vector.shape_cast %reduce_sum3A_5 : vector<512xf32> to vector<512x1xf32>
    %get3A_6 = arith.constant 0 : index
    %get3A_7 = arith.constant 0 : index
    %get3A_8 = vector.load %arg5[%get3A_6, %get3A_7] : memref<1x1xf32, #tpu.memory_space<vmem>>, vector<1x1xf32>
    %get3A_9 = vector.extract %get3A_8[0, 0] : f32 from vector<1x1xf32>
    %add3A = vector.broadcast %get3A_9 : f32 to vector<512x1xf32>
    %add3A_10 = arith.addf %broadcast_in_dim3A, %add3A : vector<512x1xf32>
    %get3A_11 = arith.constant 0 : index
    %get3A_12 = arith.constant 0 : index
    %get3A_13 = vector.load %arg2[%get3A_11, %get3A_12] : memref<512x512xf32, #tpu.memory_space<vmem>>, vector<512x512xf32>
    %get3A_14 = arith.constant 0 : index
    %get3A_15 = arith.constant 0 : index
    %get3A_16 = vector.load %arg6[%get3A_14, %get3A_15] : memref<512x64xf32, #tpu.memory_space<vmem>>, vector<512x64xf32>
    %dot_general3A = arith.constant dense<0.000000e+00> : vector<512x64xf32>
    %dot_general3A_17 = tpu.matmul %get3A_13, %get3A_16, %dot_general3A {dimension_numbers = #tpu.dot_dimension_numbers<[1], [0], [0], [1], [0, 0, 1, 1], [], []>, transpose_lhs_hint = false} : vector<512x512xf32>, vector<512x64xf32>, vector<512x64xf32> -> vector<512x64xf32>
    %get3A_18 = arith.constant 0 : index
    %get3A_19 = arith.constant 0 : index
    %get3A_20 = vector.load %arg7[%get3A_18, %get3A_19] : memref<1x64xf32, #tpu.memory_space<vmem>>, vector<1x64xf32>
    %add3A_21 = vector.broadcast %get3A_20 : vector<1x64xf32> to vector<512x64xf32>
    %add3A_22 = arith.addf %dot_general3A_17, %add3A_21 : vector<512x64xf32>
    %get3A_23 = arith.constant 0 : index
    %get3A_24 = arith.constant 0 : index
    %get3A_25 = vector.load %arg8[%get3A_23, %get3A_24] : memref<1x64xf32, #tpu.memory_space<vmem>>, vector<1x64xf32>
    %mul3A_26 = vector.broadcast %get3A_25 : vector<1x64xf32> to vector<512x64xf32>
    %mul3A_27 = arith.mulf %add3A_22, %mul3A_26 : vector<512x64xf32>
    %get3A_28 = arith.constant 0 : index
    %get3A_29 = arith.constant 0 : index
    %get3A_30 = vector.load %arg9[%get3A_28, %get3A_29] : memref<1x64xf32, #tpu.memory_space<vmem>>, vector<1x64xf32>
    %add3A_31 = vector.broadcast %get3A_30 : vector<1x64xf32> to vector<512x64xf32>
    %add3A_32 = arith.addf %mul3A_27, %add3A_31 : vector<512x64xf32>
    %max3A = arith.constant 0.000000e+00 : f32
    %max3A_33 = vector.broadcast %max3A : f32 to vector<512x64xf32>
    %max3A_34 = arith.maximumf %add3A_32, %max3A_33 : vector<512x64xf32>
    %get3A_35 = arith.constant 0 : index
    %get3A_36 = arith.constant 0 : index
    %get3A_37 = vector.load %arg10[%get3A_35, %get3A_36] : memref<64x64xf32, #tpu.memory_space<vmem>>, vector<64x64xf32>
    %dot_general3A_38 = arith.constant dense<0.000000e+00> : vector<512x64xf32>
    %dot_general3A_39 = tpu.matmul %max3A_34, %get3A_37, %dot_general3A_38 {dimension_numbers = #tpu.dot_dimension_numbers<[1], [0], [0], [1], [0, 0, 1, 1], [], []>, transpose_lhs_hint = false} : vector<512x64xf32>, vector<64x64xf32>, vector<512x64xf32> -> vector<512x64xf32>
    %get3A_40 = arith.constant 0 : index
    %get3A_41 = arith.constant 0 : index
    %get3A_42 = vector.load %arg11[%get3A_40, %get3A_41] : memref<1x64xf32, #tpu.memory_space<vmem>>, vector<1x64xf32>
    %add3A_43 = vector.broadcast %get3A_42 : vector<1x64xf32> to vector<512x64xf32>
    %add3A_44 = arith.addf %dot_general3A_39, %add3A_43 : vector<512x64xf32>
    %get3A_45 = arith.constant 0 : index
    %get3A_46 = arith.constant 0 : index
    %get3A_47 = vector.load %arg12[%get3A_45, %get3A_46] : memref<1x64xf32, #tpu.memory_space<vmem>>, vector<1x64xf32>
    %mul3A_48 = vector.broadcast %get3A_47 : vector<1x64xf32> to vector<512x64xf32>
    %mul3A_49 = arith.mulf %add3A_44, %mul3A_48 : vector<512x64xf32>
    %get3A_50 = arith.constant 0 : index
    %get3A_51 = arith.constant 0 : index
    %get3A_52 = vector.load %arg13[%get3A_50, %get3A_51] : memref<1x64xf32, #tpu.memory_space<vmem>>, vector<1x64xf32>
    %add3A_53 = vector.broadcast %get3A_52 : vector<1x64xf32> to vector<512x64xf32>
    %add3A_54 = arith.addf %mul3A_49, %add3A_53 : vector<512x64xf32>
    %max3A_55 = arith.constant 0.000000e+00 : f32
    %max3A_56 = vector.broadcast %max3A_55 : f32 to vector<512x64xf32>
    %max3A_57 = arith.maximumf %add3A_54, %max3A_56 : vector<512x64xf32>
    %get3A_58 = arith.constant 0 : index
    %get3A_59 = arith.constant 0 : index
    %get3A_60 = vector.load %arg1[%get3A_58, %get3A_59] : memref<512x5200xf32, #tpu.memory_space<vmem>>, vector<512x5200xf32>
    %concatenate3A = tpu.concatenate %add3A_10, %get3A_60 in 1 : vector<512x1xf32>, vector<512x5200xf32> -> vector<512x5201xf32>
    %get3A_61 = arith.constant 0 : index
    %get3A_62 = arith.constant 0 : index
    %get3A_63 = vector.load %arg14[%get3A_61, %get3A_62] : memref<5201x64xf32, #tpu.memory_space<vmem>>, vector<5201x64xf32>
    %dot_general3A_64 = arith.constant dense<0.000000e+00> : vector<512x64xf32>
    %dot_general3A_65 = tpu.matmul %concatenate3A, %get3A_63, %dot_general3A_64 {dimension_numbers = #tpu.dot_dimension_numbers<[1], [0], [0], [1], [0, 0, 1, 1], [], []>, transpose_lhs_hint = false} : vector<512x5201xf32>, vector<5201x64xf32>, vector<512x64xf32> -> vector<512x64xf32>
    %get3A_66 = arith.constant 0 : index
    %get3A_67 = arith.constant 0 : index
    %get3A_68 = vector.load %arg15[%get3A_66, %get3A_67] : memref<64x64xf32, #tpu.memory_space<vmem>>, vector<64x64xf32>
    %dot_general3A_69 = arith.constant dense<0.000000e+00> : vector<512x64xf32>
    %dot_general3A_70 = tpu.matmul %max3A_57, %get3A_68, %dot_general3A_69 {dimension_numbers = #tpu.dot_dimension_numbers<[1], [0], [0], [1], [0, 0, 1, 1], [], []>, transpose_lhs_hint = false} : vector<512x64xf32>, vector<64x64xf32>, vector<512x64xf32> -> vector<512x64xf32>
    %add3A_71 = arith.addf %dot_general3A_65, %dot_general3A_70 : vector<512x64xf32>
    %get3A_72 = arith.constant 0 : index
    %get3A_73 = arith.constant 0 : index
    %get3A_74 = vector.load %arg16[%get3A_72, %get3A_73] : memref<1x64xf32, #tpu.memory_space<vmem>>, vector<1x64xf32>
    %add3A_75 = vector.broadcast %get3A_74 : vector<1x64xf32> to vector<512x64xf32>
    %add3A_76 = arith.addf %add3A_71, %add3A_75 : vector<512x64xf32>
    %get3A_77 = arith.constant 0 : index
    %get3A_78 = arith.constant 0 : index
    %get3A_79 = vector.load %arg17[%get3A_77, %get3A_78] : memref<1x64xf32, #tpu.memory_space<vmem>>, vector<1x64xf32>
    %mul3A_80 = vector.broadcast %get3A_79 : vector<1x64xf32> to vector<512x64xf32>
    %mul3A_81 = arith.mulf %add3A_76, %mul3A_80 : vector<512x64xf32>
    %get3A_82 = arith.constant 0 : index
    %get3A_83 = arith.constant 0 : index
    %get3A_84 = vector.load %arg18[%get3A_82, %get3A_83] : memref<1x64xf32, #tpu.memory_space<vmem>>, vector<1x64xf32>
    %add3A_85 = vector.broadcast %get3A_84 : vector<1x64xf32> to vector<512x64xf32>
    %add3A_86 = arith.addf %mul3A_81, %add3A_85 : vector<512x64xf32>
    %max3A_87 = arith.constant 0.000000e+00 : f32
    %max3A_88 = vector.broadcast %max3A_87 : f32 to vector<512x64xf32>
    %max3A_89 = arith.maximumf %add3A_86, %max3A_88 : vector<512x64xf32>
    %get3A_90 = arith.constant 0 : index
    %get3A_91 = arith.constant 0 : index
    %get3A_92 = vector.load %arg19[%get3A_90, %get3A_91] : memref<64x32xf32, #tpu.memory_space<vmem>>, vector<64x32xf32>
    %dot_general3A_93 = arith.constant dense<0.000000e+00> : vector<512x32xf32>
    %dot_general3A_94 = tpu.matmul %max3A_89, %get3A_92, %dot_general3A_93 {dimension_numbers = #tpu.dot_dimension_numbers<[1], [0], [0], [1], [0, 0, 1, 1], [], []>, transpose_lhs_hint = false} : vector<512x64xf32>, vector<64x32xf32>, vector<512x32xf32> -> vector<512x32xf32>
    %get3A_95 = arith.constant 0 : index
    %get3A_96 = arith.constant 0 : index
    %get3A_97 = vector.load %arg20[%get3A_95, %get3A_96] : memref<1x32xf32, #tpu.memory_space<vmem>>, vector<1x32xf32>
    %add3A_98 = vector.broadcast %get3A_97 : vector<1x32xf32> to vector<512x32xf32>
    %add3A_99 = arith.addf %dot_general3A_94, %add3A_98 : vector<512x32xf32>
    %get3A_100 = arith.constant 0 : index
    %get3A_101 = arith.constant 0 : index
    %get3A_102 = vector.load %arg21[%get3A_100, %get3A_101] : memref<1x32xf32, #tpu.memory_space<vmem>>, vector<1x32xf32>
    %mul3A_103 = vector.broadcast %get3A_102 : vector<1x32xf32> to vector<512x32xf32>
    %mul3A_104 = arith.mulf %add3A_99, %mul3A_103 : vector<512x32xf32>
    %get3A_105 = arith.constant 0 : index
    %get3A_106 = arith.constant 0 : index
    %get3A_107 = vector.load %arg22[%get3A_105, %get3A_106] : memref<1x32xf32, #tpu.memory_space<vmem>>, vector<1x32xf32>
    %add3A_108 = vector.broadcast %get3A_107 : vector<1x32xf32> to vector<512x32xf32>
    %add3A_109 = arith.addf %mul3A_104, %add3A_108 : vector<512x32xf32>
    %max3A_110 = arith.constant 0.000000e+00 : f32
    %max3A_111 = vector.broadcast %max3A_110 : f32 to vector<512x32xf32>
    %max3A_112 = arith.maximumf %add3A_109, %max3A_111 : vector<512x32xf32>
    %get3A_113 = arith.constant 0 : index
    %get3A_114 = arith.constant 0 : index
    %get3A_115 = vector.load %arg23[%get3A_113, %get3A_114] : memref<32x1xf32, #tpu.memory_space<vmem>>, vector<32x1xf32>
    %dot_general3A_116 = arith.constant dense<0.000000e+00> : vector<512x1xf32>
    %dot_general3A_117 = tpu.matmul %max3A_112, %get3A_115, %dot_general3A_116 {dimension_numbers = #tpu.dot_dimension_numbers<[1], [0], [0], [1], [0, 0, 1, 1], [], []>, transpose_lhs_hint = false} : vector<512x32xf32>, vector<32x1xf32>, vector<512x1xf32> -> vector<512x1xf32>
    %get3A_118 = arith.constant 0 : index
    %get3A_119 = arith.constant 0 : index
    %get3A_120 = vector.load %arg24[%get3A_118, %get3A_119] : memref<1x1xf32, #tpu.memory_space<vmem>>, vector<1x1xf32>
    %add3A_121 = vector.broadcast %get3A_120 : vector<1x1xf32> to vector<512x1xf32>
    %add3A_122 = arith.addf %dot_general3A_117, %add3A_121 : vector<512x1xf32>
    %swap3A = arith.constant 0 : index
    %swap3A_123 = arith.constant 0 : index
    %swap3A_124 = vector.load %arg25[%swap3A, %swap3A_123] : memref<512x1xf32, #tpu.memory_space<vmem>>, vector<512x1xf32>
    tpu.vector_store %arg25[%swap3A, %swap3A_123], %add3A_122 {strides = array<i32>} : memref<512x1xf32, #tpu.memory_space<vmem>>, vector<512x1xf32>,
    return
  }
  func.func @transform_0(%arg0: i32) -> (i32, i32) {
    %c0_i32 = arith.constant 0 : i32
    %c0_i32_0 = arith.constant 0 : i32
    return %arg0, %c0_i32 : i32, i32
  }
  func.func @transform_1(%arg0: i32) -> (i32, i32) {
    %c0_i32 = arith.constant 0 : i32
    %c0_i32_0 = arith.constant 0 : i32
    return %arg0, %c0_i32 : i32, i32
  }
  func.func @transform_2(%arg0: i32) -> (i32, i32) {
    %c0_i32 = arith.constant 0 : i32
    %c0_i32_0 = arith.constant 0 : i32
    return %arg0, %c0_i32 : i32, i32
  }
  func.func @transform_3(%arg0: i32) -> (i32, i32) {
    %c0_i32 = arith.constant 0 : i32
    %c0_i32_0 = arith.constant 0 : i32
    return %arg0, %c0_i32 : i32, i32
  }
  func.func @transform_4(%arg0: i32) -> (i32, i32) {
    %c0_i32 = arith.constant 0 : i32
    %c0_i32_0 = arith.constant 0 : i32
    %c0_i32_1 = arith.constant 0 : i32
    return %c0_i32, %c0_i32_0 : i32, i32
  }
  func.func @transform_5(%arg0: i32) -> (i32, i32) {
    %c0_i32 = arith.constant 0 : i32
    %c0_i32_0 = arith.constant 0 : i32
    %c0_i32_1 = arith.constant 0 : i32
    return %c0_i32, %c0_i32_0 : i32, i32
  }
  func.func @transform_6(%arg0: i32) -> (i32, i32) {
    %c0_i32 = arith.constant 0 : i32
    %c0_i32_0 = arith.constant 0 : i32
    %c0_i32_1 = arith.constant 0 : i32
    return %c0_i32, %c0_i32_0 : i32, i32
  }
  func.func @transform_7(%arg0: i32) -> (i32, i32) {
    %c0_i32 = arith.constant 0 : i32
    %c0_i32_0 = arith.constant 0 : i32
    %c0_i32_1 = arith.constant 0 : i32
    return %c0_i32, %c0_i32_0 : i32, i32
  }
  func.func @transform_8(%arg0: i32) -> (i32, i32) {
    %c0_i32 = arith.constant 0 : i32
    %c0_i32_0 = arith.constant 0 : i32
    %c0_i32_1 = arith.constant 0 : i32
    return %c0_i32, %c0_i32_0 : i32, i32
  }
  func.func @transform_9(%arg0: i32) -> (i32, i32) {
    %c0_i32 = arith.constant 0 : i32
    %c0_i32_0 = arith.constant 0 : i32
    %c0_i32_1 = arith.constant 0 : i32
    return %c0_i32, %c0_i32_0 : i32, i32
  }
  func.func @transform_10(%arg0: i32) -> (i32, i32) {
    %c0_i32 = arith.constant 0 : i32
    %c0_i32_0 = arith.constant 0 : i32
    %c0_i32_1 = arith.constant 0 : i32
    return %c0_i32, %c0_i32_0 : i32, i32
  }
  func.func @transform_11(%arg0: i32) -> (i32, i32) {
    %c0_i32 = arith.constant 0 : i32
    %c0_i32_0 = arith.constant 0 : i32
    %c0_i32_1 = arith.constant 0 : i32
    return %c0_i32, %c0_i32_0 : i32, i32
  }
  func.func @transform_12(%arg0: i32) -> (i32, i32) {
    %c0_i32 = arith.constant 0 : i32
    %c0_i32_0 = arith.constant 0 : i32
    %c0_i32_1 = arith.constant 0 : i32
    return %c0_i32, %c0_i32_0 : i32, i32
  }
  func.func @transform_13(%arg0: i32) -> (i32, i32) {
    %c0_i32 = arith.constant 0 : i32
    %c0_i32_0 = arith.constant 0 : i32
    %c0_i32_1 = arith.constant 0 : i32
    return %c0_i32, %c0_i32_0 : i32, i32
  }
  func.func @transform_14(%arg0: i32) -> (i32, i32) {
    %c0_i32 = arith.constant 0 : i32
    %c0_i32_0 = arith.constant 0 : i32
    %c0_i32_1 = arith.constant 0 : i32
    return %c0_i32, %c0_i32_0 : i32, i32
  }
  func.func @transform_15(%arg0: i32) -> (i32, i32) {
    %c0_i32 = arith.constant 0 : i32
    %c0_i32_0 = arith.constant 0 : i32
    %c0_i32_1 = arith.constant 0 : i32
    return %c0_i32, %c0_i32_0 : i32, i32
  }
  func.func @transform_16(%arg0: i32) -> (i32, i32) {
    %c0_i32 = arith.constant 0 : i32
    %c0_i32_0 = arith.constant 0 : i32
    %c0_i32_1 = arith.constant 0 : i32
    return %c0_i32, %c0_i32_0 : i32, i32
  }
  func.func @transform_17(%arg0: i32) -> (i32, i32) {
    %c0_i32 = arith.constant 0 : i32
    %c0_i32_0 = arith.constant 0 : i32
    %c0_i32_1 = arith.constant 0 : i32
    return %c0_i32, %c0_i32_0 : i32, i32
  }
  func.func @transform_18(%arg0: i32) -> (i32, i32) {
    %c0_i32 = arith.constant 0 : i32
    %c0_i32_0 = arith.constant 0 : i32
    %c0_i32_1 = arith.constant 0 : i32
    return %c0_i32, %c0_i32_0 : i32, i32
  }
  func.func @transform_19(%arg0: i32) -> (i32, i32) {
    %c0_i32 = arith.constant 0 : i32
    %c0_i32_0 = arith.constant 0 : i32
    %c0_i32_1 = arith.constant 0 : i32
    return %c0_i32, %c0_i32_0 : i32, i32
  }
  func.func @transform_20(%arg0: i32) -> (i32, i32) {
    %c0_i32 = arith.constant 0 : i32
    %c0_i32_0 = arith.constant 0 : i32
    %c0_i32_1 = arith.constant 0 : i32
    return %c0_i32, %c0_i32_0 : i32, i32
  }
  func.func @transform_21(%arg0: i32) -> (i32, i32) {
    %c0_i32 = arith.constant 0 : i32
    %c0_i32_0 = arith.constant 0 : i32
    %c0_i32_1 = arith.constant 0 : i32
    return %c0_i32, %c0_i32_0 : i32, i32
  }
  func.func @transform_22(%arg0: i32) -> (i32, i32) {
    %c0_i32 = arith.constant 0 : i32
    %c0_i32_0 = arith.constant 0 : i32
    %c0_i32_1 = arith.constant 0 : i32
    return %c0_i32, %c0_i32_0 : i32, i32
  }
  func.func @transform_23(%arg0: i32) -> (i32, i32) {
    %c0_i32 = arith.constant 0 : i32
    %c0_i32_0 = arith.constant 0 : i32
    %c0_i32_1 = arith.constant 0 : i32
    return %c0_i32, %c0_i32_0 : i32, i32
  }
  func.func @transform_24(%arg0: i32) -> (i32, i32) {
    %c0_i32 = arith.constant 0 : i32
    %c0_i32_0 = arith.constant 0 : i32
    return %arg0, %c0_i32 : i32, i32
  }
}

</mosaic_0001>

<sc_bundles>
// kernel: kernel.5.cloned.1.call-start
scs
__scs_entry_jumppad:
0x0: {  	(pc) =	sbr.rel $0x88, $3  }
0x1: {  	(tag) =	ssettag $0x0;
	lr =	simm.s32 $0x1  }
0x2: {  	[smem:$0x3F82] =	sst lr;
	_ =	strace $0xD0000000  }
0x3: {  	_ = 	snop  }
0x4: {  	_ = 	snop  }
0x5: {  	_ = 	snop  }
0x6: {  	_ = 	snop  }
0x7: {  	_ = 	snop  }
__scs_overlays_trampoline_lowered:
0x8: {  	[smem:$0x3F91] =	sst s0  }
0x9: {  	[smem:$0x3F92] =	sst s1  }
0xa: {  	[smem:$0x3F93] =	sst s2  }
0xb: {  	[smem:$0x3F94] =	sst s3  }
0xc: {  	[smem:$0x3F95] =	sst s4  }
0xd: {  	[smem:$0x3F96] =	sst s5  }
0xe: {  	[smem:$0x3F97] =	sst s6  }
0xf: {  	[smem:$0x3F98] =	sst s7  }
0x10: {  	[smem:$0x3F99] =	sst s8  }
0x11: {  	[smem:$0x3F9A] =	sst s9;
	s0 =	simm.s32 @!p0 $0x0  }
0x12: {  	s1 =	sld [smem:$0x3F80];
	s0 =	simm.s32 @p0 $0x1  }
0x13: {  	[smem:$0x3F9B] =	sst s0;
	s0 =	simm.s32 @!p1 $0x0  }
0x14: {  	s2 =	sld [smem:$0x3F7F];
	s0 =	simm.s32 @p1 $0x1  }
0x15: {  	[smem:$0x3F9C] =	sst s0;
	s0 =	simm.s32 @!p2 $0x0  }
0x16: {  	s3 =	sld [smem:$0x3FDB];
	s0 =	simm.s32 @p2 $0x1  }
0x17: {  	s4 =	simm.s32 $0x1BF5;
	[smem:$0x3F9E] =	sst s0  }
0x18: {  	s0 =	sld [smem:$0x3F81];
	_ =	swait.ge [sflag:s4], $0x0  }
0x19: {  	s7 =	sld [smem:$0x3F82]  }
0x1a: {  	s8 =	sadd.s32 $0xFFFFE003, lr  }
0x1b: {  	s9 =	sadd.s32 $0xFFFFFEF7, lr;
	s5 =	simm.s32 $0xFFFFFFFF;
	p2 =	slt.u32 s8, $0xFFFFF086  }
0x1c: {  	p1 =	slt.u32 s9, $0xF7A;
	s5 =	simm.s32 @!p2 $0x0  }
0x1d: {  	s5 =	simm.s32 @p1 $0x1;
	p0 =	seq.s32 s7, s2  }
0x1e: {  	s7 =	smul.u32 @!p0 $0xF7A, s2;
	p2 =	seq.s32 @!p0 s5, $0x0  }
0x1f: {  	s9 =	smul.u32 $0xF7A, s1;
	s8 =	simm.s32 @!p0 $0x1BF5;
	p2 =	por !p2, p0  }
0x20: {  	[sflag:s8] =	ssyncset.s32 @!p0 $0xFFFFF086;
	s6 =	sadd.s32 @!p0 s3, s7;
	s7 =	simm.s32 @!p0 $0x108  }
0x21: {  	s3 =	sadd.s32 s3, s9;
	s6 =	sadd.s32 @!p0 $0x88, s6;
	s7 =	simm.s32 @p2 $0x1082  }
0x22: {  	[simem:s7], [sflag:s8] =	dma.local @!p0 [hbm:s6], $0xF7A  }
0x23: {  	s9 =	sor.u32 $0xD0000000, s2;
	s6 =	simm.s32 $0x108;
	_ =	swait.ge @!p0 [sflag:s8], $0x0  }
0x24: {  	s3 =	sadd.s32 $0x88, s3;
	s6 =	simm.s32 @!p1 $0x1082;
	[sflag:s4] =	ssyncset.s32 $0xFFFFF086  }
0x25: {  	[simem:s6], [sflag:s4] =	dma.local [hbm:s3], $0xF7A  }
0x26: {  	[smem:$0x3F82] =	sst s1;
	(tag) =	ssettag s2;
	_ =	strace s9  }
0x27: {  	s1 =	sld [smem:$0x3F92]  }
0x28: {  	s2 =	sld [smem:$0x3F93]  }
0x29: {  	s4 =	sld [smem:$0x3F95]  }
0x2a: {  	p0 =	seq.s32 s5, $0x0;
	s5 =	sld [smem:$0x3F96]  }
0x2b: {  	s6 =	sld [smem:$0x3F97]  }
0x2c: {  	s7 =	sld [smem:$0x3F98]  }
0x2d: {  	s3 =	simm.s32 $0x108;
	s8 =	sld [smem:$0x3F99]  }
0x2e: {  	s3 =	simm.s32 @!p0 $0x1082;
	s9 =	sld [smem:$0x3F9A]  }
0x2f: {  	lr =	sadd.s32 s0, s3;
	s0 =	sld [smem:$0x3F91]  }
0x30: {  	s3 =	sld [smem:$0x3F94]  }
0x31: {  	[smem:$0x3F9D] =	sst s10  }
0x32: {  	s10 =	sld [smem:$0x3F9B];
	_ =	sdelay $0x3  }
0x33: {  	p0 =	seq.s32 s10, $0x1;
	s10 =	sld [smem:$0x3F9D];
	_ =	sdelay $0x3  }
0x34: {  	[smem:$0x3F9D] =	sst s10  }
0x35: {  	s10 =	sld [smem:$0x3F9C];
	_ =	sdelay $0x3  }
0x36: {  	p1 =	seq.s32 s10, $0x1;
	s10 =	sld [smem:$0x3F9D];
	_ =	sdelay $0x3  }
0x37: {  	[smem:$0x3F9D] =	sst s10  }
0x38: {  	s10 =	sld [smem:$0x3F9E]  }
0x39: {  	_ = 	snop;
	(pc) =	sbr.ind lr, $3  }
0x3a: {  	_ = 	snop  }
0x3b: {  	_ = 	snop  }
0x3c: {  	p2 =	seq.s32 s10, $0x1;
	s10 =	sld [smem:$0x3F9D]  }
0x3d: {  	_ =	shalt  }
0x3e: {  	_ =	shalt  }
0x3f: {  	_ =	shalt  }
0x40: {  	_ =	shalt  }
0x41: {  	_ =	shalt  }
0x42: {  	_ =	shalt  }
0x43: {  	_ =	shalt  }
0x44: {  	_ =	shalt  }
0x45: {  	_ =	shalt  }
0x46: {  	_ =	shalt  }
0x47: {  	_ =	shalt  }
0x48: {  	_ =	shalt  }
0x49: {  	_ =	shalt  }
0x4a: {  	_ =	shalt  }
0x4b: {  	_ =	shalt  }
0x4c: {  	_ =	shalt  }
0x4d: {  	_ =	shalt  }
0x4e: {  	_ =	shalt  }
0x4f: {  	_ =	shalt  }
0x50: {  	_ =	shalt  }
0x51: {  	_ =	shalt  }
0x52: {  	_ =	shalt  }
0x53: {  	_ =	shalt  }
0x54: {  	_ =	shalt  }
0x55: {  	_ =	shalt  }
0x56: {  	_ =	shalt  }
0x57: {  	_ =	shalt  }
0x58: {  	_ =	shalt  }
0x59: {  	_ =	shalt  }
0x5a: {  	_ =	shalt  }
0x5b: {  	_ =	shalt  }
0x5c: {  	_ =	shalt  }
0x5d: {  	_ =	shalt  }
0x5e: {  	_ =	shalt  }
0x5f: {  	_ =	shalt  }
0x60: {  	_ =	shalt  }
0x61: {  	_ =	shalt  }
0x62: {  	_ =	shalt  }
0x63: {  	_ =	shalt  }
0x64: {  	_ =	shalt  }
0x65: {  	_ =	shalt  }
0x66: {  	_ =	shalt  }
0x67: {  	_ =	shalt  }
0x68: {  	_ =	shalt  }
0x69: {  	_ =	shalt  }
0x6a: {  	_ =	shalt  }
0x6b: {  	_ =	shalt  }
0x6c: {  	_ =	shalt  }
0x6d: {  	_ =	shalt  }
0x6e: {  	_ =	shalt  }
0x6f: {  	_ =	shalt  }
0x70: {  	_ =	shalt  }
0x71: {  	_ =	shalt  }
0x72: {  	_ =	shalt  }
0x73: {  	_ =	shalt  }
0x74: {  	_ =	shalt  }
0x75: {  	_ =	shalt  }
0x76: {  	_ =	shalt  }
0x77: {  	_ =	shalt  }
0x78: {  	_ =	shalt  }
0x79: {  	_ =	shalt  }
0x7a: {  	_ =	shalt  }
0x7b: {  	_ =	shalt  }
0x7c: {  	_ =	shalt  }
0x7d: {  	_ =	shalt  }
0x7e: {  	_ =	shalt  }
0x7f: {  	_ =	shalt  }
0x80: {  	_ =	shalt  }
0x81: {  	_ =	shalt  }
0x82: {  	_ =	shalt  }
0x83: {  	_ =	shalt  }
0x84: {  	_ =	shalt  }
0x85: {  	_ =	shalt  }
0x86: {  	_ =	shalt  }
0x87: {  	_ =	shalt  }
.Lfunc_end0:
.L_simem_size_0:
called_computation_lowered:
.L_overlay_start_0:
0x88: {  	s2 =	sld [smem:$0x3FD9]  }
0x89: {  	s3 =	sld [smem:$0x3FFE];
	_ =	sdelay $0x1  }
0x8a: {  	s1 =	srdreg.scid  }
0x8b: {  	s0 =	sand.u32 $0x1, s1  }
0x8c: {  	s17 =	sshll.u32 s0, $0xA;
	s2 =	sadd.s32 s3, s2  }
0x8d: {  	s2 =	sadd.s32 s2, s17  }
0x8e: {  	[smem:$0x3FA9] =	sst s2  }
0x8f: {  	_ = 	snop  }
0x90: {  	s2 =	sld [smem:$0x3FC5];
	(tm) =	ssettm $0x1  }
0x91: {  	s18 =	sld [smem:$0x3FFB];
	_ =	sdelay $0x3  }
0x92: {  	_ =	strace s18  }
0x93: {  	s3 =	sld [smem:$0x3FFC];
	_ =	sdelay $0x3  }
0x94: {  	_ =	strace s3  }
0x95: {  	s3 =	sld [smem:$0x3FFD];
	_ =	sdelay $0x3  }
0x96: {  	_ =	strace s3  }
0x97: {  	_ =	strace $0x8FFFFFFF  }
0x98: {  	s19 =	sld [smem:$0x3FDB];
	_ =	sdelay $0x1  }
0x99: {  	s4 =	simm.s32 $_scs_section_size  }
0x9a: {  	s5 =	simm.s32 $_size__tile_overlayer_lowered;
	s6 =	simm.s32 $_tile_overlayer_lowered  }
0x9b: {  	s22 =	simm.s32 $0x1BFF;
	s21 =	sshll.u32 s6, $0x1;
	s3 =	sadd.s32 s4, s19  }
0x9c: {  	s7 =	simm.s32 $0x0;
	s20 =	sshll.u32 s5, $0x1;
	s5 =	sadd.s32 s21, s3  }
0x9d: {  	[timem:s7], [sflag:s22] =	dma.local [hbm:s5], s20  }
0x9e: {  	_ =	swait.ge [sflag:s22], s20  }
0x9f: {  	s4 =	ssub.s32 $0x0, s20;
	[sflag:s22] =	ssyncset.done $0x0  }
0xa0: {  	[sflag:s22] =	ssyncadd.s32 s4;
	_ =	sdelay $0x1  }
0xa1: {  	s23 =	simm.s32 $0x1B8B  }
0xa2: {  	_ =	swait.ge [sflag:s23], $0x1  }
0xa3: {  	[sflag:s23] =	ssyncset.done $0x0  }
0xa4: {  	s25 =	simm.s32 $0x1B8E;
	s24 =	sld [smem:$0x3FFE];
	[sflag:s23] =	ssyncadd.s32 $0xFFFFFFFF  }
0xa5: {  	s26 =	simm.s32 $execute0_lowered;
	[smem:$0x3FD2] =	sst s25  }
0xa6: {  	s5 =	sshll.u32 s26, $0x1;
	_ =	strace $0x80000046;
	[dreg:$0x1] =	wrdreg $0xFFFFFFFF  }
0xa7: {  	s28 =	simm.s32 $_size_execute0_lowered;
	s3 =	sadd.s32 s3, s5;
	[dreg:$0x0] =	wrdreg $0x0  }
0xa8: {  	s5 =	sshll.u32 s28, $0x1;
	[dreg:$0x2] =	wrdreg s3  }
0xa9: {  	[dreg:$0x3] =	wrdreg s5  }
0xaa: {  	[dreg:$0x4] =	wrdreg $0xC0  }
0xab: {  	_ =	task [dreg:s7], $0x5FFFF  }
0xac: {  	[dreg:$0x1] =	wrdreg $0xFFFFFFFF  }
0xad: {  	[dreg:$0x0] =	wrdreg $0x60  }
0xae: {  	[dreg:$0x2] =	wrdreg s2  }
0xaf: {  	[dreg:$0x3] =	wrdreg s24  }
0xb0: {  	[dreg:$0x4] =	wrdreg $0x9  }
0xb1: {  	_ =	task.clear_ibuf [dreg:s7], $0x5FFFF;
	_ =	strace $0x90000046  }
0xb2: {  	s29 =	simm.s32 $0x9;
	_ =	strace $0x80000048  }
0xb3: {  	_ =	swait.ge [sflag:s29], $0x1  }
0xb4: {  	[sflag:s29] =	ssyncadd.s32 $0xFFFFFFFF  }
0xb5: {  	_ =	strace $0x90000048  }
0xb6: {  	_ =	sfence  }
0xb7: {  	s30 =	sld [smem:$0x0];
	_ =	sdelay $0x2  }
0xb8: {  	s31 =	sshll.u32 s1, $0xD;
	s1 =	sshrl.u32 s1, $0x2  }
0xb9: {  	s3 =	sand.u32 $0x4000, s31;
	s1 =	sadd.s32 s1, s30  }
0xba: {  	s0 =	sor.u32 s3, s0;
	s1 =	sshll.u32 s1, $0x11  }
0xbb: {  	s0 =	sor.u32 s1, s0  }
0xbc: {  	s0 =	sadd.s32 $0x8F2B, s0  }
0xbd: {  	[sflag:s0] =	ssyncadd.remote.s32 $0x1  }
0xbe: {  	_ =	sfence.sel $0xFFFF  }
0xbf: {  	[dreg:$0x0] =	wrdreg $0xFFFFFFFF;
	(pc) =	sbr.abs _section_cstart, $3  }
0xc0: {  	[dreg:$0x1] =	wrdreg $0xFFFFFFFF  }
0xc1: {  	_ =	task.clear_ibuf [dreg:s7], $0x2FFFF;
	_ =	strace $0x9FFFFFFF  }
0xc2: {  	(tm) =	ssettm $0x7FFFFFFF  }
0xc3: {  	_ =	shalt  }
tec
execute0_lowered:
.L_overlay_start_1:
0x0: {  	(tag) =	ssettag $0x1  }
0x1: {  	s2 =	rddreg [dreg:$0x0]  }
0x2: {  	s0 =	rddreg [dreg:$0x1];
	s1 =	srdreg.scid  }
0x3: {  	s15 =	stileid.u32;
	s3 =	simm.s32 $0x0;
	s14 =	simm.s32 $0x3  }
0x4: {  	s16 =	simm.s32 $0x3000;
	s17 =	simm.s32 $0xC000;
	s19 =	simm.s32 $0x1  }
0x5: {  	s20 =	simm.s32 $0x2;
	s21 =	simm.s32 $0x12000;
	s22 =	simm.s32 $0x0  }
0x6: {  	s1 =	sand.u32 $0x1, s1;
	s4 =	sshll.u32 s15, $0x1;
	[smem:$0x7FF] =	sst s3  }
0x7: {  	v0 =	vlaneseq.u32;
	s5 =	sadd.s32 $0x5200, s0;
	s6 =	sadd.s32 $0x5A00, s0;
	s4 =	sor.u32 s1, s4  }
0x8: {  	v1 =	vand.u32 $0x7, v0;
	v0 =	vmul.u32 $0x10, v0;
	s12 =	sadd.s32 $0x84900, s0;
	p1 =	sgt.u32 s15, $0xC;
	s7 =	smul.u32 $0x3F8000, s4  }
0x9: {  	s31 =	sshll.u32 s15, $0x6;
	_ =	strace $0x80000047;
	s8 =	smul.u32 $0x3F7A00, s4  }
0xa: {  	s1 =	ssub.s32 $0x2, s1;
	v1 =	vmul.u32 $0x10, v1;
	s13 =	sor.u32 $0x1C03, s31;
	s10 =	smul.u32 $0x600, s4;
	v2 =	vor.u32 $0x1, v0  }
.Ltmp0:
0xb: {  	s9 =	sshrl.u32 s1, $0x1;
	v3 =	vor.u32 $0x2, v0;
	v4 =	vor.u32 $0x3, v0;
	p0 =	sne.s32 s4, $0x0;
	v5 =	vor.u32 $0x4, v0;
	(pc) =	sbr.rel .LBB2_1-.Ltmp0, $4  }
0xc: {  	v6 =	vor.u32 $0x5, v0;
	v7 =	vor.u32 $0x6, v0;
	v8 =	vor.u32 $0x7, v0;
	s1 =	ssub.s32 s1, s9;
	s7 =	sshrl.u32 s7, $0x3;
	s8 =	sshrl.u32 s8, $0x3  }
0xd: {  	v9 =	vor.u32 $0x8, v0;
	v10 =	vor.u32 $0x9, v0;
	v11 =	vor.u32 $0xA, v0;
	s9 =	sadd.s32 s2, s10;
	s7 =	sadd.s32 s2, s7;
	s8 =	sadd.s32 s6, s8  }
0xe: {  	v12 =	vor.u32 $0xB, v0;
	v13 =	vor.u32 $0xC, v0;
	v14 =	vor.u32 $0xD, v0;
	s10 =	sor.u32 $0x40, s4;
	s7 =	sadd.s32 $0x3F600, s7;
	s8 =	sadd.s32 $0x7EC00, s8  }
0xf: {  	v15 =	vor.u32 $0xE, v0;
	v16 =	vor.u32 $0xF, v0;
	v1 =	vor.u32 $0xFFFFFF80, v1;
	s11 =	smax.u32 s1, $0x1;
	[dreg:$0x3] =	wrdreg s8;
	s15 =	sadd.s32 $0x3F800, s7  }
.LBB2_19:
0x10: {  	s22 =	sadd.s32 $0x1, s22  }
0x11: {  	_ =	swait.ge [sflag:s20], $0x6000;
	p2 =	sne.s32 s22, s11  }
.Ltmp1:
0x12: {  	[sflag:s20] =	ssyncset.done $0x0;
	(pc) =	sbr.rel @!p2 .LBB2_20-.Ltmp1, $4  }
0x13: {  	[sflag:s20] =	ssyncadd.s32 $0xFFFFA000  }
0x14: {  	_ =	swait.ge [sflag:s20], $0x6000  }
0x15: {  	[sflag:s20] =	ssyncset.done $0x0  }
0x16: {  	[sflag:s20] =	ssyncadd.s32 $0xFFFFA000  }
.LBB2_1:
.Ltmp2:
0x17: {  	(pc) =	sbr.rel @p0 .LBB2_5-.Ltmp2, $1  }
0x18: {  	_ =	sdelay $0x3  }
0x19: {  	s0 =	sadd.s32 $0x0, s5  }
0x1a: {  	[hbm:s12], [sflag:s13] =	dma.local [hbm:s0], $0x40  }
0x1b: {  	_ =	swait.ge [sflag:s14], $0x40  }
0x1c: {  	s1 =	smov.u32 s12;
	s0 =	simm.s32 $0x40;
	[sflag:s14] =	ssyncset.done $0x0  }
.LBB2_3:
0x1d: {  	s8 =	sadd.s32 s0, s5  }
0x1e: {  	[sflag:s14] =	ssyncadd.s32 $0xFFFFFFC0;
	s1 =	sadd.s32 $0x7EF40, s1;
	p2 =	sne.s32 s0, $0x640  }
0x1f: {  	[hbm:s1], [sflag:s13] =	dma.local [hbm:s8], $0x40  }
.Ltmp3:
0x20: {  	_ = 	snop;
	(pc) =	sbr.rel @p2 .LBB2_3-.Ltmp3, $4  }
0x21: {  	_ = 	snop  }
0x22: {  	s0 =	sadd.s32 $0x40, s0  }
0x23: {  	_ =	swait.ge [sflag:s14], $0x40  }
0x24: {  	[sflag:s14] =	ssyncset.done $0x0  }
0x25: {  	[sflag:s14] =	ssyncadd.s32 $0xFFFFFFC0  }
.LBB2_5:
.Ltmp4:
0x26: {  	(pc) =	sbr.rel @p1 .LBB2_9-.Ltmp4, $1  }
0x27: {  	_ =	sdelay $0x3  }
0x28: {  	s0 =	simm.s32 $0x0  }
0x29: {  	[tilespmem:s0], [sflag:$0x3] =	stream.linear.gather [hbm4b:s7+s0], $0xC00, $0x38;
	[tilespmem:$0x18000] =	vst v63  }
0x2a: {  	_ = 	snop  }
0x2b: {  	[tilespmem:s16], [sflag:$0x3] =	stream.linear.gather [hbm4b:s15+s0], $0xC00, $0x38;
	[tilespmem:$0x18000] =	vst v63  }
0x2c: {  	_ =	swait.ge [sflag:s14], $0x1800  }
0x2d: {  	s1 =	sand.u32 $0x70, s0;
	s8 =	sand.u32 $0xC00, s0;
	[sflag:s14] =	ssyncset.done $0x0  }
0x2e: {  	v17 =	vor.u32 s0, v0;
	s1 =	sor.u32 s1, s8;
	[sflag:s14] =	ssyncadd.s32 $0xFFFFE800  }
0x2f: {  	v17 =	vand.u32 v1, v17;
	v18 =	vld [tilespmem:s1+$0x0];
	_ =	sdelay $0x4  }
0x30: {  	[tilespmem:v17+s17+$0x0] =	vst.idx.msk $0xffff, v18  }
0x31: {  	v18 =	vor.u32 s0, v2;
	v17 =	vld [tilespmem:s1+$0x80];
	_ =	sdelay $0x4  }
0x32: {  	[tilespmem:v18+s17+$0x0] =	vst.idx.msk $0xffff, v17  }
0x33: {  	v18 =	vor.u32 s0, v3;
	v17 =	vld [tilespmem:s1+$0x100];
	_ =	sdelay $0x4  }
0x34: {  	[tilespmem:v18+s17+$0x0] =	vst.idx.msk $0xffff, v17  }
0x35: {  	v18 =	vor.u32 s0, v4;
	v17 =	vld [tilespmem:s1+$0x180];
	_ =	sdelay $0x4  }
0x36: {  	[tilespmem:v18+s17+$0x0] =	vst.idx.msk $0xffff, v17  }
0x37: {  	v18 =	vor.u32 s0, v5;
	v17 =	vld [tilespmem:s1+$0x200];
	_ =	sdelay $0x4  }
0x38: {  	[tilespmem:v18+s17+$0x0] =	vst.idx.msk $0xffff, v17  }
0x39: {  	v18 =	vor.u32 s0, v6;
	v17 =	vld [tilespmem:s1+$0x280];
	_ =	sdelay $0x4  }
0x3a: {  	[tilespmem:v18+s17+$0x0] =	vst.idx.msk $0xffff, v17  }
0x3b: {  	v18 =	vor.u32 s0, v7;
	v17 =	vld [tilespmem:s1+$0x300];
	_ =	sdelay $0x3  }
0x3c: {  	s31 =	sor.u32 s0, s0  }
0x3d: {  	s8 =	sor.u32 $0x380, s31;
	[tilespmem:v18+s17+$0x0] =	vst.idx.msk $0xffff, v17  }
0x3e: {  	v18 =	vor.u32 s0, v8;
	v17 =	vld [tilespmem:s8+$0x0];
	_ =	sdelay $0x4  }
0x3f: {  	[tilespmem:v18+s17+$0x0] =	vst.idx.msk $0xffff, v17  }
0x40: {  	v18 =	vor.u32 s0, v9;
	v17 =	vld [tilespmem:s1+$0x3000];
	_ =	sdelay $0x4  }
0x41: {  	[tilespmem:v18+s17+$0x0] =	vst.idx.msk $0xffff, v17  }
0x42: {  	v18 =	vor.u32 s0, v10;
	v17 =	vld [tilespmem:s1+$0x3080];
	_ =	sdelay $0x4  }
0x43: {  	[tilespmem:v18+s17+$0x0] =	vst.idx.msk $0xffff, v17  }
0x44: {  	v18 =	vor.u32 s0, v11;
	v17 =	vld [tilespmem:s1+$0x3100];
	_ =	sdelay $0x4  }
0x45: {  	[tilespmem:v18+s17+$0x0] =	vst.idx.msk $0xffff, v17  }
0x46: {  	v18 =	vor.u32 s0, v12;
	v17 =	vld [tilespmem:s1+$0x3180];
	_ =	sdelay $0x4  }
0x47: {  	[tilespmem:v18+s17+$0x0] =	vst.idx.msk $0xffff, v17  }
0x48: {  	v18 =	vor.u32 s0, v13;
	v17 =	vld [tilespmem:s1+$0x3200];
	_ =	sdelay $0x4  }
0x49: {  	[tilespmem:v18+s17+$0x0] =	vst.idx.msk $0xffff, v17  }
0x4a: {  	v18 =	vor.u32 s0, v14;
	v17 =	vld [tilespmem:s1+$0x3280];
	_ =	sdelay $0x4  }
0x4b: {  	[tilespmem:v18+s17+$0x0] =	vst.idx.msk $0xffff, v17  }
0x4c: {  	v18 =	vor.u32 s0, v15;
	v17 =	vld [tilespmem:s1+$0x3300];
	_ =	sdelay $0x4  }
0x4d: {  	[tilespmem:v18+s17+$0x0] =	vst.idx.msk $0xffff, v17  }
0x4e: {  	v18 =	vor.u32 s0, v16;
	v17 =	vld [tilespmem:s1+$0x3380];
	_ =	sdelay $0x2  }
0x4f: {  	s23 =	simm.s32 $0x100;
	s24 =	simm.s32 $0x80;
	s25 =	simm.s32 $0x10  }
0x50: {  	s8 =	sand.u32 $0xC00, s24;
	s0 =	simm.s32 $0x200;
	s1 =	sand.u32 $0x70, s25  }
.LBB2_7:
0x51: {  	p2 =	sne.s32 s0, $0x1700;
	v19 =	vor.u32 s23, v0;
	s1 =	sor.u32 s1, s8;
	[tilespmem:v18+s17+$0x0] =	vst.idx.msk $0xffff, v17  }
0x52: {  	v17 =	vld [tilespmem:s1+$0x0];
	v18 =	vand.u32 v1, v19;
	_ =	sdelay $0x4  }
0x53: {  	[tilespmem:v18+s17+$0x0] =	vst.idx.msk $0xffff, v17  }
0x54: {  	v18 =	vor.u32 s23, v2;
	v17 =	vld [tilespmem:s1+$0x80];
	_ =	sdelay $0x4  }
0x55: {  	[tilespmem:v18+s17+$0x0] =	vst.idx.msk $0xffff, v17  }
0x56: {  	v18 =	vor.u32 s23, v3;
	v17 =	vld [tilespmem:s1+$0x100];
	_ =	sdelay $0x4  }
0x57: {  	[tilespmem:v18+s17+$0x0] =	vst.idx.msk $0xffff, v17  }
0x58: {  	v18 =	vor.u32 s23, v4;
	v17 =	vld [tilespmem:s1+$0x180];
	_ =	sdelay $0x4  }
0x59: {  	[tilespmem:v18+s17+$0x0] =	vst.idx.msk $0xffff, v17  }
0x5a: {  	v18 =	vor.u32 s23, v5;
	v17 =	vld [tilespmem:s1+$0x200];
	_ =	sdelay $0x4  }
0x5b: {  	[tilespmem:v18+s17+$0x0] =	vst.idx.msk $0xffff, v17  }
0x5c: {  	v18 =	vor.u32 s23, v6;
	v17 =	vld [tilespmem:s1+$0x280];
	_ =	sdelay $0x4  }
0x5d: {  	[tilespmem:v18+s17+$0x0] =	vst.idx.msk $0xffff, v17  }
0x5e: {  	v18 =	vor.u32 s23, v7;
	v17 =	vld [tilespmem:s1+$0x300];
	_ =	sdelay $0x3  }
0x5f: {  	s8 =	sor.u32 s24, s25  }
0x60: {  	s8 =	sor.u32 $0x380, s8;
	[tilespmem:v18+s17+$0x0] =	vst.idx.msk $0xffff, v17  }
0x61: {  	v18 =	vor.u32 s23, v8;
	v17 =	vld [tilespmem:s8+$0x0];
	_ =	sdelay $0x4  }
0x62: {  	[tilespmem:v18+s17+$0x0] =	vst.idx.msk $0xffff, v17  }
0x63: {  	v18 =	vor.u32 s23, v9;
	v17 =	vld [tilespmem:s1+$0x3000];
	_ =	sdelay $0x4  }
0x64: {  	[tilespmem:v18+s17+$0x0] =	vst.idx.msk $0xffff, v17  }
0x65: {  	v18 =	vor.u32 s23, v10;
	v17 =	vld [tilespmem:s1+$0x3080];
	_ =	sdelay $0x4  }
0x66: {  	[tilespmem:v18+s17+$0x0] =	vst.idx.msk $0xffff, v17  }
0x67: {  	v18 =	vor.u32 s23, v11;
	v17 =	vld [tilespmem:s1+$0x3100];
	_ =	sdelay $0x4  }
0x68: {  	[tilespmem:v18+s17+$0x0] =	vst.idx.msk $0xffff, v17  }
0x69: {  	v18 =	vor.u32 s23, v12;
	v17 =	vld [tilespmem:s1+$0x3180];
	_ =	sdelay $0x4  }
0x6a: {  	[tilespmem:v18+s17+$0x0] =	vst.idx.msk $0xffff, v17  }
0x6b: {  	v18 =	vor.u32 s23, v13;
	v17 =	vld [tilespmem:s1+$0x3200];
	_ =	sdelay $0x4  }
0x6c: {  	[tilespmem:v18+s17+$0x0] =	vst.idx.msk $0xffff, v17  }
0x6d: {  	v18 =	vor.u32 s23, v14;
	v17 =	vld [tilespmem:s1+$0x3280];
	_ =	sdelay $0x4  }
0x6e: {  	[tilespmem:v18+s17+$0x0] =	vst.idx.msk $0xffff, v17  }
0x6f: {  	v18 =	vor.u32 s23, v15;
	v17 =	vld [tilespmem:s1+$0x3300];
	_ =	sdelay $0x4  }
0x70: {  	[tilespmem:v18+s17+$0x0] =	vst.idx.msk $0xffff, v17  }
.Ltmp5:
0x71: {  	v18 =	vor.u32 s23, v16;
	s23 =	smov.u32 s0;
	v17 =	vld [tilespmem:s1+$0x3380];
	(pc) =	sbr.rel @p2 .LBB2_7-.Ltmp5, $3  }
0x72: {  	_ =	sdelay $0x1  }
0x73: {  	s24 =	sadd.s32 $0x80, s24;
	s25 =	sadd.s32 $0x10, s25  }
0x74: {  	s8 =	sand.u32 $0xC00, s24;
	s0 =	sadd.s32 $0x100, s0;
	s1 =	sand.u32 $0x70, s25  }
0x75: {  	_ =	sdelay $0x3  }
0x76: {  	v19 =	vor.u32 s23, v0;
	s0 =	sor.u32 s1, s8;
	[tilespmem:v18+s17+$0x0] =	vst.idx.msk $0xffff, v17  }
0x77: {  	v17 =	vld [tilespmem:s0+$0x0];
	v18 =	vand.u32 v1, v19;
	_ =	sdelay $0x4  }
0x78: {  	[tilespmem:v18+s17+$0x0] =	vst.idx.msk $0xffff, v17  }
0x79: {  	v18 =	vor.u32 s23, v2;
	v17 =	vld [tilespmem:s0+$0x80];
	_ =	sdelay $0x4  }
0x7a: {  	[tilespmem:v18+s17+$0x0] =	vst.idx.msk $0xffff, v17  }
0x7b: {  	v18 =	vor.u32 s23, v3;
	v17 =	vld [tilespmem:s0+$0x100];
	_ =	sdelay $0x4  }
0x7c: {  	[tilespmem:v18+s17+$0x0] =	vst.idx.msk $0xffff, v17  }
0x7d: {  	v18 =	vor.u32 s23, v4;
	v17 =	vld [tilespmem:s0+$0x180];
	_ =	sdelay $0x4  }
0x7e: {  	[tilespmem:v18+s17+$0x0] =	vst.idx.msk $0xffff, v17  }
0x7f: {  	v18 =	vor.u32 s23, v5;
	v17 =	vld [tilespmem:s0+$0x200];
	_ =	sdelay $0x4  }
0x80: {  	[tilespmem:v18+s17+$0x0] =	vst.idx.msk $0xffff, v17  }
0x81: {  	v18 =	vor.u32 s23, v6;
	v17 =	vld [tilespmem:s0+$0x280];
	_ =	sdelay $0x4  }
0x82: {  	[tilespmem:v18+s17+$0x0] =	vst.idx.msk $0xffff, v17  }
0x83: {  	v18 =	vor.u32 s23, v7;
	v17 =	vld [tilespmem:s0+$0x300];
	_ =	sdelay $0x3  }
0x84: {  	s30 =	sor.u32 s24, s25  }
0x85: {  	s1 =	sor.u32 $0x380, s30;
	[tilespmem:v18+s17+$0x0] =	vst.idx.msk $0xffff, v17  }
0x86: {  	v18 =	vor.u32 s23, v8;
	v17 =	vld [tilespmem:s1+$0x0];
	_ =	sdelay $0x4  }
0x87: {  	[tilespmem:v18+s17+$0x0] =	vst.idx.msk $0xffff, v17  }
0x88: {  	v18 =	vor.u32 s23, v9;
	v17 =	vld [tilespmem:s0+$0x3000];
	_ =	sdelay $0x4  }
0x89: {  	[tilespmem:v18+s17+$0x0] =	vst.idx.msk $0xffff, v17  }
0x8a: {  	v18 =	vor.u32 s23, v10;
	v17 =	vld [tilespmem:s0+$0x3080];
	_ =	sdelay $0x4  }
0x8b: {  	[tilespmem:v18+s17+$0x0] =	vst.idx.msk $0xffff, v17  }
0x8c: {  	v18 =	vor.u32 s23, v11;
	v17 =	vld [tilespmem:s0+$0x3100];
	_ =	sdelay $0x4  }
0x8d: {  	[tilespmem:v18+s17+$0x0] =	vst.idx.msk $0xffff, v17  }
0x8e: {  	v18 =	vor.u32 s23, v12;
	v17 =	vld [tilespmem:s0+$0x3180];
	_ =	sdelay $0x4  }
0x8f: {  	[tilespmem:v18+s17+$0x0] =	vst.idx.msk $0xffff, v17  }
0x90: {  	v18 =	vor.u32 s23, v13;
	v17 =	vld [tilespmem:s0+$0x3200];
	_ =	sdelay $0x4  }
0x91: {  	[tilespmem:v18+s17+$0x0] =	vst.idx.msk $0xffff, v17  }
0x92: {  	v18 =	vor.u32 s23, v14;
	v17 =	vld [tilespmem:s0+$0x3280];
	_ =	sdelay $0x4  }
0x93: {  	[tilespmem:v18+s17+$0x0] =	vst.idx.msk $0xffff, v17  }
0x94: {  	v18 =	vor.u32 s23, v15;
	v17 =	vld [tilespmem:s0+$0x3300];
	_ =	sdelay $0x4  }
0x95: {  	[tilespmem:v18+s17+$0x0] =	vst.idx.msk $0xffff, v17  }
0x96: {  	v18 =	vor.u32 s23, v16;
	v17 =	vld [tilespmem:s0+$0x3380];
	_ =	sdelay $0x4  }
0x97: {  	s31 =	rddreg [dreg:$0x3];
	[tilespmem:v18+s17+$0x0] =	vst.idx.msk $0xffff, v17  }
0x98: {  	[hbm4b:s31+s3] =	stream.linear.scatter [tilespmem:s17], [sflag:$0x3], $0x1800, $0x38;
	[tilespmem:$0x18000] =	vst v63  }
0x99: {  	_ =	swait.ge [sflag:s14], $0x1800  }
0x9a: {  	[sflag:s14] =	ssyncset.done $0x0  }
0x9b: {  	[sflag:s14] =	ssyncadd.s32 $0xFFFFE800  }
.LBB2_9:
.Ltmp6:
0x9c: {  	(pc) =	sbr.rel .LBB2_10-.Ltmp6, $3  }
0x9d: {  	_ =	sdelay $0x1  }
0x9e: {  	s23 =	simm.s32 $0x0;
	s0 =	simm.s32 $0x1FC000;
	s24 =	simm.s32 $0x0  }
0x9f: {  	[tilespmem:s23], [sflag:$0x1] =	stream.strided.gather [hbm4b:s9+s16], $0x6000, s0, s16, $0x38;
	[tilespmem:$0x18000] =	vst v63  }
.LBB2_18:
0xa0: {  	s24 =	sadd.s32 $0x1, s24  }
0xa1: {  	p2 =	sne.s32 s24, $0x45  }
.Ltmp7:
0xa2: {  	_ = 	snop;
	(pc) =	sbr.rel @!p2 .LBB2_19-.Ltmp7, $1  }
0xa3: {  	_ =	sdelay $0x3  }
.LBB2_10:
0xa4: {  	s28 =	sshll.u32 s24, $0x6  }
0xa5: {  	s26 =	sor.u32 s28, s4  }
0xa6: {  	s25 =	sor.u32 $0x20, s26  }
0xa7: {  	p2 =	sgt.u32 s25, $0x1129  }
0xa8: {  	s0 =	smul.u32 @!p2 $0xC1E5, s25;
	_ =	sdelay $0x1  }
0xa9: {  	s0 =	sshrl.u32 @!p2 s0, $0x17  }
0xaa: {  	s1 =	smul.u32 @!p2 $0xA9, s0;
	_ =	sdelay $0x1  }
0xab: {  	s1 =	ssub.s32 @!p2 s25, s1  }
0xac: {  	s0 =	smul.u32 @!p2 $0x3F8000, s0;
	s1 =	sand.u32 @!p2 $0xFFFF, s1  }
0xad: {  	s1 =	smul.u32 @!p2 $0x3000, s1;
	_ =	sdelay $0x1  }
0xae: {  	s0 =	sadd.s32 @!p2 s1, s0  }
0xaf: {  	p3 =	seq.s32 s24, $0x0;
	s8 =	simm.s32 @!p2 $0x1FC000;
	s0 =	sshrl.u32 @!p2 s0, $0x3  }
0xb0: {  	s18 =	simm.s32 @!p2 $0x6000;
	s1 =	simm.s32 @!p2 $0x3000;
	s0 =	sadd.s32 @!p2 s2, s0  }
0xb1: {  	[tilespmem:s18], [sflag:$0x1] =	stream.strided.gather @!p2 [hbm4b:s0+s1], $0x6000, s8, s1, $0x38;
	[tilespmem:$0x18000] =	vst v63  }
0xb2: {  	s0 =	simm.s32 @!p3 $0x2  }
0xb3: {  	_ =	swait.ge @!p3 [sflag:s0], $0x6000  }
0xb4: {  	[sflag:s0] =	ssyncset.done @!p3 $0x0  }
0xb5: {  	[sflag:s0] =	ssyncadd.s32 @!p3 $0xFFFFA000  }
0xb6: {  	_ =	swait.ge [sflag:s19], $0x6000  }
0xb7: {  	s1 =	sand.u32 $0x70, s23;
	s8 =	sand.u32 $0x3C00, s23;
	[sflag:s19] =	ssyncset.done $0x0  }
0xb8: {  	v17 =	vor.u32 s23, v0;
	s1 =	sor.u32 s1, s8;
	[sflag:s19] =	ssyncadd.s32 $0xFFFFA000  }
0xb9: {  	v17 =	vand.u32 v1, v17;
	v18 =	vld [tilespmem:s1+$0x0];
	_ =	sdelay $0x4  }
0xba: {  	[tilespmem:v17+s17+$0x0] =	vst.idx.msk $0xffff, v18  }
0xbb: {  	v18 =	vor.u32 s23, v2;
	v17 =	vld [tilespmem:s1+$0x80];
	_ =	sdelay $0x4  }
0xbc: {  	[tilespmem:v18+s17+$0x0] =	vst.idx.msk $0xffff, v17  }
0xbd: {  	v18 =	vor.u32 s23, v3;
	v17 =	vld [tilespmem:s1+$0x100];
	_ =	sdelay $0x4  }
0xbe: {  	[tilespmem:v18+s17+$0x0] =	vst.idx.msk $0xffff, v17  }
0xbf: {  	v18 =	vor.u32 s23, v4;
	v17 =	vld [tilespmem:s1+$0x180];
	_ =	sdelay $0x4  }
0xc0: {  	[tilespmem:v18+s17+$0x0] =	vst.idx.msk $0xffff, v17  }
0xc1: {  	v18 =	vor.u32 s23, v5;
	v17 =	vld [tilespmem:s1+$0x200];
	_ =	sdelay $0x4  }
0xc2: {  	[tilespmem:v18+s17+$0x0] =	vst.idx.msk $0xffff, v17  }
0xc3: {  	v18 =	vor.u32 s23, v6;
	v17 =	vld [tilespmem:s1+$0x280];
	_ =	sdelay $0x4  }
0xc4: {  	[tilespmem:v18+s17+$0x0] =	vst.idx.msk $0xffff, v17  }
0xc5: {  	v18 =	vor.u32 s23, v7;
	v17 =	vld [tilespmem:s1+$0x300];
	_ =	sdelay $0x1  }
0xc6: {  	s18 =	sand.u32 $0x7, s23  }
0xc7: {  	s0 =	sshll.u32 s18, $0x4  }
0xc8: {  	s0 =	sadd.s32 $0x0, s0  }
0xc9: {  	s0 =	sor.u32 $0x380, s0;
	[tilespmem:v18+s17+$0x0] =	vst.idx.msk $0xffff, v17  }
0xca: {  	v18 =	vor.u32 s23, v8;
	v17 =	vld [tilespmem:s0+$0x0];
	_ =	sdelay $0x4  }
0xcb: {  	[tilespmem:v18+s17+$0x0] =	vst.idx.msk $0xffff, v17  }
0xcc: {  	v18 =	vor.u32 s23, v9;
	v17 =	vld [tilespmem:s1+$0x3000];
	_ =	sdelay $0x4  }
0xcd: {  	[tilespmem:v18+s17+$0x0] =	vst.idx.msk $0xffff, v17  }
0xce: {  	v18 =	vor.u32 s23, v10;
	v17 =	vld [tilespmem:s1+$0x3080];
	_ =	sdelay $0x4  }
0xcf: {  	[tilespmem:v18+s17+$0x0] =	vst.idx.msk $0xffff, v17  }
0xd0: {  	v18 =	vor.u32 s23, v11;
	v17 =	vld [tilespmem:s1+$0x3100];
	_ =	sdelay $0x4  }
0xd1: {  	[tilespmem:v18+s17+$0x0] =	vst.idx.msk $0xffff, v17  }
0xd2: {  	v18 =	vor.u32 s23, v12;
	v17 =	vld [tilespmem:s1+$0x3180];
	_ =	sdelay $0x4  }
0xd3: {  	[tilespmem:v18+s17+$0x0] =	vst.idx.msk $0xffff, v17  }
0xd4: {  	v18 =	vor.u32 s23, v13;
	v17 =	vld [tilespmem:s1+$0x3200];
	_ =	sdelay $0x4  }
0xd5: {  	[tilespmem:v18+s17+$0x0] =	vst.idx.msk $0xffff, v17  }
0xd6: {  	v18 =	vor.u32 s23, v14;
	v17 =	vld [tilespmem:s1+$0x3280];
	_ =	sdelay $0x4  }
0xd7: {  	[tilespmem:v18+s17+$0x0] =	vst.idx.msk $0xffff, v17  }
0xd8: {  	v18 =	vor.u32 s23, v15;
	v17 =	vld [tilespmem:s1+$0x3300];
	_ =	sdelay $0x4  }
0xd9: {  	[tilespmem:v18+s17+$0x0] =	vst.idx.msk $0xffff, v17  }
0xda: {  	v18 =	vor.u32 s23, v16;
	v17 =	vld [tilespmem:s1+$0x3380];
	_ =	sdelay $0x1  }
0xdb: {  	s29 =	simm.s32 $0x100  }
0xdc: {  	s30 =	simm.s32 $0x80;
	s31 =	simm.s32 $0x0;
	s0 =	simm.s32 $0x10  }
0xdd: {  	s8 =	sand.u32 $0x3C00, s30;
	s18 =	sand.u32 $0x70, s0;
	s1 =	simm.s32 $0x200  }
.LBB2_11:
0xde: {  	p4 =	sne.s32 s1, $0x5F00;
	v19 =	vor.u32 s29, v0;
	s18 =	sor.u32 s18, s8;
	[tilespmem:v18+s17+$0x0] =	vst.idx.msk $0xffff, v17  }
0xdf: {  	v17 =	vld [tilespmem:s18+$0x0];
	v18 =	vand.u32 v1, v19;
	_ =	sdelay $0x4  }
0xe0: {  	[tilespmem:v18+s17+$0x0] =	vst.idx.msk $0xffff, v17  }
0xe1: {  	v18 =	vor.u32 s29, v2;
	v17 =	vld [tilespmem:s18+$0x80];
	_ =	sdelay $0x4  }
0xe2: {  	[tilespmem:v18+s17+$0x0] =	vst.idx.msk $0xffff, v17  }
0xe3: {  	v18 =	vor.u32 s29, v3;
	v17 =	vld [tilespmem:s18+$0x100];
	_ =	sdelay $0x4  }
0xe4: {  	[tilespmem:v18+s17+$0x0] =	vst.idx.msk $0xffff, v17  }
0xe5: {  	v18 =	vor.u32 s29, v4;
	v17 =	vld [tilespmem:s18+$0x180];
	_ =	sdelay $0x4  }
0xe6: {  	[tilespmem:v18+s17+$0x0] =	vst.idx.msk $0xffff, v17  }
0xe7: {  	v18 =	vor.u32 s29, v5;
	v17 =	vld [tilespmem:s18+$0x200];
	_ =	sdelay $0x4  }
0xe8: {  	[tilespmem:v18+s17+$0x0] =	vst.idx.msk $0xffff, v17  }
0xe9: {  	v18 =	vor.u32 s29, v6;
	v17 =	vld [tilespmem:s18+$0x280];
	_ =	sdelay $0x4  }
0xea: {  	[tilespmem:v18+s17+$0x0] =	vst.idx.msk $0xffff, v17  }
0xeb: {  	v18 =	vor.u32 s29, v7;
	v17 =	vld [tilespmem:s18+$0x300]  }
0xec: {  	s31 =	sadd.s32 $0x1, s31  }
0xed: {  	s8 =	sand.u32 $0x7, s31  }
0xee: {  	s8 =	sshll.u32 s8, $0x4  }
0xef: {  	s8 =	sadd.s32 s8, s30  }
0xf0: {  	s8 =	sor.u32 $0x380, s8;
	[tilespmem:v18+s17+$0x0] =	vst.idx.msk $0xffff, v17  }
0xf1: {  	v18 =	vor.u32 s29, v8;
	v17 =	vld [tilespmem:s8+$0x0];
	_ =	sdelay $0x4  }
0xf2: {  	[tilespmem:v18+s17+$0x0] =	vst.idx.msk $0xffff, v17  }
0xf3: {  	v18 =	vor.u32 s29, v9;
	v17 =	vld [tilespmem:s18+$0x3000];
	_ =	sdelay $0x4  }
0xf4: {  	[tilespmem:v18+s17+$0x0] =	vst.idx.msk $0xffff, v17  }
0xf5: {  	v18 =	vor.u32 s29, v10;
	v17 =	vld [tilespmem:s18+$0x3080];
	_ =	sdelay $0x4  }
0xf6: {  	[tilespmem:v18+s17+$0x0] =	vst.idx.msk $0xffff, v17  }
0xf7: {  	v18 =	vor.u32 s29, v11;
	v17 =	vld [tilespmem:s18+$0x3100];
	_ =	sdelay $0x4  }
0xf8: {  	[tilespmem:v18+s17+$0x0] =	vst.idx.msk $0xffff, v17  }
0xf9: {  	v18 =	vor.u32 s29, v12;
	v17 =	vld [tilespmem:s18+$0x3180];
	_ =	sdelay $0x4  }
0xfa: {  	[tilespmem:v18+s17+$0x0] =	vst.idx.msk $0xffff, v17  }
0xfb: {  	v18 =	vor.u32 s29, v13;
	v17 =	vld [tilespmem:s18+$0x3200];
	_ =	sdelay $0x4  }
0xfc: {  	[tilespmem:v18+s17+$0x0] =	vst.idx.msk $0xffff, v17  }
0xfd: {  	v18 =	vor.u32 s29, v14;
	v17 =	vld [tilespmem:s18+$0x3280];
	_ =	sdelay $0x4  }
0xfe: {  	[tilespmem:v18+s17+$0x0] =	vst.idx.msk $0xffff, v17  }
0xff: {  	v18 =	vor.u32 s29, v15;
	v17 =	vld [tilespmem:s18+$0x3300];
	_ =	sdelay $0x4  }
0x100: {  	[tilespmem:v18+s17+$0x0] =	vst.idx.msk $0xffff, v17  }
.Ltmp8:
0x101: {  	v18 =	vor.u32 s29, v16;
	s29 =	smov.u32 s1;
	v17 =	vld [tilespmem:s18+$0x3380];
	(pc) =	sbr.rel @p4 .LBB2_11-.Ltmp8, $3  }
0x102: {  	_ =	sdelay $0x1  }
0x103: {  	s0 =	sadd.s32 $0x10, s0;
	s30 =	sadd.s32 $0x80, s30  }
0x104: {  	s8 =	sand.u32 $0x3C00, s30;
	s1 =	sadd.s32 $0x100, s1;
	s18 =	sand.u32 $0x70, s0  }
0x105: {  	_ =	sdelay $0x3  }
0x106: {  	v19 =	vor.u32 s29, v0;
	s0 =	sor.u32 s18, s8;
	[tilespmem:v18+s17+$0x0] =	vst.idx.msk $0xffff, v17  }
0x107: {  	v17 =	vld [tilespmem:s0+$0x0];
	v18 =	vand.u32 v1, v19;
	_ =	sdelay $0x4  }
0x108: {  	[tilespmem:v18+s17+$0x0] =	vst.idx.msk $0xffff, v17  }
0x109: {  	v18 =	vor.u32 s29, v2;
	v17 =	vld [tilespmem:s0+$0x80];
	_ =	sdelay $0x4  }
0x10a: {  	[tilespmem:v18+s17+$0x0] =	vst.idx.msk $0xffff, v17  }
0x10b: {  	v18 =	vor.u32 s29, v3;
	v17 =	vld [tilespmem:s0+$0x100];
	_ =	sdelay $0x4  }
0x10c: {  	[tilespmem:v18+s17+$0x0] =	vst.idx.msk $0xffff, v17  }
0x10d: {  	v18 =	vor.u32 s29, v4;
	v17 =	vld [tilespmem:s0+$0x180];
	_ =	sdelay $0x4  }
0x10e: {  	[tilespmem:v18+s17+$0x0] =	vst.idx.msk $0xffff, v17  }
0x10f: {  	v18 =	vor.u32 s29, v5;
	v17 =	vld [tilespmem:s0+$0x200];
	_ =	sdelay $0x4  }
0x110: {  	[tilespmem:v18+s17+$0x0] =	vst.idx.msk $0xffff, v17  }
0x111: {  	v18 =	vor.u32 s29, v6;
	v17 =	vld [tilespmem:s0+$0x280];
	_ =	sdelay $0x4  }
0x112: {  	[tilespmem:v18+s17+$0x0] =	vst.idx.msk $0xffff, v17  }
0x113: {  	v18 =	vor.u32 s29, v7;
	v17 =	vld [tilespmem:s0+$0x300]  }
0x114: {  	s1 =	sadd.s32 $0x1, s31  }
0x115: {  	s1 =	sand.u32 $0x7, s1  }
0x116: {  	s1 =	sshll.u32 s1, $0x4  }
0x117: {  	s1 =	sadd.s32 s1, s30  }
0x118: {  	s1 =	sor.u32 $0x380, s1;
	[tilespmem:v18+s17+$0x0] =	vst.idx.msk $0xffff, v17  }
0x119: {  	v18 =	vor.u32 s29, v8;
	v17 =	vld [tilespmem:s1+$0x0];
	_ =	sdelay $0x4  }
0x11a: {  	[tilespmem:v18+s17+$0x0] =	vst.idx.msk $0xffff, v17  }
0x11b: {  	v18 =	vor.u32 s29, v9;
	v17 =	vld [tilespmem:s0+$0x3000];
	_ =	sdelay $0x4  }
0x11c: {  	[tilespmem:v18+s17+$0x0] =	vst.idx.msk $0xffff, v17  }
0x11d: {  	v18 =	vor.u32 s29, v10;
	v17 =	vld [tilespmem:s0+$0x3080];
	_ =	sdelay $0x4  }
0x11e: {  	[tilespmem:v18+s17+$0x0] =	vst.idx.msk $0xffff, v17  }
0x11f: {  	v18 =	vor.u32 s29, v11;
	v17 =	vld [tilespmem:s0+$0x3100];
	_ =	sdelay $0x4  }
0x120: {  	[tilespmem:v18+s17+$0x0] =	vst.idx.msk $0xffff, v17  }
0x121: {  	v18 =	vor.u32 s29, v12;
	v17 =	vld [tilespmem:s0+$0x3180];
	_ =	sdelay $0x4  }
0x122: {  	[tilespmem:v18+s17+$0x0] =	vst.idx.msk $0xffff, v17  }
0x123: {  	v18 =	vor.u32 s29, v13;
	v17 =	vld [tilespmem:s0+$0x3200];
	_ =	sdelay $0x4  }
0x124: {  	[tilespmem:v18+s17+$0x0] =	vst.idx.msk $0xffff, v17  }
0x125: {  	v18 =	vor.u32 s29, v14;
	v17 =	vld [tilespmem:s0+$0x3280];
	_ =	sdelay $0x4  }
0x126: {  	s18 =	smul.u32 $0xC1E5, s26;
	[tilespmem:v18+s17+$0x0] =	vst.idx.msk $0xffff, v17  }
0x127: {  	v18 =	vor.u32 s29, v15;
	v17 =	vld [tilespmem:s0+$0x3300]  }
0x128: {  	s1 =	sshrl.u32 s18, $0x17  }
0x129: {  	s18 =	sadd.s32 s10, s28;
	s30 =	smul.u32 $0xA9, s1  }
0x12a: {  	p4 =	sgt.u32 s18, $0x1129  }
0x12b: {  	s8 =	ssub.s32 s26, s30;
	s26 =	smul.u32 @!p4 $0xC1E5, s18  }
0x12c: {  	s8 =	sand.u32 $0xFFFF, s8;
	[tilespmem:v18+s17+$0x0] =	vst.idx.msk $0xffff, v17  }
0x12d: {  	s31 =	smul.u32 $0xC00, s8;
	s8 =	sshrl.u32 @!p4 s26, $0x17;
	v18 =	vor.u32 s29, v16;
	v17 =	vld [tilespmem:s0+$0x3380]  }
0x12e: {  	s26 =	smul.u32 @!p4 $0xA9, s8  }
0x12f: {  	s1 =	smul.u32 $0x7EF40, s1  }
0x130: {  	s18 =	ssub.s32 @!p4 s18, s26  }
0x131: {  	s0 =	sadd.s32 s31, s1;
	s1 =	smul.u32 @!p4 $0x3F8000, s8;
	s8 =	sand.u32 @!p4 $0xFFFF, s18  }
0x132: {  	s0 =	sadd.s32 s6, s0;
	s8 =	smul.u32 @!p4 $0x3000, s8;
	[tilespmem:v18+s17+$0x0] =	vst.idx.msk $0xffff, v17  }
0x133: {  	[hbm4b:s0+s3] =	stream.linear.scatter [tilespmem:s17], [sflag:$0x2], $0x6000, $0x38;
	[tilespmem:$0x18000] =	vst v63  }
0x134: {  	s0 =	sadd.s32 @!p4 s8, s1  }
0x135: {  	s18 =	simm.s32 @!p4 $0x0;
	s0 =	sshrl.u32 @!p4 s0, $0x3  }
0x136: {  	s1 =	simm.s32 @!p4 $0x3000;
	s8 =	simm.s32 @!p4 $0x1FC000;
	s0 =	sadd.s32 @!p4 s2, s0  }
0x137: {  	[tilespmem:s18], [sflag:$0x1] =	stream.strided.gather @!p4 [hbm4b:s0+s1], $0x6000, s8, s1, $0x38;
	[tilespmem:$0x18000] =	vst v63  }
0x138: {  	p4 =	sgt.u32 @!p3 s25, $0x1129  }
0x139: {  	p3 =	por p3, p4  }
.Ltmp9:
0x13a: {  	_ = 	snop;
	(pc) =	sbr.rel @p3 .LBB2_14-.Ltmp9, $1  }
0x13b: {  	_ =	sdelay $0x3  }
0x13c: {  	_ =	swait.ge [sflag:s20], $0x6000  }
0x13d: {  	[sflag:s20] =	ssyncset.done $0x0  }
0x13e: {  	[sflag:s20] =	ssyncadd.s32 $0xFFFFA000  }
.LBB2_15:
0x13f: {  	_ =	swait.ge [sflag:s19], $0x6000;
	s26 =	simm.s32 $0x0  }
0x140: {  	[sflag:s19] =	ssyncset.done $0x0;
	s0 =	sand.u32 $0x70, s26;
	s1 =	sand.u32 $0x3C00, s26  }
0x141: {  	v17 =	vor.u32 s26, v0;
	[sflag:s19] =	ssyncadd.s32 $0xFFFFA000;
	s1 =	sor.u32 s0, s1  }
0x142: {  	v17 =	vand.u32 v1, v17;
	v18 =	vld [tilespmem:s1+$0x6000];
	_ =	sdelay $0x4  }
0x143: {  	[tilespmem:v17+s21+$0x0] =	vst.idx.msk $0xffff, v18  }
0x144: {  	v18 =	vor.u32 s26, v2;
	v17 =	vld [tilespmem:s1+$0x6080];
	_ =	sdelay $0x4  }
0x145: {  	[tilespmem:v18+s21+$0x0] =	vst.idx.msk $0xffff, v17  }
0x146: {  	v18 =	vor.u32 s26, v3;
	v17 =	vld [tilespmem:s1+$0x6100];
	_ =	sdelay $0x4  }
0x147: {  	[tilespmem:v18+s21+$0x0] =	vst.idx.msk $0xffff, v17  }
0x148: {  	v18 =	vor.u32 s26, v4;
	v17 =	vld [tilespmem:s1+$0x6180];
	_ =	sdelay $0x4  }
0x149: {  	[tilespmem:v18+s21+$0x0] =	vst.idx.msk $0xffff, v17  }
0x14a: {  	v18 =	vor.u32 s26, v5;
	v17 =	vld [tilespmem:s1+$0x6200];
	_ =	sdelay $0x4  }
0x14b: {  	[tilespmem:v18+s21+$0x0] =	vst.idx.msk $0xffff, v17  }
0x14c: {  	v18 =	vor.u32 s26, v6;
	v17 =	vld [tilespmem:s1+$0x6280];
	_ =	sdelay $0x4  }
0x14d: {  	[tilespmem:v18+s21+$0x0] =	vst.idx.msk $0xffff, v17  }
0x14e: {  	v18 =	vor.u32 s26, v7;
	v17 =	vld [tilespmem:s1+$0x6300];
	_ =	sdelay $0x1  }
0x14f: {  	s31 =	sand.u32 $0x7, s26  }
0x150: {  	s0 =	sshll.u32 s31, $0x4  }
0x151: {  	s0 =	sadd.s32 $0x0, s0  }
0x152: {  	s0 =	sor.u32 $0x380, s0;
	[tilespmem:v18+s21+$0x0] =	vst.idx.msk $0xffff, v17  }
0x153: {  	v18 =	vor.u32 s26, v8;
	v17 =	vld [tilespmem:s0+$0x6000];
	_ =	sdelay $0x4  }
0x154: {  	[tilespmem:v18+s21+$0x0] =	vst.idx.msk $0xffff, v17  }
0x155: {  	v18 =	vor.u32 s26, v9;
	v17 =	vld [tilespmem:s1+$0x9000];
	_ =	sdelay $0x4  }
0x156: {  	[tilespmem:v18+s21+$0x0] =	vst.idx.msk $0xffff, v17  }
0x157: {  	v18 =	vor.u32 s26, v10;
	v17 =	vld [tilespmem:s1+$0x9080];
	_ =	sdelay $0x4  }
0x158: {  	[tilespmem:v18+s21+$0x0] =	vst.idx.msk $0xffff, v17  }
0x159: {  	v18 =	vor.u32 s26, v11;
	v17 =	vld [tilespmem:s1+$0x9100];
	_ =	sdelay $0x4  }
0x15a: {  	[tilespmem:v18+s21+$0x0] =	vst.idx.msk $0xffff, v17  }
0x15b: {  	v18 =	vor.u32 s26, v12;
	v17 =	vld [tilespmem:s1+$0x9180];
	_ =	sdelay $0x4  }
0x15c: {  	[tilespmem:v18+s21+$0x0] =	vst.idx.msk $0xffff, v17  }
0x15d: {  	v18 =	vor.u32 s26, v13;
	v17 =	vld [tilespmem:s1+$0x9200];
	_ =	sdelay $0x4  }
0x15e: {  	[tilespmem:v18+s21+$0x0] =	vst.idx.msk $0xffff, v17  }
0x15f: {  	v18 =	vor.u32 s26, v14;
	v17 =	vld [tilespmem:s1+$0x9280];
	_ =	sdelay $0x4  }
0x160: {  	[tilespmem:v18+s21+$0x0] =	vst.idx.msk $0xffff, v17  }
0x161: {  	v18 =	vor.u32 s26, v15;
	v17 =	vld [tilespmem:s1+$0x9300];
	_ =	sdelay $0x4  }
0x162: {  	[tilespmem:v18+s21+$0x0] =	vst.idx.msk $0xffff, v17  }
0x163: {  	v18 =	vor.u32 s26, v16;
	v17 =	vld [tilespmem:s1+$0x9380];
	_ =	sdelay $0x2  }
0x164: {  	s28 =	simm.s32 $0x100;
	s29 =	simm.s32 $0x80;
	s0 =	simm.s32 $0x10  }
0x165: {  	s8 =	sand.u32 $0x3C00, s29;
	s18 =	sand.u32 $0x70, s0;
	s1 =	simm.s32 $0x200  }
.LBB2_16:
0x166: {  	p2 =	sne.s32 s1, $0x5F00;
	v19 =	vor.u32 s28, v0;
	s18 =	sor.u32 s18, s8;
	[tilespmem:v18+s21+$0x0] =	vst.idx.msk $0xffff, v17  }
0x167: {  	v17 =	vld [tilespmem:s18+$0x6000];
	v18 =	vand.u32 v1, v19;
	_ =	sdelay $0x4  }
0x168: {  	[tilespmem:v18+s21+$0x0] =	vst.idx.msk $0xffff, v17  }
0x169: {  	v18 =	vor.u32 s28, v2;
	v17 =	vld [tilespmem:s18+$0x6080];
	_ =	sdelay $0x4  }
0x16a: {  	[tilespmem:v18+s21+$0x0] =	vst.idx.msk $0xffff, v17  }
0x16b: {  	v18 =	vor.u32 s28, v3;
	v17 =	vld [tilespmem:s18+$0x6100];
	_ =	sdelay $0x4  }
0x16c: {  	[tilespmem:v18+s21+$0x0] =	vst.idx.msk $0xffff, v17  }
0x16d: {  	v18 =	vor.u32 s28, v4;
	v17 =	vld [tilespmem:s18+$0x6180];
	_ =	sdelay $0x4  }
0x16e: {  	[tilespmem:v18+s21+$0x0] =	vst.idx.msk $0xffff, v17  }
0x16f: {  	v18 =	vor.u32 s28, v5;
	v17 =	vld [tilespmem:s18+$0x6200];
	_ =	sdelay $0x4  }
0x170: {  	[tilespmem:v18+s21+$0x0] =	vst.idx.msk $0xffff, v17  }
0x171: {  	v18 =	vor.u32 s28, v6;
	v17 =	vld [tilespmem:s18+$0x6280];
	_ =	sdelay $0x4  }
0x172: {  	[tilespmem:v18+s21+$0x0] =	vst.idx.msk $0xffff, v17  }
0x173: {  	v18 =	vor.u32 s28, v7;
	v17 =	vld [tilespmem:s18+$0x6300]  }
0x174: {  	s26 =	sadd.s32 $0x1, s26  }
0x175: {  	s8 =	sand.u32 $0x7, s26  }
0x176: {  	s8 =	sshll.u32 s8, $0x4  }
0x177: {  	s8 =	sadd.s32 s8, s29  }
0x178: {  	s8 =	sor.u32 $0x380, s8;
	[tilespmem:v18+s21+$0x0] =	vst.idx.msk $0xffff, v17  }
0x179: {  	v18 =	vor.u32 s28, v8;
	v17 =	vld [tilespmem:s8+$0x6000];
	_ =	sdelay $0x4  }
0x17a: {  	[tilespmem:v18+s21+$0x0] =	vst.idx.msk $0xffff, v17  }
0x17b: {  	v18 =	vor.u32 s28, v9;
	v17 =	vld [tilespmem:s18+$0x9000];
	_ =	sdelay $0x4  }
0x17c: {  	[tilespmem:v18+s21+$0x0] =	vst.idx.msk $0xffff, v17  }
0x17d: {  	v18 =	vor.u32 s28, v10;
	v17 =	vld [tilespmem:s18+$0x9080];
	_ =	sdelay $0x4  }
0x17e: {  	[tilespmem:v18+s21+$0x0] =	vst.idx.msk $0xffff, v17  }
0x17f: {  	v18 =	vor.u32 s28, v11;
	v17 =	vld [tilespmem:s18+$0x9100];
	_ =	sdelay $0x4  }
0x180: {  	[tilespmem:v18+s21+$0x0] =	vst.idx.msk $0xffff, v17  }
0x181: {  	v18 =	vor.u32 s28, v12;
	v17 =	vld [tilespmem:s18+$0x9180];
	_ =	sdelay $0x4  }
0x182: {  	[tilespmem:v18+s21+$0x0] =	vst.idx.msk $0xffff, v17  }
0x183: {  	v18 =	vor.u32 s28, v13;
	v17 =	vld [tilespmem:s18+$0x9200];
	_ =	sdelay $0x4  }
0x184: {  	[tilespmem:v18+s21+$0x0] =	vst.idx.msk $0xffff, v17  }
0x185: {  	v18 =	vor.u32 s28, v14;
	v17 =	vld [tilespmem:s18+$0x9280];
	_ =	sdelay $0x4  }
0x186: {  	[tilespmem:v18+s21+$0x0] =	vst.idx.msk $0xffff, v17  }
0x187: {  	v18 =	vor.u32 s28, v15;
	v17 =	vld [tilespmem:s18+$0x9300];
	_ =	sdelay $0x4  }
0x188: {  	[tilespmem:v18+s21+$0x0] =	vst.idx.msk $0xffff, v17  }
.Ltmp10:
0x189: {  	v18 =	vor.u32 s28, v16;
	s28 =	smov.u32 s1;
	v17 =	vld [tilespmem:s18+$0x9380];
	(pc) =	sbr.rel @p2 .LBB2_16-.Ltmp10, $3  }
0x18a: {  	_ =	sdelay $0x1  }
0x18b: {  	s0 =	sadd.s32 $0x10, s0;
	s29 =	sadd.s32 $0x80, s29  }
0x18c: {  	s8 =	sand.u32 $0x3C00, s29;
	s1 =	sadd.s32 $0x100, s1;
	s18 =	sand.u32 $0x70, s0  }
0x18d: {  	_ =	sdelay $0x3  }
0x18e: {  	v19 =	vor.u32 s28, v0;
	s0 =	sor.u32 s18, s8;
	[tilespmem:v18+s21+$0x0] =	vst.idx.msk $0xffff, v17  }
0x18f: {  	v17 =	vld [tilespmem:s0+$0x6000];
	v18 =	vand.u32 v1, v19;
	_ =	sdelay $0x4  }
0x190: {  	[tilespmem:v18+s21+$0x0] =	vst.idx.msk $0xffff, v17  }
0x191: {  	v18 =	vor.u32 s28, v2;
	v17 =	vld [tilespmem:s0+$0x6080];
	_ =	sdelay $0x4  }
0x192: {  	[tilespmem:v18+s21+$0x0] =	vst.idx.msk $0xffff, v17  }
0x193: {  	v18 =	vor.u32 s28, v3;
	v17 =	vld [tilespmem:s0+$0x6100];
	_ =	sdelay $0x4  }
0x194: {  	[tilespmem:v18+s21+$0x0] =	vst.idx.msk $0xffff, v17  }
0x195: {  	v18 =	vor.u32 s28, v4;
	v17 =	vld [tilespmem:s0+$0x6180];
	_ =	sdelay $0x4  }
0x196: {  	[tilespmem:v18+s21+$0x0] =	vst.idx.msk $0xffff, v17  }
0x197: {  	v18 =	vor.u32 s28, v5;
	v17 =	vld [tilespmem:s0+$0x6200];
	_ =	sdelay $0x4  }
0x198: {  	[tilespmem:v18+s21+$0x0] =	vst.idx.msk $0xffff, v17  }
0x199: {  	v18 =	vor.u32 s28, v6;
	v17 =	vld [tilespmem:s0+$0x6280];
	_ =	sdelay $0x4  }
0x19a: {  	[tilespmem:v18+s21+$0x0] =	vst.idx.msk $0xffff, v17  }
0x19b: {  	v18 =	vor.u32 s28, v7;
	v17 =	vld [tilespmem:s0+$0x6300]  }
0x19c: {  	s1 =	sadd.s32 $0x1, s26  }
0x19d: {  	s1 =	sand.u32 $0x7, s1  }
0x19e: {  	s1 =	sshll.u32 s1, $0x4  }
0x19f: {  	s1 =	sadd.s32 s1, s29  }
0x1a0: {  	s1 =	sor.u32 $0x380, s1;
	[tilespmem:v18+s21+$0x0] =	vst.idx.msk $0xffff, v17  }
0x1a1: {  	v18 =	vor.u32 s28, v8;
	v17 =	vld [tilespmem:s1+$0x6000];
	_ =	sdelay $0x4  }
0x1a2: {  	[tilespmem:v18+s21+$0x0] =	vst.idx.msk $0xffff, v17  }
0x1a3: {  	v18 =	vor.u32 s28, v9;
	v17 =	vld [tilespmem:s0+$0x9000];
	_ =	sdelay $0x4  }
0x1a4: {  	[tilespmem:v18+s21+$0x0] =	vst.idx.msk $0xffff, v17  }
0x1a5: {  	v18 =	vor.u32 s28, v10;
	v17 =	vld [tilespmem:s0+$0x9080];
	_ =	sdelay $0x4  }
0x1a6: {  	[tilespmem:v18+s21+$0x0] =	vst.idx.msk $0xffff, v17  }
0x1a7: {  	v18 =	vor.u32 s28, v11;
	v17 =	vld [tilespmem:s0+$0x9100];
	_ =	sdelay $0x4  }
0x1a8: {  	[tilespmem:v18+s21+$0x0] =	vst.idx.msk $0xffff, v17  }
0x1a9: {  	v18 =	vor.u32 s28, v12;
	v17 =	vld [tilespmem:s0+$0x9180];
	_ =	sdelay $0x4  }
0x1aa: {  	[tilespmem:v18+s21+$0x0] =	vst.idx.msk $0xffff, v17  }
0x1ab: {  	v18 =	vor.u32 s28, v13;
	v17 =	vld [tilespmem:s0+$0x9200];
	_ =	sdelay $0x4  }
0x1ac: {  	[tilespmem:v18+s21+$0x0] =	vst.idx.msk $0xffff, v17  }
0x1ad: {  	v18 =	vor.u32 s28, v14;
	v17 =	vld [tilespmem:s0+$0x9280];
	_ =	sdelay $0x4  }
0x1ae: {  	[tilespmem:v18+s21+$0x0] =	vst.idx.msk $0xffff, v17  }
0x1af: {  	s29 =	smul.u32 $0xC1E5, s25;
	v18 =	vor.u32 s28, v15;
	v17 =	vld [tilespmem:s0+$0x9300];
	_ =	sdelay $0x1  }
0x1b0: {  	s1 =	sshrl.u32 s29, $0x17  }
0x1b1: {  	s30 =	smul.u32 $0xA9, s1;
	_ =	sdelay $0x1  }
0x1b2: {  	s8 =	ssub.s32 s25, s30;
	[tilespmem:v18+s21+$0x0] =	vst.idx.msk $0xffff, v17  }
0x1b3: {  	s1 =	smul.u32 $0x7EF40, s1;
	s31 =	sand.u32 $0xFFFF, s8;
	v18 =	vor.u32 s28, v16;
	v17 =	vld [tilespmem:s0+$0x9380]  }
0x1b4: {  	s0 =	smul.u32 $0xC00, s31  }
.Ltmp11:
0x1b5: {  	_ = 	snop;
	(pc) =	sbr.rel .LBB2_18-.Ltmp11, $4  }
0x1b6: {  	_ = 	snop  }
0x1b7: {  	s0 =	sadd.s32 s0, s1  }
0x1b8: {  	s0 =	sadd.s32 s6, s0;
	[tilespmem:v18+s21+$0x0] =	vst.idx.msk $0xffff, v17  }
0x1b9: {  	[hbm4b:s0+s3] =	stream.linear.scatter [tilespmem:s21], [sflag:$0x2], $0x6000, $0x38;
	[tilespmem:$0x18000] =	vst v63  }
.LBB2_14:
.Ltmp12:
0x1ba: {  	(pc) =	sbr.rel @p2 .LBB2_18-.Ltmp12, $4  }
.Ltmp13:
0x1bb: {  	(pc) =	sbr.rel @!p2 .LBB2_15-.Ltmp13, $4  }
0x1bc: {  	_ = 	snop  }
0x1bd: {  	_ = 	snop  }
0x1be: {  	_ = 	snop  }
0x1bf: {  	_ = 	snop  }
.LBB2_20:
0x1c0: {  	_ =	sfence.sel $0x180000  }
0x1c1: {  	[bflag:$0x0] =	sbarrier.arrive $0xFFFF  }
0x1c2: {  	_ =	strace $0x90000047  }
0x1c3: {  	s0 =	stileid.u32;
	[bflag:$0x2] =	sbarrier.arrive $0xFFFF  }
0x1c4: {  	p0 =	sne.s32 s0, $0x0;
	s0 =	rddreg [dreg:$0x2]  }
0x1c5: {  	s0 =	sadd.s32 @!p0 $0x100000, s0  }
0x1c6: {  	[sflag:s0] =	ssyncadd.tile.s32 @!p0 $0x1;
	_ =	shalt  }
.Lfunc_end2:
_tile_overlayer_lowered:
.L_overlay_start_2:
0x1c7: {  	(tag) =	ssettag $0x2  }
0x1c8: {  	s0 =	rddreg [dreg:$0x0];
	s2 =	stileid.u32  }
0x1c9: {  	s1 =	rddreg [dreg:$0x1];
	p0 =	sne.s32 s2, $0x0  }
0x1ca: {  	s3 =	rddreg [dreg:$0x2];
	[bflag:$0x3] =	sbarrier.arrive $0xFFFF;
	s2 =	simm.s32 @!p0 $0x1C03  }
0x1cb: {  	[timem:s3], [sflag:s2] =	dma.local @!p0 [hbm:s0], s1  }
0x1cc: {  	s0 =	simm.s32 @!p0 $0x3  }
0x1cd: {  	_ =	swait.ge @!p0 [sflag:s0], s1  }
0x1ce: {  	s1 =	ssub.s32 @!p0 $0x0, s1;
	[sflag:s0] =	ssyncset.done @!p0 $0x0  }
0x1cf: {  	[sflag:s0] =	ssyncadd.s32 @!p0 s1  }
0x1d0: {  	[bflag:$0x3] =	sbarrier.arrive $0xFFFF  }
0x1d1: {  	_ =	shalt  }

// kernel: kernel.8.cloned.1.call-start
scs
__scs_entry_jumppad:
0x0: {  	(pc) =	sbr.rel $0x88, $3  }
0x1: {  	(tag) =	ssettag $0x0;
	lr =	simm.s32 $0x1  }
0x2: {  	[smem:$0x3F82] =	sst lr;
	_ =	strace $0xD0000000  }
0x3: {  	_ = 	snop  }
0x4: {  	_ = 	snop  }
0x5: {  	_ = 	snop  }
0x6: {  	_ = 	snop  }
0x7: {  	_ = 	snop  }
__scs_overlays_trampoline_lowered:
0x8: {  	[smem:$0x3F91] =	sst s0  }
0x9: {  	[smem:$0x3F92] =	sst s1  }
0xa: {  	[smem:$0x3F93] =	sst s2  }
0xb: {  	[smem:$0x3F94] =	sst s3  }
0xc: {  	[smem:$0x3F95] =	sst s4  }
0xd: {  	[smem:$0x3F96] =	sst s5  }
0xe: {  	[smem:$0x3F97] =	sst s6  }
0xf: {  	[smem:$0x3F98] =	sst s7  }
0x10: {  	[smem:$0x3F99] =	sst s8  }
0x11: {  	[smem:$0x3F9A] =	sst s9;
	s0 =	simm.s32 @!p0 $0x0  }
0x12: {  	s1 =	sld [smem:$0x3F80];
	s0 =	simm.s32 @p0 $0x1  }
0x13: {  	[smem:$0x3F9B] =	sst s0;
	s0 =	simm.s32 @!p1 $0x0  }
0x14: {  	s2 =	sld [smem:$0x3F7F];
	s0 =	simm.s32 @p1 $0x1  }
0x15: {  	[smem:$0x3F9C] =	sst s0;
	s0 =	simm.s32 @!p2 $0x0  }
0x16: {  	s3 =	sld [smem:$0x3FDB];
	s0 =	simm.s32 @p2 $0x1  }
0x17: {  	s4 =	simm.s32 $0x1BF5;
	[smem:$0x3F9E] =	sst s0  }
0x18: {  	s0 =	sld [smem:$0x3F81];
	_ =	swait.ge [sflag:s4], $0x0  }
0x19: {  	s7 =	sld [smem:$0x3F82]  }
0x1a: {  	s8 =	sadd.s32 $0xFFFFE003, lr  }
0x1b: {  	s9 =	sadd.s32 $0xFFFFFEF7, lr;
	s5 =	simm.s32 $0xFFFFFFFF;
	p2 =	slt.u32 s8, $0xFFFFF086  }
0x1c: {  	p1 =	slt.u32 s9, $0xF7A;
	s5 =	simm.s32 @!p2 $0x0  }
0x1d: {  	s5 =	simm.s32 @p1 $0x1;
	p0 =	seq.s32 s7, s2  }
0x1e: {  	s7 =	smul.u32 @!p0 $0xF7A, s2;
	p2 =	seq.s32 @!p0 s5, $0x0  }
0x1f: {  	s9 =	smul.u32 $0xF7A, s1;
	s8 =	simm.s32 @!p0 $0x1BF5;
	p2 =	por !p2, p0  }
0x20: {  	[sflag:s8] =	ssyncset.s32 @!p0 $0xFFFFF086;
	s6 =	sadd.s32 @!p0 s3, s7;
	s7 =	simm.s32 @!p0 $0x108  }
0x21: {  	s3 =	sadd.s32 s3, s9;
	s6 =	sadd.s32 @!p0 $0x88, s6;
	s7 =	simm.s32 @p2 $0x1082  }
0x22: {  	[simem:s7], [sflag:s8] =	dma.local @!p0 [hbm:s6], $0xF7A  }
0x23: {  	s9 =	sor.u32 $0xD0000000, s2;
	s6 =	simm.s32 $0x108;
	_ =	swait.ge @!p0 [sflag:s8], $0x0  }
0x24: {  	s3 =	sadd.s32 $0x88, s3;
	s6 =	simm.s32 @!p1 $0x1082;
	[sflag:s4] =	ssyncset.s32 $0xFFFFF086  }
0x25: {  	[simem:s6], [sflag:s4] =	dma.local [hbm:s3], $0xF7A  }
0x26: {  	[smem:$0x3F82] =	sst s1;
	(tag) =	ssettag s2;
	_ =	strace s9  }
0x27: {  	s1 =	sld [smem:$0x3F92]  }
0x28: {  	s2 =	sld [smem:$0x3F93]  }
0x29: {  	s4 =	sld [smem:$0x3F95]  }
0x2a: {  	p0 =	seq.s32 s5, $0x0;
	s5 =	sld [smem:$0x3F96]  }
0x2b: {  	s6 =	sld [smem:$0x3F97]  }
0x2c: {  	s7 =	sld [smem:$0x3F98]  }
0x2d: {  	s3 =	simm.s32 $0x108;
	s8 =	sld [smem:$0x3F99]  }
0x2e: {  	s3 =	simm.s32 @!p0 $0x1082;
	s9 =	sld [smem:$0x3F9A]  }
0x2f: {  	lr =	sadd.s32 s0, s3;
	s0 =	sld [smem:$0x3F91]  }
0x30: {  	s3 =	sld [smem:$0x3F94]  }
0x31: {  	[smem:$0x3F9D] =	sst s10  }
0x32: {  	s10 =	sld [smem:$0x3F9B];
	_ =	sdelay $0x3  }
0x33: {  	p0 =	seq.s32 s10, $0x1;
	s10 =	sld [smem:$0x3F9D];
	_ =	sdelay $0x3  }
0x34: {  	[smem:$0x3F9D] =	sst s10  }
0x35: {  	s10 =	sld [smem:$0x3F9C];
	_ =	sdelay $0x3  }
0x36: {  	p1 =	seq.s32 s10, $0x1;
	s10 =	sld [smem:$0x3F9D];
	_ =	sdelay $0x3  }
0x37: {  	[smem:$0x3F9D] =	sst s10  }
0x38: {  	s10 =	sld [smem:$0x3F9E]  }
0x39: {  	_ = 	snop;
	(pc) =	sbr.ind lr, $3  }
0x3a: {  	_ = 	snop  }
0x3b: {  	_ = 	snop  }
0x3c: {  	p2 =	seq.s32 s10, $0x1;
	s10 =	sld [smem:$0x3F9D]  }
0x3d: {  	_ =	shalt  }
0x3e: {  	_ =	shalt  }
0x3f: {  	_ =	shalt  }
0x40: {  	_ =	shalt  }
0x41: {  	_ =	shalt  }
0x42: {  	_ =	shalt  }
0x43: {  	_ =	shalt  }
0x44: {  	_ =	shalt  }
0x45: {  	_ =	shalt  }
0x46: {  	_ =	shalt  }
0x47: {  	_ =	shalt  }
0x48: {  	_ =	shalt  }
0x49: {  	_ =	shalt  }
0x4a: {  	_ =	shalt  }
0x4b: {  	_ =	shalt  }
0x4c: {  	_ =	shalt  }
0x4d: {  	_ =	shalt  }
0x4e: {  	_ =	shalt  }
0x4f: {  	_ =	shalt  }
0x50: {  	_ =	shalt  }
0x51: {  	_ =	shalt  }
0x52: {  	_ =	shalt  }
0x53: {  	_ =	shalt  }
0x54: {  	_ =	shalt  }
0x55: {  	_ =	shalt  }
0x56: {  	_ =	shalt  }
0x57: {  	_ =	shalt  }
0x58: {  	_ =	shalt  }
0x59: {  	_ =	shalt  }
0x5a: {  	_ =	shalt  }
0x5b: {  	_ =	shalt  }
0x5c: {  	_ =	shalt  }
0x5d: {  	_ =	shalt  }
0x5e: {  	_ =	shalt  }
0x5f: {  	_ =	shalt  }
0x60: {  	_ =	shalt  }
0x61: {  	_ =	shalt  }
0x62: {  	_ =	shalt  }
0x63: {  	_ =	shalt  }
0x64: {  	_ =	shalt  }
0x65: {  	_ =	shalt  }
0x66: {  	_ =	shalt  }
0x67: {  	_ =	shalt  }
0x68: {  	_ =	shalt  }
0x69: {  	_ =	shalt  }
0x6a: {  	_ =	shalt  }
0x6b: {  	_ =	shalt  }
0x6c: {  	_ =	shalt  }
0x6d: {  	_ =	shalt  }
0x6e: {  	_ =	shalt  }
0x6f: {  	_ =	shalt  }
0x70: {  	_ =	shalt  }
0x71: {  	_ =	shalt  }
0x72: {  	_ =	shalt  }
0x73: {  	_ =	shalt  }
0x74: {  	_ =	shalt  }
0x75: {  	_ =	shalt  }
0x76: {  	_ =	shalt  }
0x77: {  	_ =	shalt  }
0x78: {  	_ =	shalt  }
0x79: {  	_ =	shalt  }
0x7a: {  	_ =	shalt  }
0x7b: {  	_ =	shalt  }
0x7c: {  	_ =	shalt  }
0x7d: {  	_ =	shalt  }
0x7e: {  	_ =	shalt  }
0x7f: {  	_ =	shalt  }
0x80: {  	_ =	shalt  }
0x81: {  	_ =	shalt  }
0x82: {  	_ =	shalt  }
0x83: {  	_ =	shalt  }
0x84: {  	_ =	shalt  }
0x85: {  	_ =	shalt  }
0x86: {  	_ =	shalt  }
0x87: {  	_ =	shalt  }
.Lfunc_end0:
.L_simem_size_0:
called_computation.1_lowered:
.L_overlay_start_0:
0x88: {  	s2 =	sld [smem:$0x3FD9]  }
0x89: {  	s3 =	sld [smem:$0x3FFE];
	_ =	sdelay $0x1  }
0x8a: {  	s1 =	srdreg.scid  }
0x8b: {  	s0 =	sand.u32 $0x1, s1  }
0x8c: {  	s17 =	sshll.u32 s0, $0xA;
	s2 =	sadd.s32 s3, s2  }
0x8d: {  	s2 =	sadd.s32 s2, s17  }
0x8e: {  	[smem:$0x3FA9] =	sst s2  }
0x8f: {  	_ = 	snop  }
0x90: {  	s2 =	sld [smem:$0x3FC8]  }
0x91: {  	s18 =	sld [smem:$0x3FD0];
	(tm) =	ssettm $0x1  }
0x92: {  	s4 =	sld [smem:$0x3FFB];
	_ =	sdelay $0x3  }
0x93: {  	_ =	strace s4  }
0x94: {  	s4 =	sld [smem:$0x3FFC];
	_ =	sdelay $0x3  }
0x95: {  	_ =	strace s4  }
0x96: {  	s4 =	sld [smem:$0x3FFD];
	_ =	sdelay $0x3  }
0x97: {  	_ =	strace s4  }
0x98: {  	_ =	strace $0x8FFFFFFF  }
0x99: {  	s19 =	sld [smem:$0x3FDB];
	_ =	sdelay $0x1  }
0x9a: {  	s5 =	simm.s32 $_scs_section_size  }
0x9b: {  	s6 =	simm.s32 $_size__tile_overlayer_lowered;
	s7 =	simm.s32 $_tile_overlayer_lowered  }
0x9c: {  	s22 =	simm.s32 $0x1BFF;
	s21 =	sshll.u32 s7, $0x1;
	s4 =	sadd.s32 s5, s19  }
0x9d: {  	s8 =	simm.s32 $0x0;
	s20 =	sshll.u32 s6, $0x1;
	s6 =	sadd.s32 s21, s4  }
0x9e: {  	[timem:s8], [sflag:s22] =	dma.local [hbm:s6], s20  }
0x9f: {  	_ =	swait.ge [sflag:s22], s20  }
0xa0: {  	s5 =	ssub.s32 $0x0, s20;
	[sflag:s22] =	ssyncset.done $0x0  }
0xa1: {  	[sflag:s22] =	ssyncadd.s32 s5;
	_ =	sdelay $0x1  }
0xa2: {  	s23 =	simm.s32 $0x1B8B  }
0xa3: {  	_ =	swait.ge [sflag:s23], $0x1  }
0xa4: {  	[sflag:s23] =	ssyncset.done $0x0  }
0xa5: {  	s25 =	simm.s32 $0x1B8E;
	s24 =	sld [smem:$0x3FFE];
	[sflag:s23] =	ssyncadd.s32 $0xFFFFFFFF  }
0xa6: {  	s26 =	simm.s32 $execute0_lowered;
	[smem:$0x3FD2] =	sst s25  }
0xa7: {  	s6 =	sshll.u32 s26, $0x1;
	_ =	strace $0x80000049;
	[dreg:$0x1] =	wrdreg $0xFFFFFFFF  }
0xa8: {  	s28 =	simm.s32 $_size_execute0_lowered;
	s4 =	sadd.s32 s4, s6;
	[dreg:$0x0] =	wrdreg $0x0  }
0xa9: {  	s6 =	sshll.u32 s28, $0x1;
	[dreg:$0x2] =	wrdreg s4  }
0xaa: {  	[dreg:$0x3] =	wrdreg s6  }
0xab: {  	[dreg:$0x4] =	wrdreg $0xC0  }
0xac: {  	_ =	task [dreg:s8], $0x5FFFF  }
0xad: {  	[dreg:$0x1] =	wrdreg $0xFFFFFFFF  }
0xae: {  	[dreg:$0x0] =	wrdreg $0x60  }
0xaf: {  	[dreg:$0x2] =	wrdreg s24  }
0xb0: {  	[dreg:$0x3] =	wrdreg s18  }
0xb1: {  	[dreg:$0x4] =	wrdreg s2  }
0xb2: {  	[dreg:$0x5] =	wrdreg $0x9  }
0xb3: {  	_ =	task.clear_ibuf [dreg:s8], $0x6FFFF;
	_ =	strace $0x90000049  }
0xb4: {  	s29 =	simm.s32 $0x9;
	_ =	strace $0x8000004B  }
0xb5: {  	_ =	swait.ge [sflag:s29], $0x1  }
0xb6: {  	[sflag:s29] =	ssyncadd.s32 $0xFFFFFFFF  }
0xb7: {  	_ =	strace $0x9000004B  }
0xb8: {  	_ =	sfence  }
0xb9: {  	s30 =	sld [smem:$0x0];
	_ =	sdelay $0x2  }
0xba: {  	s31 =	sshll.u32 s1, $0xD;
	s1 =	sshrl.u32 s1, $0x2  }
0xbb: {  	s3 =	sand.u32 $0x4000, s31;
	s1 =	sadd.s32 s1, s30  }
0xbc: {  	s0 =	sor.u32 s3, s0;
	s1 =	sshll.u32 s1, $0x11  }
0xbd: {  	s0 =	sor.u32 s1, s0  }
0xbe: {  	s0 =	sadd.s32 $0x8F2B, s0  }
0xbf: {  	[sflag:s0] =	ssyncadd.remote.s32 $0x1  }
0xc0: {  	_ =	sfence.sel $0xFFFF  }
0xc1: {  	[dreg:$0x0] =	wrdreg $0xFFFFFFFF;
	(pc) =	sbr.abs _section_cstart, $3  }
0xc2: {  	[dreg:$0x1] =	wrdreg $0xFFFFFFFF  }
0xc3: {  	_ =	task.clear_ibuf [dreg:s8], $0x2FFFF;
	_ =	strace $0x9FFFFFFF  }
0xc4: {  	(tm) =	ssettm $0x7FFFFFFF  }
0xc5: {  	_ =	shalt  }
tec
execute0_lowered:
.L_overlay_start_1:
0x0: {  	(tag) =	ssettag $0x1  }
0x1: {  	s0 =	rddreg [dreg:$0x0];
	s3 =	simm.s32 $0x0;
	s25 =	srdreg.scid  }
0x2: {  	s6 =	stileid.u32;
	s15 =	simm.s32 $0x3;
	s18 =	simm.s32 $0x1580  }
0x3: {  	s19 =	simm.s32 $0x80;
	s7 =	simm.s32 $0xB180;
	s14 =	simm.s32 $0x1F80  }
0x4: {  	s20 =	simm.s32 $0x2000;
	s21 =	simm.s32 $0xC180;
	s22 =	simm.s32 $0x2080  }
0x5: {  	s23 =	simm.s32 $0x11AC0;
	s24 =	simm.s32 $0x2100;
	s29 =	simm.s32 $0xC980  }
0x6: {  	[smem:$0x7FF] =	sst s3;
	s4 =	sadd.s32 $0x5A00, s0;
	s5 =	sadd.s32 $0xCEA800, s0  }
0x7: {  	s1 =	sadd.s32 $0x5400, s0;
	s2 =	sadd.s32 $0x5200, s0;
	s8 =	sadd.s32 $0x10E2200, s0  }
0x8: {  	s28 =	simm.s32 $0x2;
	s10 =	sadd.s32 $0xCEE800, s0;
	s11 =	sadd.s32 $0xF78800, s0  }
0x9: {  	_ =	strace $0x8000004A;
	[dreg:$0x4] =	wrdreg s1;
	s1 =	sand.u32 $0x1, s25  }
0xa: {  	s12 =	sadd.s32 $0xFB8800, s0;
	s31 =	sshll.u32 s6, $0x8;
	s26 =	ssub.s32 $0x2, s1  }
0xb: {  	s6 =	simm.s32 $0x1F00;
	[dreg:$0x5] =	wrdreg s2;
	s30 =	sshrl.u32 s26, $0x1  }
0xc: {  	s2 =	simm.s32 $0xB980;
	s1 =	sshll.u32 s1, $0x7;
	s0 =	ssub.s32 s26, s30  }
0xd: {  	s25 =	simm.s32 $0x122C0;
	s13 =	sor.u32 s1, s31;
	s0 =	smax.u32 s0, $0x1  }
0xe: {  	s1 =	simm.s32 $0x0;
	s26 =	simm.s32 $0x1;
	[dreg:$0x6] =	wrdreg s0  }
.LBB2_1:
0xf: {  	[dreg:$0x7] =	wrdreg s1  }
0x10: {  	s0 =	rddreg [dreg:$0x1]  }
0x11: {  	[tilespmem:s3], [sflag:$0x3] =	stream.linear.gather [hbm4b:s0+s3], $0xA80, $0x38;
	[tilespmem:$0x12AC0] =	vst v63  }
0x12: {  	_ =	swait.ge [sflag:s15], $0xA80  }
0x13: {  	[sflag:s15] =	ssyncset.done $0x0  }
0x14: {  	s16 =	simm.s32 $0xA80;
	s9 =	rddreg [dreg:$0x4];
	[sflag:s15] =	ssyncadd.s32 $0xFFFFF580  }
0x15: {  	[tilespmem:s16], [sflag:$0x3] =	stream.linear.gather [hbm4b:s9+s3], $0xA80, $0x38;
	[tilespmem:$0x12AC0] =	vst v63  }
0x16: {  	_ =	swait.ge [sflag:s15], $0xA80  }
0x17: {  	[sflag:s15] =	ssyncset.done $0x0  }
0x18: {  	s31 =	simm.s32 $0x1500;
	s17 =	rddreg [dreg:$0x5];
	[sflag:s15] =	ssyncadd.s32 $0xFFFFF580  }
0x19: {  	[tilespmem:s31], [sflag:$0x3] =	stream.linear.gather [hbm4b:s17+s3], $0x80, $0x38;
	[tilespmem:$0x12AC0] =	vst v63  }
0x1a: {  	_ =	swait.ge [sflag:s15], $0x80  }
0x1b: {  	[sflag:s15] =	ssyncset.done $0x0  }
0x1c: {  	s30 =	simm.s32 $0x0;
	[sflag:s15] =	ssyncadd.s32 $0xFFFFFF80  }
.LBB2_2:
0x1d: {  	s0 =	sshll.u32 s30, $0x2  }
0x1e: {  	s31 =	sadd.s32 s13, s0  }
0x1f: {  	s0 =	sshll.u32 s31, $0x2  }
0x20: {  	s1 =	simm.s32 $0x0;
	s0 =	sadd.s32 s5, s0  }
0x21: {  	[tilespmem:s18], [sflag:$0x3] =	stream.linear.gather [hbm4b:s0+s1], $0x80, $0x38;
	[tilespmem:$0x12AC0] =	vst v63  }
0x22: {  	_ =	swait.ge [sflag:s15], $0x80  }
0x23: {  	[sflag:s15] =	ssyncset.done $0x0  }
0x24: {  	[sflag:s15] =	ssyncadd.s32 $0xFFFFFF80  }
0x25: {  	v0 =	vld [tilespmem:$0x1580]  }
0x26: {  	v1 =	vld [tilespmem:$0x1500]  }
0x27: {  	v2 =	vld [tilespmem:$0x1590]  }
0x28: {  	v3 =	vld [tilespmem:$0x1510]  }
0x29: {  	v4 =	vld [tilespmem:$0x15A0]  }
0x2a: {  	v5 =	vld [tilespmem:$0x1520]  }
0x2b: {  	v6 =	vld [tilespmem:$0x1530];
	v0 =	vadd.s32 v0, v1  }
0x2c: {  	v1 =	vld [tilespmem:$0x15B0];
	[tilespmem:$0x2080] =	vst v0;
	v0 =	vshra.s32 v0, $0x4  }
0x2d: {  	[tilespmem:$0x2100] =	vst v0;
	v0 =	vadd.s32 v2, v3;
	v2 =	vld [tilespmem:$0x15C0]  }
0x2e: {  	v3 =	vld [tilespmem:$0x1540];
	[tilespmem:$0x2090] =	vst v0;
	v0 =	vshra.s32 v0, $0x4  }
0x2f: {  	v61 =	vld [tilespmem:$0x15D0];
	[tilespmem:$0x2110] =	vst v0;
	v0 =	vadd.s32 v4, v5  }
0x30: {  	v62 =	vld [tilespmem:$0x1550];
	[tilespmem:$0x20A0] =	vst v0;
	v0 =	vshra.s32 v0, $0x4  }
0x31: {  	v63 =	vld [tilespmem:$0x1560];
	[tilespmem:$0x2120] =	vst v0;
	v0 =	vadd.s32 v1, v6  }
0x32: {  	v1 =	vld [tilespmem:$0x15E0];
	[tilespmem:$0x20B0] =	vst v0;
	v0 =	vshra.s32 v0, $0x4  }
0x33: {  	[tilespmem:$0x2130] =	vst v0;
	v0 =	vadd.s32 v2, v3;
	v2 =	vld [tilespmem:$0x15F0]  }
0x34: {  	v3 =	vld [tilespmem:$0x1570];
	[tilespmem:$0x20C0] =	vst v0;
	v0 =	vshra.s32 v0, $0x4  }
0x35: {  	[tilespmem:$0x2140] =	vst v0;
	v0 =	vadd.s32 v61, v62  }
0x36: {  	[tilespmem:$0x20D0] =	vst v0;
	v0 =	vshra.s32 v0, $0x4  }
0x37: {  	[tilespmem:$0x2150] =	vst v0;
	v0 =	vadd.s32 v1, v63  }
0x38: {  	[tilespmem:$0x20E0] =	vst v0;
	v0 =	vshra.s32 v0, $0x4  }
0x39: {  	[tilespmem:$0x2160] =	vst v0;
	v0 =	vadd.s32 v2, v3  }
0x3a: {  	[tilespmem:$0x20F0] =	vst v0;
	v0 =	vshra.s32 v0, $0x4  }
0x3b: {  	s0 =	simm.s32 $0x0;
	[tilespmem:$0x2170] =	vst v0  }
0x3c: {  	v1 =	vld [tilespmem:s0+$0x0];
	_ =	sdelay $0x6  }
0x3d: {  	v0 =	vld [tilespmem:s0+$0xA80]  }
0x3e: {  	s9 =	simm.s32 $0x10;
	s1 =	simm.s32 $0x80;
	v1 =	vld.idx.msk [tilespmem:v1+s18+$0x0], $0xffff  }
.LBB2_3:
0x3f: {  	p0 =	sne.s32 s1, $0x29C0;
	v2 =	vld [tilespmem:s9+$0x0];
	_ =	sdelay $0x3  }
.Ltmp0:
0x40: {  	(pc) =	sbr.rel @p0 .LBB2_3-.Ltmp0, $4  }
0x41: {  	v0 =	vadd.s32 v1, v0  }
0x42: {  	[tilespmem:s0+$0x1600] =	vst v0;
	s0 =	smov.u32 s9  }
0x43: {  	v0 =	vld [tilespmem:s0+$0xA80]  }
0x44: {  	s9 =	sshra.s32 s1, $0x2;
	s1 =	sadd.s32 $0x40, s1;
	v1 =	vld.idx.msk [tilespmem:v2+s18+$0x0], $0xffff  }
0x45: {  	v2 =	vld [tilespmem:s9+$0x0];
	_ =	sdelay $0x4  }
0x46: {  	v0 =	vadd.s32 v1, v0  }
0x47: {  	[tilespmem:s0+$0x1600] =	vst v0  }
0x48: {  	v0 =	vld [tilespmem:s9+$0xA80]  }
0x49: {  	v1 =	vld.idx.msk [tilespmem:v2+s18+$0x0], $0xffff;
	_ =	sdelay $0x4  }
0x4a: {  	v0 =	vadd.s32 v1, v0  }
0x4b: {  	s17 =	simm.s32 $0x1600;
	s1 =	simm.s32 $0x2180;
	[tilespmem:s9+$0x1600] =	vst v0  }
0x4c: {  	[tilespmem:s1], [sflag:$0x1] =	stream.indirect.gather [hbm4b:s4+s19], $0x10, s17, s19, $0xb8;
	[tilespmem:$0x12AC0] =	vst v63  }
0x4d: {  	s9 =	simm.s32 $0x2980;
	s1 =	simm.s32 $0x1680  }
0x4e: {  	[tilespmem:s9], [sflag:$0x1] =	stream.indirect.gather [hbm4b:s4+s19], $0x10, s1, s19, $0xb8;
	[tilespmem:$0x12AC0] =	vst v63  }
0x4f: {  	s16 =	simm.s32 $0x1700;
	s17 =	simm.s32 $0x3180  }
0x50: {  	[tilespmem:s17], [sflag:$0x1] =	stream.indirect.gather [hbm4b:s4+s19], $0x10, s16, s19, $0xb8;
	[tilespmem:$0x12AC0] =	vst v63  }
0x51: {  	s1 =	simm.s32 $0x1780;
	s9 =	simm.s32 $0x3980  }
0x52: {  	[tilespmem:s9], [sflag:$0x1] =	stream.indirect.gather [hbm4b:s4+s19], $0x10, s1, s19, $0xb8;
	[tilespmem:$0x12AC0] =	vst v63  }
0x53: {  	s16 =	simm.s32 $0x1800;
	s17 =	simm.s32 $0x4180  }
0x54: {  	[tilespmem:s17], [sflag:$0x1] =	stream.indirect.gather [hbm4b:s4+s19], $0x10, s16, s19, $0xb8;
	[tilespmem:$0x12AC0] =	vst v63  }
0x55: {  	s1 =	simm.s32 $0x1880;
	s9 =	simm.s32 $0x4980  }
0x56: {  	[tilespmem:s9], [sflag:$0x1] =	stream.indirect.gather [hbm4b:s4+s19], $0x10, s1, s19, $0xb8;
	[tilespmem:$0x12AC0] =	vst v63  }
0x57: {  	s16 =	simm.s32 $0x1900;
	s17 =	simm.s32 $0x5180  }
0x58: {  	[tilespmem:s17], [sflag:$0x1] =	stream.indirect.gather [hbm4b:s4+s19], $0x10, s16, s19, $0xb8;
	[tilespmem:$0x12AC0] =	vst v63  }
0x59: {  	s1 =	simm.s32 $0x1980;
	s9 =	simm.s32 $0x5980  }
0x5a: {  	[tilespmem:s9], [sflag:$0x1] =	stream.indirect.gather [hbm4b:s4+s19], $0x10, s1, s19, $0xb8;
	[tilespmem:$0x12AC0] =	vst v63  }
0x5b: {  	s16 =	simm.s32 $0x1A00;
	s17 =	simm.s32 $0x6180  }
0x5c: {  	[tilespmem:s17], [sflag:$0x1] =	stream.indirect.gather [hbm4b:s4+s19], $0x10, s16, s19, $0xb8;
	[tilespmem:$0x12AC0] =	vst v63  }
0x5d: {  	s1 =	simm.s32 $0x1A80;
	s9 =	simm.s32 $0x6980  }
0x5e: {  	[tilespmem:s9], [sflag:$0x1] =	stream.indirect.gather [hbm4b:s4+s19], $0x10, s1, s19, $0xb8;
	[tilespmem:$0x12AC0] =	vst v63  }
0x5f: {  	s16 =	simm.s32 $0x1B00;
	s17 =	simm.s32 $0x7180  }
0x60: {  	[tilespmem:s17], [sflag:$0x1] =	stream.indirect.gather [hbm4b:s4+s19], $0x10, s16, s19, $0xb8;
	[tilespmem:$0x12AC0] =	vst v63  }
0x61: {  	s1 =	simm.s32 $0x1B80;
	s9 =	simm.s32 $0x7980  }
0x62: {  	[tilespmem:s9], [sflag:$0x1] =	stream.indirect.gather [hbm4b:s4+s19], $0x10, s1, s19, $0xb8;
	[tilespmem:$0x12AC0] =	vst v63  }
0x63: {  	s16 =	simm.s32 $0x1C00;
	s17 =	simm.s32 $0x8180  }
0x64: {  	[tilespmem:s17], [sflag:$0x1] =	stream.indirect.gather [hbm4b:s4+s19], $0x10, s16, s19, $0xb8;
	[tilespmem:$0x12AC0] =	vst v63  }
0x65: {  	s1 =	simm.s32 $0x1C80;
	s9 =	simm.s32 $0x8980  }
0x66: {  	[tilespmem:s9], [sflag:$0x1] =	stream.indirect.gather [hbm4b:s4+s19], $0x10, s1, s19, $0xb8;
	[tilespmem:$0x12AC0] =	vst v63  }
0x67: {  	s16 =	simm.s32 $0x1D00;
	s17 =	simm.s32 $0x9180  }
0x68: {  	[tilespmem:s17], [sflag:$0x1] =	stream.indirect.gather [hbm4b:s4+s19], $0x10, s16, s19, $0xb8;
	[tilespmem:$0x12AC0] =	vst v63  }
0x69: {  	s1 =	simm.s32 $0x1D80;
	s9 =	simm.s32 $0x9980  }
0x6a: {  	[tilespmem:s9], [sflag:$0x1] =	stream.indirect.gather [hbm4b:s4+s19], $0x10, s1, s19, $0xb8;
	[tilespmem:$0x12AC0] =	vst v63  }
0x6b: {  	s16 =	simm.s32 $0x1E00;
	s17 =	simm.s32 $0xA180  }
0x6c: {  	[tilespmem:s17], [sflag:$0x1] =	stream.indirect.gather [hbm4b:s4+s19], $0x10, s16, s19, $0xb8;
	[tilespmem:$0x12AC0] =	vst v63  }
0x6d: {  	s9 =	simm.s32 $0x1E80;
	s16 =	simm.s32 $0xA980  }
0x6e: {  	[tilespmem:s16], [sflag:$0x1] =	stream.indirect.gather [hbm4b:s4+s19], $0x10, s9, s19, $0xb8;
	[tilespmem:$0x12AC0] =	vst v63  }
0x6f: {  	_ = 	snop  }
0x70: {  	[tilespmem:s7], [sflag:$0x1] =	stream.indirect.gather [hbm4b:s4+s19], $0x10, s6, s19, $0xb8;
	[tilespmem:$0x12AC0] =	vst v63  }
0x71: {  	_ = 	snop  }
0x72: {  	[tilespmem:s2], [sflag:$0x1] =	stream.indirect.gather [hbm4b:s4+s19], $0x10, s14, s19, $0xb8;
	[tilespmem:$0x12AC0] =	vst v63  }
0x73: {  	_ = 	snop  }
0x74: {  	[tilespmem:s21], [sflag:$0x1] =	stream.indirect.gather [hbm4b:s4+s19], $0x10, s20, s19, $0xb8;
	[tilespmem:$0x12AC0] =	vst v63  }
0x75: {  	_ = 	snop  }
0x76: {  	[tilespmem:s23], [sflag:$0x2] =	stream.indirect.gather [hbm4b:s8+s19], $0x10, s22, s19, $0xb8;
	[tilespmem:$0x12AC0] =	vst v63  }
0x77: {  	s17 =	rddreg [dreg:$0x2]  }
0x78: {  	[tilespmem:s25], [sflag:$0x2] =	stream.indirect.gather [hbm4b:s17+s19], $0x10, s24, s19, $0xb8;
	[tilespmem:$0x12AC0] =	vst v63  }
0x79: {  	_ =	swait.ge [sflag:s26], $0x800  }
0x7a: {  	[sflag:s26] =	ssyncset.done $0x0  }
0x7b: {  	[sflag:s26] =	ssyncadd.s32 $0xFFFFF800  }
0x7c: {  	_ =	swait.ge [sflag:s26], $0x800  }
0x7d: {  	[sflag:s26] =	ssyncset.done $0x0  }
0x7e: {  	[sflag:s26] =	ssyncadd.s32 $0xFFFFF800  }
0x7f: {  	_ =	swait.ge [sflag:s26], $0x800  }
0x80: {  	[sflag:s26] =	ssyncset.done $0x0  }
0x81: {  	[sflag:s26] =	ssyncadd.s32 $0xFFFFF800  }
0x82: {  	_ =	swait.ge [sflag:s26], $0x800  }
0x83: {  	[sflag:s26] =	ssyncset.done $0x0  }
0x84: {  	[sflag:s26] =	ssyncadd.s32 $0xFFFFF800  }
0x85: {  	_ =	swait.ge [sflag:s26], $0x800  }
0x86: {  	[sflag:s26] =	ssyncset.done $0x0  }
0x87: {  	[sflag:s26] =	ssyncadd.s32 $0xFFFFF800  }
0x88: {  	_ =	swait.ge [sflag:s26], $0x800  }
0x89: {  	[sflag:s26] =	ssyncset.done $0x0  }
0x8a: {  	[sflag:s26] =	ssyncadd.s32 $0xFFFFF800  }
0x8b: {  	_ =	swait.ge [sflag:s26], $0x800  }
0x8c: {  	[sflag:s26] =	ssyncset.done $0x0  }
0x8d: {  	[sflag:s26] =	ssyncadd.s32 $0xFFFFF800  }
0x8e: {  	_ =	swait.ge [sflag:s26], $0x800  }
0x8f: {  	[sflag:s26] =	ssyncset.done $0x0  }
0x90: {  	[sflag:s26] =	ssyncadd.s32 $0xFFFFF800  }
0x91: {  	_ =	swait.ge [sflag:s26], $0x800  }
0x92: {  	[sflag:s26] =	ssyncset.done $0x0  }
0x93: {  	[sflag:s26] =	ssyncadd.s32 $0xFFFFF800  }
0x94: {  	_ =	swait.ge [sflag:s26], $0x800  }
0x95: {  	[sflag:s26] =	ssyncset.done $0x0  }
0x96: {  	[sflag:s26] =	ssyncadd.s32 $0xFFFFF800  }
0x97: {  	_ =	swait.ge [sflag:s26], $0x800  }
0x98: {  	[sflag:s26] =	ssyncset.done $0x0  }
0x99: {  	[sflag:s26] =	ssyncadd.s32 $0xFFFFF800  }
0x9a: {  	_ =	swait.ge [sflag:s26], $0x800  }
0x9b: {  	[sflag:s26] =	ssyncset.done $0x0  }
0x9c: {  	[sflag:s26] =	ssyncadd.s32 $0xFFFFF800  }
0x9d: {  	_ =	swait.ge [sflag:s26], $0x800  }
0x9e: {  	[sflag:s26] =	ssyncset.done $0x0  }
0x9f: {  	[sflag:s26] =	ssyncadd.s32 $0xFFFFF800  }
0xa0: {  	_ =	swait.ge [sflag:s26], $0x800  }
0xa1: {  	[sflag:s26] =	ssyncset.done $0x0  }
0xa2: {  	[sflag:s26] =	ssyncadd.s32 $0xFFFFF800  }
0xa3: {  	_ =	swait.ge [sflag:s26], $0x800  }
0xa4: {  	[sflag:s26] =	ssyncset.done $0x0  }
0xa5: {  	[sflag:s26] =	ssyncadd.s32 $0xFFFFF800  }
0xa6: {  	_ =	swait.ge [sflag:s26], $0x800  }
0xa7: {  	[sflag:s26] =	ssyncset.done $0x0  }
0xa8: {  	[sflag:s26] =	ssyncadd.s32 $0xFFFFF800  }
0xa9: {  	_ =	swait.ge [sflag:s26], $0x800  }
0xaa: {  	[sflag:s26] =	ssyncset.done $0x0  }
0xab: {  	[sflag:s26] =	ssyncadd.s32 $0xFFFFF800  }
0xac: {  	_ =	swait.ge [sflag:s26], $0x800  }
0xad: {  	[sflag:s26] =	ssyncset.done $0x0  }
0xae: {  	[sflag:s26] =	ssyncadd.s32 $0xFFFFF800  }
0xaf: {  	_ =	swait.ge [sflag:s26], $0x800  }
0xb0: {  	[sflag:s26] =	ssyncset.done $0x0  }
0xb1: {  	[sflag:s26] =	ssyncadd.s32 $0xFFFFF800  }
0xb2: {  	_ =	swait.ge [sflag:s26], $0x800  }
0xb3: {  	[sflag:s26] =	ssyncset.done $0x0  }
0xb4: {  	[sflag:s26] =	ssyncadd.s32 $0xFFFFF800  }
0xb5: {  	_ =	swait.ge [sflag:s26], $0x800  }
0xb6: {  	[sflag:s26] =	ssyncset.done $0x0  }
0xb7: {  	[sflag:s26] =	ssyncadd.s32 $0xFFFFF800  }
0xb8: {  	_ =	swait.ge [sflag:s28], $0x800  }
0xb9: {  	[sflag:s28] =	ssyncset.done $0x0  }
0xba: {  	[sflag:s28] =	ssyncadd.s32 $0xFFFFF800  }
0xbb: {  	_ =	swait.ge [sflag:s28], $0x800  }
0xbc: {  	[sflag:s28] =	ssyncset.done $0x0  }
0xbd: {  	s9 =	simm.s32 $0x2190;
	[sflag:s28] =	ssyncadd.s32 $0xFFFFF800  }
0xbe: {  	v0 =	vld [tilespmem:s9+$0x0]  }
0xbf: {  	s0 =	simm.s32 $0x0;
	s1 =	simm.s32 $0x0;
	s16 =	simm.s32 $0x40;
	v1 =	vld [tilespmem:s9+$0xFFFFFFF0]  }
.LBB2_5:
0xc0: {  	p0 =	sne.s32 s16, $0x5100;
	_ =	sdelay $0x3  }
.Ltmp1:
0xc1: {  	v0 =	vmul.f32 v0, v1;
	(pc) =	sbr.rel @p0 .LBB2_5-.Ltmp1, $4  }
0xc2: {  	s17 =	sshra.s32 s1, $0x2;
	s1 =	smov.u32 s16  }
0xc3: {  	s9 =	sadd.s32 $0x20, s9;
	[tilespmem:s17+$0xC980] =	vst v0  }
0xc4: {  	v0 =	vld [tilespmem:s9+$0x0]  }
0xc5: {  	s16 =	sadd.s32 $0x40, s16;
	v1 =	vld [tilespmem:s9+$0xFFFFFFF0]  }
0xc6: {  	_ =	sdelay $0x3  }
0xc7: {  	v0 =	vmul.f32 v0, v1  }
0xc8: {  	s1 =	sshra.s32 s1, $0x2  }
0xc9: {  	s9 =	simm.s32 $0x4B90;
	[tilespmem:s1+$0xC980] =	vst v0  }
0xca: {  	v0 =	vld [tilespmem:s9+$0x0]  }
0xcb: {  	s1 =	simm.s32 $0x40;
	v1 =	vld [tilespmem:s9+$0xFFFFFFF0]  }
.LBB2_7:
0xcc: {  	p0 =	sne.s32 s1, $0x5100;
	_ =	sdelay $0x3  }
.Ltmp2:
0xcd: {  	v0 =	vmul.f32 v0, v1;
	(pc) =	sbr.rel @p0 .LBB2_7-.Ltmp2, $4  }
0xce: {  	s16 =	sshra.s32 s0, $0x2;
	s0 =	smov.u32 s1  }
0xcf: {  	s9 =	sadd.s32 $0x20, s9;
	[tilespmem:s16+$0xDDD0] =	vst v0  }
0xd0: {  	v0 =	vld [tilespmem:s9+$0x0]  }
0xd1: {  	s1 =	sadd.s32 $0x40, s1;
	v1 =	vld [tilespmem:s9+$0xFFFFFFF0]  }
0xd2: {  	_ =	sdelay $0x3  }
0xd3: {  	v0 =	vmul.f32 v0, v1  }
0xd4: {  	s0 =	sshra.s32 s0, $0x2  }
0xd5: {  	s9 =	simm.s32 $0x7590;
	[tilespmem:s0+$0xDDD0] =	vst v0  }
0xd6: {  	v0 =	vld [tilespmem:s9+$0x0]  }
0xd7: {  	s16 =	simm.s32 $0x40;
	s1 =	simm.s32 $0x0;
	s0 =	simm.s32 $0x0;
	v1 =	vld [tilespmem:s9+$0xFFFFFFF0]  }
.LBB2_9:
0xd8: {  	p0 =	sne.s32 s16, $0x5100;
	_ =	sdelay $0x3  }
.Ltmp3:
0xd9: {  	v0 =	vmul.f32 v0, v1;
	(pc) =	sbr.rel @p0 .LBB2_9-.Ltmp3, $4  }
0xda: {  	s17 =	sshra.s32 s1, $0x2;
	s1 =	smov.u32 s16  }
0xdb: {  	s9 =	sadd.s32 $0x20, s9;
	[tilespmem:s17+$0xF220] =	vst v0  }
0xdc: {  	v0 =	vld [tilespmem:s9+$0x0]  }
0xdd: {  	s16 =	sadd.s32 $0x40, s16;
	v1 =	vld [tilespmem:s9+$0xFFFFFFF0]  }
0xde: {  	_ =	sdelay $0x3  }
0xdf: {  	v0 =	vmul.f32 v0, v1  }
0xe0: {  	s1 =	sshra.s32 s1, $0x2  }
0xe1: {  	s9 =	simm.s32 $0x9F90;
	[tilespmem:s1+$0xF220] =	vst v0  }
0xe2: {  	v0 =	vld [tilespmem:s9+$0x0]  }
0xe3: {  	s1 =	simm.s32 $0x40;
	v1 =	vld [tilespmem:s9+$0xFFFFFFF0]  }
.LBB2_11:
0xe4: {  	p0 =	sne.s32 s1, $0x5100;
	_ =	sdelay $0x3  }
.Ltmp4:
0xe5: {  	v0 =	vmul.f32 v0, v1;
	(pc) =	sbr.rel @p0 .LBB2_11-.Ltmp4, $4  }
0xe6: {  	s16 =	sshra.s32 s0, $0x2;
	s0 =	smov.u32 s1  }
0xe7: {  	s9 =	sadd.s32 $0x20, s9;
	[tilespmem:s16+$0x10670] =	vst v0  }
0xe8: {  	v0 =	vld [tilespmem:s9+$0x0]  }
0xe9: {  	s1 =	sadd.s32 $0x40, s1;
	v1 =	vld [tilespmem:s9+$0xFFFFFFF0]  }
0xea: {  	_ =	sdelay $0x3  }
0xeb: {  	s1 =	smul.u32 $0x28A, s31;
	v0 =	vmul.f32 v0, v1  }
0xec: {  	s0 =	sshra.s32 s0, $0x2  }
0xed: {  	s16 =	sadd.s32 s10, s1;
	[tilespmem:s0+$0x10670] =	vst v0  }
0xee: {  	[hbm4b:s16+s3] =	stream.linear.scatter [tilespmem:s29], [sflag:$0x3], $0x5140, $0x38;
	[tilespmem:$0x12AC0] =	vst v63  }
0xef: {  	_ =	swait.ge [sflag:s15], $0x5140  }
0xf0: {  	s17 =	sshll.u32 s31, $0x6;
	[sflag:s15] =	ssyncset.done $0x0  }
0xf1: {  	s31 =	sadd.s32 s11, s17;
	[sflag:s15] =	ssyncadd.s32 $0xFFFFAEC0  }
0xf2: {  	[hbm4b:s31+s3] =	stream.linear.scatter [tilespmem:s23], [sflag:$0x3], $0x800, $0x38;
	[tilespmem:$0x12AC0] =	vst v63  }
0xf3: {  	s30 =	sadd.s32 $0x1, s30;
	_ =	swait.ge [sflag:s15], $0x800  }
0xf4: {  	p0 =	sne.s32 s30, $0x20;
	[sflag:s15] =	ssyncset.done $0x0  }
.Ltmp5:
0xf5: {  	s0 =	sadd.s32 s12, s17;
	[sflag:s15] =	ssyncadd.s32 $0xFFFFF800;
	(pc) =	sbr.rel @p0 .LBB2_2-.Ltmp5, $4  }
0xf6: {  	[hbm4b:s0+s3] =	stream.linear.scatter [tilespmem:s25], [sflag:$0x3], $0x800, $0x38;
	[tilespmem:$0x12AC0] =	vst v63  }
0xf7: {  	_ =	swait.ge [sflag:s15], $0x800  }
0xf8: {  	[sflag:s15] =	ssyncset.done $0x0  }
0xf9: {  	[sflag:s15] =	ssyncadd.s32 $0xFFFFF800  }
0xfa: {  	s1 =	rddreg [dreg:$0x7]  }
0xfb: {  	s0 =	rddreg [dreg:$0x6];
	s1 =	sadd.s32 $0x1, s1  }
0xfc: {  	p0 =	sne.s32 s1, s0  }
.Ltmp6:
0xfd: {  	_ = 	snop;
	(pc) =	sbr.rel @p0 .LBB2_1-.Ltmp6, $1  }
0xfe: {  	_ =	sdelay $0x3  }
0xff: {  	_ =	sfence.sel $0x180000  }
0x100: {  	[bflag:$0x0] =	sbarrier.arrive $0xFFFF  }
0x101: {  	_ =	strace $0x9000004A  }
0x102: {  	s0 =	stileid.u32;
	[bflag:$0x2] =	sbarrier.arrive $0xFFFF  }
0x103: {  	p0 =	sne.s32 s0, $0x0;
	s0 =	rddreg [dreg:$0x3]  }
0x104: {  	s0 =	sadd.s32 @!p0 $0x100000, s0  }
0x105: {  	[sflag:s0] =	ssyncadd.tile.s32 @!p0 $0x1;
	_ =	shalt  }
.Lfunc_end2:
_tile_overlayer_lowered:
.L_overlay_start_2:
0x106: {  	(tag) =	ssettag $0x2  }
0x107: {  	s0 =	rddreg [dreg:$0x0];
	s2 =	stileid.u32  }
0x108: {  	s1 =	rddreg [dreg:$0x1];
	p0 =	sne.s32 s2, $0x0  }
0x109: {  	s3 =	rddreg [dreg:$0x2];
	[bflag:$0x3] =	sbarrier.arrive $0xFFFF;
	s2 =	simm.s32 @!p0 $0x1C03  }
0x10a: {  	[timem:s3], [sflag:s2] =	dma.local @!p0 [hbm:s0], s1  }
0x10b: {  	s0 =	simm.s32 @!p0 $0x3  }
0x10c: {  	_ =	swait.ge @!p0 [sflag:s0], s1  }
0x10d: {  	s1 =	ssub.s32 @!p0 $0x0, s1;
	[sflag:s0] =	ssyncset.done @!p0 $0x0  }
0x10e: {  	[sflag:s0] =	ssyncadd.s32 @!p0 s1  }
0x10f: {  	[bflag:$0x3] =	sbarrier.arrive $0xFFFF  }
0x110: {  	_ =	shalt  }

</sc_bundles>
